<compile_context>
chip_gen: v7x
topology: tpu7x:2x2x1
jax: 0.10.2.dev20260603
libtpu: 0.0.44.dev20260713+nightly
codegen_flags: <defaults>
</compile_context>

<pallas_src>
import jax
import jax.numpy as jnp
from jax import lax
from jax.experimental import pallas as pl
from jax.experimental.pallas import tpu as pltpu
from jax.experimental.pallas import tpu_sc as plsc

N = 10000
E = 320000
D = 128

NC = 2
NS = 16
L = 16

CW = 125
NCH = E // CW
NCHT = NCH // (NC * NS)
IB = 16
ZCH = 80
NZ = N // ZCH
CL = 128


def _zero_rows(ref, nrows, width=D):
    zero16 = jnp.zeros((L,), jnp.float32)

    def row(i, carry):
        for l in range(width // L):
            ref[i, pl.ds(l * L, L)] = zero16
        return carry

    lax.fori_loop(0, nrows, row, 0)


def _round_robin_copy(sid, body_fn, nz=NZ, zch=ZCH):
    def step(j, carry):
        m = j * NS + sid

        @pl.when(m < nz)
        def _():
            body_fn(m * zch)
        return carry

    lax.fori_loop(0, (nz + NS - 1) // NS, step, 0)


def _make_seg_sum():
    mesh = plsc.VectorSubcoreMesh(
        core_axis_name="c", subcore_axis_name="s", num_cores=NC,
        num_subcores=NS)

    def body(table_hbm, src_hbm, dst_hbm, out_hbm,
             src_v, dst_v, rows_v, zrow_v, acc_sh,
             semg0, semg1, sems0, sems1):
        cid = lax.axis_index("c")
        sid = lax.axis_index("s")
        wid = sid * NC + cid

        _zero_rows(zrow_v, ZCH)
        _round_robin_copy(
            sid, lambda r0: pltpu.sync_copy(zrow_v, acc_sh.at[pl.ds(r0, ZCH)]))
        plsc.subcore_barrier()

        semg = (semg0, semg1)
        sems = (sems0, sems1)

        def start_gather(j, b):
            pltpu.async_copy(table_hbm.at[src_v.at[j]], rows_v.at[b], semg[b])

        def wait_gather(b):
            pltpu.make_async_copy(
                table_hbm.at[src_v.at[0]], rows_v.at[b], semg[b]).wait()

        def start_scatter(j, b):
            pltpu.async_copy(rows_v.at[b], acc_sh.at[dst_v.at[j]], sems[b],
                             add=True)

        def wait_scatter(b):
            pltpu.make_async_copy(
                rows_v.at[b], acc_sh.at[dst_v.at[0]], sems[b]).wait()

        def block(bi, carry):
            c0 = wid * NCHT + bi * IB
            pltpu.sync_copy(src_hbm.at[pl.ds(c0, IB)], src_v)
            pltpu.sync_copy(dst_hbm.at[pl.ds(c0, IB)], dst_v)

            start_gather(0, 0)

            def pair(jj, c):
                for b in range(2):
                    j = jj * 2 + b
                    wait_gather(b)
                    start_scatter(j, b)

                    @pl.when(j >= 1)
                    def _():
                        wait_scatter(1 - b)

                    @pl.when(j + 1 < IB)
                    def _():
                        start_gather(j + 1, 1 - b)
                return c

            lax.fori_loop(0, IB // 2, pair, 0)
            wait_scatter(1)
            return carry

        lax.fori_loop(0, NCHT // IB, block, 0)
        plsc.subcore_barrier()

        _round_robin_copy(
            sid, lambda r0: pltpu.sync_copy(acc_sh.at[pl.ds(r0, ZCH)],
                                            out_hbm.at[cid, pl.ds(r0, ZCH)]))

    return pl.kernel(
        body,
        out_type=(jax.ShapeDtypeStruct((NC, N, D), jnp.float32),),
        mesh=mesh,
        scratch_types=(
            pltpu.VMEM((IB, CW), jnp.int32),
            pltpu.VMEM((IB, CW), jnp.int32),
            pltpu.VMEM((2, CW, D), jnp.float32),
            pltpu.VMEM((ZCH, D), jnp.float32),
            pltpu.VMEM_SHARED((N, D), jnp.float32),
            pltpu.SemaphoreType.DMA,
            pltpu.SemaphoreType.DMA,
            pltpu.SemaphoreType.DMA,
            pltpu.SemaphoreType.DMA,
        ))


def _make_count():
    mesh = plsc.VectorSubcoreMesh(
        core_axis_name="c", subcore_axis_name="s", num_cores=NC,
        num_subcores=NS)

    def body(dst_hbm, out_hbm, dst_v, ones_v, zcnt_v, cnt_sh, sem0, sem1):
        cid = lax.axis_index("c")
        sid = lax.axis_index("s")
        wid = sid * NC + cid

        pltpu.sync_copy(dst_hbm.at[pl.ds(wid * NCHT, NCHT)], dst_v)

        one16 = jnp.full((L,), 1.0, jnp.float32)

        def fill_row(i, carry):
            for l in range(CL // L):
                @pl.when(i < ZCH)
                def _():
                    zcnt_v[i, pl.ds(l * L, L)] = jnp.zeros((L,), jnp.float32)
                ones_v[i, pl.ds(l * L, L)] = one16
            return carry

        lax.fori_loop(0, CW, fill_row, 0)
        _round_robin_copy(
            sid, lambda r0: pltpu.sync_copy(zcnt_v, cnt_sh.at[pl.ds(r0, ZCH)]))
        plsc.subcore_barrier()

        sems = (sem0, sem1)

        def pair(jj, carry):
            for b in range(2):
                j = jj * 2 + b

                @pl.when(j >= 2)
                def _():
                    pltpu.make_async_copy(
                        ones_v, cnt_sh.at[dst_v.at[0]], sems[b]).wait()

                pltpu.async_copy(ones_v, cnt_sh.at[dst_v.at[j]], sems[b],
                                 add=True)
            return carry

        lax.fori_loop(0, NCHT // 2, pair, 0)
        for b in range(2):
            pltpu.make_async_copy(
                ones_v, cnt_sh.at[dst_v.at[0]], sems[b]).wait()
        plsc.subcore_barrier()

        _round_robin_copy(
            sid, lambda r0: pltpu.sync_copy(cnt_sh.at[pl.ds(r0, ZCH)],
                                            out_hbm.at[cid, pl.ds(r0, ZCH)]))

    return pl.kernel(
        body,
        out_type=(jax.ShapeDtypeStruct((NC, N, CL), jnp.float32),),
        mesh=mesh,
        scratch_types=(
            pltpu.VMEM((NCHT, CW), jnp.int32),
            pltpu.VMEM((CW, CL), jnp.float32),
            pltpu.VMEM((ZCH, CL), jnp.float32),
            pltpu.VMEM_SHARED((N, CL), jnp.float32),
            pltpu.SemaphoreType.DMA,
            pltpu.SemaphoreType.DMA,
        ))


_seg_sum = _make_seg_sum()
_count = _make_count()


_RB = 1000


def _tc_pre_body(x_ref, w_ref, o_ref):
    o_ref[...] = lax.dot_general(
        x_ref[...], w_ref[...], (((1,), (1,)), ((), ())),
        preferred_element_type=jnp.float32,
        precision=lax.Precision.HIGHEST)


def _tc1_body(s_ref, c_ref, hr_ref, w1l_ref, b1_ref, w2l_ref, h_ref, p_ref):
    s = s_ref[0] + s_ref[1]
    cnt = c_ref[0][:, 0:1] + c_ref[1][:, 0:1]
    agg = s / jnp.maximum(cnt, 1.0)
    hp = lax.dot_general(agg, w1l_ref[...], (((1,), (1,)), ((), ())),
                         preferred_element_type=jnp.float32,
                         precision=lax.Precision.HIGHEST)
    h = jnp.maximum(hp + b1_ref[...] + hr_ref[...], 0.0)
    h_ref[...] = h
    p_ref[...] = lax.dot_general(h, w2l_ref[...], (((1,), (1,)), ((), ())),
                                 preferred_element_type=jnp.float32,
                                 precision=lax.Precision.HIGHEST)


def _tc_hr2_body(h_ref, w2r_ref, b2_ref, o_ref):
    o_ref[...] = b2_ref[...] + lax.dot_general(
        h_ref[...], w2r_ref[...], (((1,), (1,)), ((), ())),
        preferred_element_type=jnp.float32,
        precision=lax.Precision.HIGHEST)


def _tc2_body(s_ref, c_ref, hr2_ref, o_ref):
    s = s_ref[0] + s_ref[1]
    cnt = c_ref[0][:, 0:1] + c_ref[1][:, 0:1]
    agg = s / jnp.maximum(cnt, 1.0)
    o_ref[...] = agg + hr2_ref[...]


def kernel(x, edge_index, W1l, b1, W1r, W2l, b2, W2r):
    H = W1l.shape[0]
    O = W2l.shape[0]
    src = edge_index[0].reshape(NCH, CW)
    dst = edge_index[1].reshape(NCH, CW)

    grid = (N // _RB,)

    hr1 = pl.pallas_call(
        _tc_pre_body,
        grid=grid,
        in_specs=[
            pl.BlockSpec((_RB, D), lambda i: (i, 0)),
            pl.BlockSpec((H, D), lambda i: (0, 0)),
        ],
        out_specs=pl.BlockSpec((_RB, H), lambda i: (i, 0)),
        out_shape=jax.ShapeDtypeStruct((N, H), jnp.float32),
    )(x, W1r)

    (cnt,) = _count(dst)
    (s1,) = _seg_sum(x, src, dst)

    h, p = pl.pallas_call(
        _tc1_body,
        grid=grid,
        in_specs=[
            pl.BlockSpec((NC, _RB, D), lambda i: (0, i, 0)),
            pl.BlockSpec((NC, _RB, CL), lambda i: (0, i, 0)),
            pl.BlockSpec((_RB, H), lambda i: (i, 0)),
            pl.BlockSpec((H, D), lambda i: (0, 0)),
            pl.BlockSpec((1, H), lambda i: (0, 0)),
            pl.BlockSpec((O, H), lambda i: (0, 0)),
        ],
        out_specs=[
            pl.BlockSpec((_RB, H), lambda i: (i, 0)),
            pl.BlockSpec((_RB, O), lambda i: (i, 0)),
        ],
        out_shape=[
            jax.ShapeDtypeStruct((N, H), jnp.float32),
            jax.ShapeDtypeStruct((N, O), jnp.float32),
        ],
    )(s1, cnt, hr1, W1l, b1.reshape(1, H), W2l)

    (s2,) = _seg_sum(p, src, dst)

    hr2 = pl.pallas_call(
        _tc_hr2_body,
        grid=grid,
        in_specs=[
            pl.BlockSpec((_RB, H), lambda i: (i, 0)),
            pl.BlockSpec((O, H), lambda i: (0, 0)),
            pl.BlockSpec((1, O), lambda i: (0, 0)),
        ],
        out_specs=pl.BlockSpec((_RB, O), lambda i: (i, 0)),
        out_shape=jax.ShapeDtypeStruct((N, O), jnp.float32),
    )(h, W2r, b2.reshape(1, O))

    out = pl.pallas_call(
        _tc2_body,
        grid=grid,
        in_specs=[
            pl.BlockSpec((NC, _RB, O), lambda i: (0, i, 0)),
            pl.BlockSpec((NC, _RB, CL), lambda i: (0, i, 0)),
            pl.BlockSpec((_RB, O), lambda i: (i, 0)),
        ],
        out_specs=pl.BlockSpec((_RB, O), lambda i: (i, 0)),
        out_shape=jax.ShapeDtypeStruct((N, O), jnp.float32),
    )(s2, cnt, hr2)
    return out

# --- scband reference (transcript-rebuilt; emitter-appended) ---
"""Pipeline reference for scband-graph-sage-89635967467602 (READ-ONLY COPY).

The authoritative reference and input builder live on the scoring server;
editing this copy changes nothing except your own understanding.
"""

import jax, jax.numpy as jnp
import numpy as np

N = 10000
E = 320000
D = 128
H = 256  # 2 * out_channels
O = 128


def setup_inputs(seed: int = 0) -> dict:
    key = jax.random.key(seed)
    ks = jax.random.split(key, 9)
    x = jax.random.normal(ks[0], (N, D), dtype=jnp.float32)
    edge_index = jax.random.randint(ks[1], (2, E), 0, N, dtype=jnp.int32)
    # SAGEConv layer 1: in=D, out=H. lin_l acts on aggregated neighbors (with bias), lin_r on root.
    s1 = 1.0 / np.sqrt(D)
    W1l = jax.random.normal(ks[2], (H, D), dtype=jnp.float32) * s1
    b1 = jnp.zeros((H,), dtype=jnp.float32)
    W1r = jax.random.normal(ks[3], (H, D), dtype=jnp.float32) * s1
    # SAGEConv layer 2: in=H, out=O
    s2 = 1.0 / np.sqrt(H)
    W2l = jax.random.normal(ks[4], (O, H), dtype=jnp.float32) * s2
    b2 = jnp.zeros((O,), dtype=jnp.float32)
    W2r = jax.random.normal(ks[5], (O, H), dtype=jnp.float32) * s2
    return {"x": x, "edge_index": edge_index, "W1l": W1l, "b1": b1, "W1r": W1r,
            "W2l": W2l, "b2": b2, "W2r": W2r}


def _sage_conv(x, edge_index, Wl, bl, Wr):
    # PyG SAGEConv with mean aggregation:
    # out = lin_l(mean_{j in N(i)} x_j) + lin_r(x_i)
    src = edge_index[0]
    dst = edge_index[1]
    msg = x[src]  # gather source node features per edge
    num_nodes = x.shape[0]
    agg = jax.ops.segment_sum(msg, dst, num_segments=num_nodes)
    cnt = jax.ops.segment_sum(jnp.ones((msg.shape[0], 1), dtype=x.dtype), dst,
                              num_segments=num_nodes)
    agg = agg / jnp.clip(cnt, 1.0, None)
    return agg @ Wl.T + bl + x @ Wr.T


def reference(x, edge_index, W1l, b1, W1r, W2l, b2, W2r):
    h = jax.nn.relu(_sage_conv(x, edge_index, W1l, b1, W1r))
    # dropout p=0.0 -> identity (eval semantics)
    out = _sage_conv(h, edge_index, W2l, b2, W2r)
    return out

if __name__ == "__main__":
    import jax
    _d = setup_inputs()
    print(jax.jit(kernel)(*tuple(_d.values())))

</pallas_src>

<mosaic_0001>
#map = affine_map<(d0, d1) -> (0, 0)>
#map1 = affine_map<(d0, d1) -> (0, 0, 0)>
module attributes {stable_mosaic.version = 14 : i64} {
  func.func @body(%arg0: i32, %arg1: i32, %arg2: memref<10000x128xf32, #tpu.memory_space<hbm>>, %arg3: memref<2560x125xi32, #tpu.memory_space<hbm>>, %arg4: memref<2560x125xi32, #tpu.memory_space<hbm>>, %arg5: memref<2x10000x128xf32, #tpu.memory_space<hbm>>, %arg6: memref<16x125xi32, #tpu.memory_space<vmem>>, %arg7: memref<16x125xi32, #tpu.memory_space<vmem>>, %arg8: memref<2x125x128xf32, #tpu.memory_space<vmem>>, %arg9: memref<80x128xf32, #tpu.memory_space<vmem>>, %arg10: memref<10000x128xf32, #tpu.memory_space<vmem_shared>>, %arg11: memref<!tpu.dma_semaphore, #tpu.memory_space<semaphore_mem>>, %arg12: memref<!tpu.dma_semaphore, #tpu.memory_space<semaphore_mem>>, %arg13: memref<!tpu.dma_semaphore, #tpu.memory_space<semaphore_mem>>, %arg14: memref<!tpu.dma_semaphore, #tpu.memory_space<semaphore_mem>>) attributes {dimension_semantics = [#tpu.dimension_semantics<core_parallel>, #tpu.dimension_semantics<subcore_parallel>], iteration_bounds = array<i64: 2, 16>, scalar_prefetch = 0 : i64, scratch_operands = 9 : i64, tpu.core_type = #tpu.core_type<sc_vector_subcore>, window_params = [{transform_indices = #map}, {transform_indices = #map}, {transform_indices = #map}, {transform_indices = #map1}]} {
    %mul3A = arith.constant 2 : i32
    %mul3A_0 = arith.muli %arg1, %mul3A : i32
    %add3A = arith.addi %mul3A_0, %arg0 : i32
    %broadcast_in_dim3A = arith.constant 0.000000e+00 : f32
    %broadcast_in_dim3A_1 = vector.broadcast %broadcast_in_dim3A : f32 to vector<16xf32>
    %scan3A = arith.constant 0 : i32
    %scan3A_2 = arith.constant 0 : i32
    %scan3A_3 = arith.constant 80 : i32
    %scan3A_4 = arith.addi %scan3A_2, %scan3A_3 : i32
    %scan3A_5 = arith.constant 1 : i32
    scf.for %scan3A_26 = %scan3A_2 to %scan3A_4 step %scan3A_5  : i32 {
      %swap3A = arith.index_cast %scan3A_26 : i32 to index
      %swap3A_27 = arith.constant 0 : index
      %swap3A_28 = tpu.vector_load %arg9[%swap3A, %swap3A_27] {strides = array<i32>} : memref<80x128xf32, #tpu.memory_space<vmem>>, vector<1x16xf32>,
      %swap3A_29 = vector.shape_cast %swap3A_28 : vector<1x16xf32> to vector<16xf32>
      %swap3A_30 = vector.shape_cast %broadcast_in_dim3A_1 : vector<16xf32> to vector<1x16xf32>
      tpu.vector_store %arg9[%swap3A, %swap3A_27], %swap3A_30 {strides = array<i32>} : memref<80x128xf32, #tpu.memory_space<vmem>>, vector<1x16xf32>,
      %swap3A_31 = arith.index_cast %scan3A_26 : i32 to index
      %swap3A_32 = arith.constant 16 : index
      %swap3A_33 = tpu.vector_load %arg9[%swap3A_31, %swap3A_32] {strides = array<i32>} : memref<80x128xf32, #tpu.memory_space<vmem>>, vector<1x16xf32>,
      %swap3A_34 = vector.shape_cast %swap3A_33 : vector<1x16xf32> to vector<16xf32>
      %swap3A_35 = vector.shape_cast %broadcast_in_dim3A_1 : vector<16xf32> to vector<1x16xf32>
      tpu.vector_store %arg9[%swap3A_31, %swap3A_32], %swap3A_35 {strides = array<i32>} : memref<80x128xf32, #tpu.memory_space<vmem>>, vector<1x16xf32>,
      %swap3A_36 = arith.index_cast %scan3A_26 : i32 to index
      %swap3A_37 = arith.constant 32 : index
      %swap3A_38 = tpu.vector_load %arg9[%swap3A_36, %swap3A_37] {strides = array<i32>} : memref<80x128xf32, #tpu.memory_space<vmem>>, vector<1x16xf32>,
      %swap3A_39 = vector.shape_cast %swap3A_38 : vector<1x16xf32> to vector<16xf32>
      %swap3A_40 = vector.shape_cast %broadcast_in_dim3A_1 : vector<16xf32> to vector<1x16xf32>
      tpu.vector_store %arg9[%swap3A_36, %swap3A_37], %swap3A_40 {strides = array<i32>} : memref<80x128xf32, #tpu.memory_space<vmem>>, vector<1x16xf32>,
      %swap3A_41 = arith.index_cast %scan3A_26 : i32 to index
      %swap3A_42 = arith.constant 48 : index
      %swap3A_43 = tpu.vector_load %arg9[%swap3A_41, %swap3A_42] {strides = array<i32>} : memref<80x128xf32, #tpu.memory_space<vmem>>, vector<1x16xf32>,
      %swap3A_44 = vector.shape_cast %swap3A_43 : vector<1x16xf32> to vector<16xf32>
      %swap3A_45 = vector.shape_cast %broadcast_in_dim3A_1 : vector<16xf32> to vector<1x16xf32>
      tpu.vector_store %arg9[%swap3A_41, %swap3A_42], %swap3A_45 {strides = array<i32>} : memref<80x128xf32, #tpu.memory_space<vmem>>, vector<1x16xf32>,
      %swap3A_46 = arith.index_cast %scan3A_26 : i32 to index
      %swap3A_47 = arith.constant 64 : index
      %swap3A_48 = tpu.vector_load %arg9[%swap3A_46, %swap3A_47] {strides = array<i32>} : memref<80x128xf32, #tpu.memory_space<vmem>>, vector<1x16xf32>,
      %swap3A_49 = vector.shape_cast %swap3A_48 : vector<1x16xf32> to vector<16xf32>
      %swap3A_50 = vector.shape_cast %broadcast_in_dim3A_1 : vector<16xf32> to vector<1x16xf32>
      tpu.vector_store %arg9[%swap3A_46, %swap3A_47], %swap3A_50 {strides = array<i32>} : memref<80x128xf32, #tpu.memory_space<vmem>>, vector<1x16xf32>,
      %swap3A_51 = arith.index_cast %scan3A_26 : i32 to index
      %swap3A_52 = arith.constant 80 : index
      %swap3A_53 = tpu.vector_load %arg9[%swap3A_51, %swap3A_52] {strides = array<i32>} : memref<80x128xf32, #tpu.memory_space<vmem>>, vector<1x16xf32>,
      %swap3A_54 = vector.shape_cast %swap3A_53 : vector<1x16xf32> to vector<16xf32>
      %swap3A_55 = vector.shape_cast %broadcast_in_dim3A_1 : vector<16xf32> to vector<1x16xf32>
      tpu.vector_store %arg9[%swap3A_51, %swap3A_52], %swap3A_55 {strides = array<i32>} : memref<80x128xf32, #tpu.memory_space<vmem>>, vector<1x16xf32>,
      %swap3A_56 = arith.index_cast %scan3A_26 : i32 to index
      %swap3A_57 = arith.constant 96 : index
      %swap3A_58 = tpu.vector_load %arg9[%swap3A_56, %swap3A_57] {strides = array<i32>} : memref<80x128xf32, #tpu.memory_space<vmem>>, vector<1x16xf32>,
      %swap3A_59 = vector.shape_cast %swap3A_58 : vector<1x16xf32> to vector<16xf32>
      %swap3A_60 = vector.shape_cast %broadcast_in_dim3A_1 : vector<16xf32> to vector<1x16xf32>
      tpu.vector_store %arg9[%swap3A_56, %swap3A_57], %swap3A_60 {strides = array<i32>} : memref<80x128xf32, #tpu.memory_space<vmem>>, vector<1x16xf32>,
      %swap3A_61 = arith.index_cast %scan3A_26 : i32 to index
      %swap3A_62 = arith.constant 112 : index
      %swap3A_63 = tpu.vector_load %arg9[%swap3A_61, %swap3A_62] {strides = array<i32>} : memref<80x128xf32, #tpu.memory_space<vmem>>, vector<1x16xf32>,
      %swap3A_64 = vector.shape_cast %swap3A_63 : vector<1x16xf32> to vector<16xf32>
      %swap3A_65 = vector.shape_cast %broadcast_in_dim3A_1 : vector<16xf32> to vector<1x16xf32>
      tpu.vector_store %arg9[%swap3A_61, %swap3A_62], %swap3A_65 {strides = array<i32>} : memref<80x128xf32, #tpu.memory_space<vmem>>, vector<1x16xf32>,
    }
    %scan3A_6 = arith.constant 80 : i32
    %scan3A_7 = arith.constant 0 : i32
    %scan3A_8 = arith.constant 0 : i32
    %scan3A_9 = arith.constant 8 : i32
    %scan3A_10 = arith.addi %scan3A_8, %scan3A_9 : i32
    %scan3A_11 = arith.constant 1 : i32
    scf.for %scan3A_26 = %scan3A_8 to %scan3A_10 step %scan3A_11  : i32 {
      %mul3A_27 = arith.constant 16 : i32
      %mul3A_28 = arith.muli %scan3A_26, %mul3A_27 : i32
      %add3A_29 = arith.addi %mul3A_28, %arg1 : i32
      %lt3A = arith.constant 125 : i32
      %lt3A_30 = arith.cmpi slt, %add3A_29, %lt3A : i32
      %convert_element_type3A = arith.extui %lt3A_30 : i1 to i32
      %cond3A = arith.constant 0 : i32
      %cond3A_31 = arith.cmpi ne, %convert_element_type3A, %cond3A : i32
      scf.if %cond3A_31 {
        %mul3A_32 = arith.constant 80 : i32
        %mul3A_33 = arith.muli %add3A_29, %mul3A_32 : i32
        "tpu.region"() ({
          %run_scoped3A = tpu.sem_alloc : memref<!tpu.dma_semaphore, #tpu.memory_space<semaphore_mem>>
          %dma_start3A = arith.constant 0 : i32
          %dma_start3A_34 = tpu.memref_slice %arg10[%mul3A_33, %dma_start3A] : memref<10000x128xf32, #tpu.memory_space<vmem_shared>> -> memref<80x128xf32, #tpu.memory_space<vmem_shared>>
          %dma_start3A_35 = arith.constant 0 : i32
          %dma_start3A_36 = tpu.memref_slice %arg10[%mul3A_33, %dma_start3A_35] : memref<10000x128xf32, #tpu.memory_space<vmem_shared>> -> memref<80x128xf32, #tpu.memory_space<vmem_shared>>
          tpu.enqueue_dma source(%arg9 : memref<80x128xf32, #tpu.memory_space<vmem>>) target(%dma_start3A_36 : memref<80x128xf32, #tpu.memory_space<vmem_shared>>) target_semaphore(%run_scoped3A : memref<!tpu.dma_semaphore, #tpu.memory_space<semaphore_mem>>)
          %dma_wait3A = arith.constant 0 : i32
          %dma_wait3A_37 = tpu.memref_slice %arg10[%mul3A_33, %dma_wait3A] : memref<10000x128xf32, #tpu.memory_space<vmem_shared>> -> memref<80x128xf32, #tpu.memory_space<vmem_shared>>
          %dma_wait3A_38 = arith.constant 0 : i32
          %dma_wait3A_39 = tpu.memref_slice %arg10[%mul3A_33, %dma_wait3A_38] : memref<10000x128xf32, #tpu.memory_space<vmem_shared>> -> memref<80x128xf32, #tpu.memory_space<vmem_shared>>
          tpu.wait_dma2 semaphore(%run_scoped3A : memref<!tpu.dma_semaphore, #tpu.memory_space<semaphore_mem>>) src(%arg9 : memref<80x128xf32, #tpu.memory_space<vmem>>) dst(%dma_wait3A_39 : memref<80x128xf32, #tpu.memory_space<vmem_shared>>)
          tpu.yield
        }) : () -> ()
      } else {
      }
    }
    %scan3A_12 = arith.constant 8 : i32
    %barrier3A = arith.constant 0 : index
    tpu.barrier barrier_id(%barrier3A)
    %scan3A_13 = arith.constant 0 : i32
    %scan3A_14 = arith.constant 0 : i32
    %scan3A_15 = arith.constant 5 : i32
    %scan3A_16 = arith.addi %scan3A_14, %scan3A_15 : i32
    %scan3A_17 = arith.constant 1 : i32
    scf.for %scan3A_26 = %scan3A_14 to %scan3A_16 step %scan3A_17  : i32 {
      %mul3A_27 = arith.constant 80 : i32
      %mul3A_28 = arith.muli %add3A, %mul3A_27 : i32
      %mul3A_29 = arith.constant 16 : i32
      %mul3A_30 = arith.muli %scan3A_26, %mul3A_29 : i32
      %add3A_31 = arith.addi %mul3A_28, %mul3A_30 : i32
      "tpu.region"() ({
        %run_scoped3A = tpu.sem_alloc : memref<!tpu.dma_semaphore, #tpu.memory_space<semaphore_mem>>
        %dma_start3A_60 = arith.constant 0 : i32
        %dma_start3A_61 = tpu.memref_slice %arg3[%add3A_31, %dma_start3A_60] : memref<2560x125xi32, #tpu.memory_space<hbm>> -> memref<16x125xi32, #tpu.memory_space<hbm>>
        %dma_start3A_62 = arith.constant 0 : i32
        %dma_start3A_63 = tpu.memref_slice %arg3[%add3A_31, %dma_start3A_62] : memref<2560x125xi32, #tpu.memory_space<hbm>> -> memref<16x125xi32, #tpu.memory_space<hbm>>
        tpu.enqueue_dma source(%dma_start3A_63 : memref<16x125xi32, #tpu.memory_space<hbm>>) target(%arg6 : memref<16x125xi32, #tpu.memory_space<vmem>>) target_semaphore(%run_scoped3A : memref<!tpu.dma_semaphore, #tpu.memory_space<semaphore_mem>>)
        %dma_wait3A_64 = arith.constant 0 : i32
        %dma_wait3A_65 = tpu.memref_slice %arg3[%add3A_31, %dma_wait3A_64] : memref<2560x125xi32, #tpu.memory_space<hbm>> -> memref<16x125xi32, #tpu.memory_space<hbm>>
        %dma_wait3A_66 = arith.constant 0 : i32
        %dma_wait3A_67 = tpu.memref_slice %arg3[%add3A_31, %dma_wait3A_66] : memref<2560x125xi32, #tpu.memory_space<hbm>> -> memref<16x125xi32, #tpu.memory_space<hbm>>
        tpu.wait_dma2 semaphore(%run_scoped3A : memref<!tpu.dma_semaphore, #tpu.memory_space<semaphore_mem>>) src(%dma_wait3A_67 : memref<16x125xi32, #tpu.memory_space<hbm>>) dst(%arg6 : memref<16x125xi32, #tpu.memory_space<vmem>>)
        tpu.yield
      }) : () -> ()
      "tpu.region"() ({
        %run_scoped3A = tpu.sem_alloc : memref<!tpu.dma_semaphore, #tpu.memory_space<semaphore_mem>>
        %dma_start3A_60 = arith.constant 0 : i32
        %dma_start3A_61 = tpu.memref_slice %arg4[%add3A_31, %dma_start3A_60] : memref<2560x125xi32, #tpu.memory_space<hbm>> -> memref<16x125xi32, #tpu.memory_space<hbm>>
        %dma_start3A_62 = arith.constant 0 : i32
        %dma_start3A_63 = tpu.memref_slice %arg4[%add3A_31, %dma_start3A_62] : memref<2560x125xi32, #tpu.memory_space<hbm>> -> memref<16x125xi32, #tpu.memory_space<hbm>>
        tpu.enqueue_dma source(%dma_start3A_63 : memref<16x125xi32, #tpu.memory_space<hbm>>) target(%arg7 : memref<16x125xi32, #tpu.memory_space<vmem>>) target_semaphore(%run_scoped3A : memref<!tpu.dma_semaphore, #tpu.memory_space<semaphore_mem>>)
        %dma_wait3A_64 = arith.constant 0 : i32
        %dma_wait3A_65 = tpu.memref_slice %arg4[%add3A_31, %dma_wait3A_64] : memref<2560x125xi32, #tpu.memory_space<hbm>> -> memref<16x125xi32, #tpu.memory_space<hbm>>
        %dma_wait3A_66 = arith.constant 0 : i32
        %dma_wait3A_67 = tpu.memref_slice %arg4[%add3A_31, %dma_wait3A_66] : memref<2560x125xi32, #tpu.memory_space<hbm>> -> memref<16x125xi32, #tpu.memory_space<hbm>>
        tpu.wait_dma2 semaphore(%run_scoped3A : memref<!tpu.dma_semaphore, #tpu.memory_space<semaphore_mem>>) src(%dma_wait3A_67 : memref<16x125xi32, #tpu.memory_space<hbm>>) dst(%arg7 : memref<16x125xi32, #tpu.memory_space<vmem>>)
        tpu.yield
      }) : () -> ()
      %dma_start3A = arith.constant 0 : i32
      %dma_start3A_32 = arith.constant 0 : i32
      %dma_start3A_33 = arith.constant 0 : i32
      %dma_start3A_34 = arith.constant 0 : i32
      %dma_start3A_35 = tpu.memref_slice %arg8[%dma_start3A_32, %dma_start3A_33, %dma_start3A_34] : memref<2x125x128xf32, #tpu.memory_space<vmem>> -> memref<1x125x128xf32, #tpu.memory_space<vmem>>
      %dma_start3A_36 = tpu.memref_squeeze %dma_start3A_35 : memref<1x125x128xf32, #tpu.memory_space<vmem>> -> memref<125x128xf32, #tpu.memory_space<vmem>>
      %dma_start3A_37 = arith.constant 0 : i32
      %dma_start3A_38 = tpu.memref_slice %arg6[%dma_start3A, %dma_start3A_37] : memref<16x125xi32, #tpu.memory_space<vmem>> -> memref<1x125xi32, #tpu.memory_space<vmem>>
      %dma_start3A_39 = tpu.memref_squeeze %dma_start3A_38 : memref<1x125xi32, #tpu.memory_space<vmem>> -> memref<125xi32, #tpu.memory_space<vmem>>
      %dma_start3A_40 = arith.constant 0 : i32
      %dma_start3A_41 = arith.constant 0 : i32
      %dma_start3A_42 = tpu.memref_slice %arg2[%dma_start3A_40, %dma_start3A_41] : memref<10000x128xf32, #tpu.memory_space<hbm>> -> memref<10000x128xf32, #tpu.memory_space<hbm>>
      tpu.enqueue_indirect_dma source(%dma_start3A_42 : memref<10000x128xf32, #tpu.memory_space<hbm>>) target(%dma_start3A_36 : memref<125x128xf32, #tpu.memory_space<vmem>>) offsets(%dma_start3A_39 : memref<125xi32, #tpu.memory_space<vmem>>) semaphore(%arg11 : memref<!tpu.dma_semaphore, #tpu.memory_space<semaphore_mem>>)
      %scan3A_43 = arith.constant 0 : i32
      %scan3A_44 = arith.constant 0 : i32
      %scan3A_45 = arith.constant 8 : i32
      %scan3A_46 = arith.addi %scan3A_44, %scan3A_45 : i32
      %scan3A_47 = arith.constant 1 : i32
      scf.for %scan3A_60 = %scan3A_44 to %scan3A_46 step %scan3A_47  : i32 {
        %mul3A_61 = arith.constant 2 : i32
        %mul3A_62 = arith.muli %scan3A_60, %mul3A_61 : i32
        %add3A_63 = arith.constant 0 : i32
        %add3A_64 = arith.addi %mul3A_62, %add3A_63 : i32
        %dma_wait3A_65 = arith.constant 0 : i32
        %dma_wait3A_66 = arith.constant 0 : i32
        %dma_wait3A_67 = arith.constant 0 : i32
        %dma_wait3A_68 = arith.constant 0 : i32
        %dma_wait3A_69 = tpu.memref_slice %arg8[%dma_wait3A_66, %dma_wait3A_67, %dma_wait3A_68] : memref<2x125x128xf32, #tpu.memory_space<vmem>> -> memref<1x125x128xf32, #tpu.memory_space<vmem>>
        %dma_wait3A_70 = tpu.memref_squeeze %dma_wait3A_69 : memref<1x125x128xf32, #tpu.memory_space<vmem>> -> memref<125x128xf32, #tpu.memory_space<vmem>>
        %dma_wait3A_71 = arith.constant 0 : i32
        %dma_wait3A_72 = tpu.memref_slice %arg6[%dma_wait3A_65, %dma_wait3A_71] : memref<16x125xi32, #tpu.memory_space<vmem>> -> memref<1x125xi32, #tpu.memory_space<vmem>>
        %dma_wait3A_73 = tpu.memref_squeeze %dma_wait3A_72 : memref<1x125xi32, #tpu.memory_space<vmem>> -> memref<125xi32, #tpu.memory_space<vmem>>
        %dma_wait3A_74 = arith.constant 0 : i32
        %dma_wait3A_75 = arith.constant 0 : i32
        %dma_wait3A_76 = tpu.memref_slice %arg2[%dma_wait3A_74, %dma_wait3A_75] : memref<10000x128xf32, #tpu.memory_space<hbm>> -> memref<10000x128xf32, #tpu.memory_space<hbm>>
        tpu.wait_indirect_dma semaphore(%arg11 : memref<!tpu.dma_semaphore, #tpu.memory_space<semaphore_mem>>) src(%dma_wait3A_76 : memref<10000x128xf32, #tpu.memory_space<hbm>>) dst(%dma_wait3A_70 : memref<125x128xf32, #tpu.memory_space<vmem>>)
        %dma_start3A_77 = arith.constant 0 : i32
        %dma_start3A_78 = arith.constant 0 : i32
        %dma_start3A_79 = arith.constant 0 : i32
        %dma_start3A_80 = tpu.memref_slice %arg8[%dma_start3A_77, %dma_start3A_78, %dma_start3A_79] : memref<2x125x128xf32, #tpu.memory_space<vmem>> -> memref<1x125x128xf32, #tpu.memory_space<vmem>>
        %dma_start3A_81 = tpu.memref_squeeze %dma_start3A_80 : memref<1x125x128xf32, #tpu.memory_space<vmem>> -> memref<125x128xf32, #tpu.memory_space<vmem>>
        %dma_start3A_82 = arith.constant 0 : i32
        %dma_start3A_83 = tpu.memref_slice %arg7[%add3A_64, %dma_start3A_82] : memref<16x125xi32, #tpu.memory_space<vmem>> -> memref<1x125xi32, #tpu.memory_space<vmem>>
        %dma_start3A_84 = tpu.memref_squeeze %dma_start3A_83 : memref<1x125xi32, #tpu.memory_space<vmem>> -> memref<125xi32, #tpu.memory_space<vmem>>
        %dma_start3A_85 = arith.constant 0 : i32
        %dma_start3A_86 = arith.constant 0 : i32
        %dma_start3A_87 = tpu.memref_slice %arg10[%dma_start3A_85, %dma_start3A_86] : memref<10000x128xf32, #tpu.memory_space<vmem_shared>> -> memref<10000x128xf32, #tpu.memory_space<vmem_shared>>
        tpu.enqueue_indirect_dma source(%dma_start3A_81 : memref<125x128xf32, #tpu.memory_space<vmem>>) target(%dma_start3A_87 : memref<10000x128xf32, #tpu.memory_space<vmem_shared>>) offsets(%dma_start3A_84 : memref<125xi32, #tpu.memory_space<vmem>>) semaphore(%arg13 : memref<!tpu.dma_semaphore, #tpu.memory_space<semaphore_mem>>) {add = true}
        %ge3A = arith.constant 1 : i32
        %ge3A_88 = arith.cmpi sge, %add3A_64, %ge3A : i32
        %convert_element_type3A = arith.extui %ge3A_88 : i1 to i32
        %cond3A = arith.constant 0 : i32
        %cond3A_89 = arith.cmpi ne, %convert_element_type3A, %cond3A : i32
        scf.if %cond3A_89 {
          %dma_wait3A_135 = arith.constant 1 : i32
          %dma_wait3A_136 = arith.constant 0 : i32
          %dma_wait3A_137 = arith.constant 0 : i32
          %dma_wait3A_138 = arith.constant 0 : i32
          %dma_wait3A_139 = tpu.memref_slice %arg8[%dma_wait3A_135, %dma_wait3A_137, %dma_wait3A_138] : memref<2x125x128xf32, #tpu.memory_space<vmem>> -> memref<1x125x128xf32, #tpu.memory_space<vmem>>
          %dma_wait3A_140 = tpu.memref_squeeze %dma_wait3A_139 : memref<1x125x128xf32, #tpu.memory_space<vmem>> -> memref<125x128xf32, #tpu.memory_space<vmem>>
          %dma_wait3A_141 = arith.constant 0 : i32
          %dma_wait3A_142 = tpu.memref_slice %arg7[%dma_wait3A_136, %dma_wait3A_141] : memref<16x125xi32, #tpu.memory_space<vmem>> -> memref<1x125xi32, #tpu.memory_space<vmem>>
          %dma_wait3A_143 = tpu.memref_squeeze %dma_wait3A_142 : memref<1x125xi32, #tpu.memory_space<vmem>> -> memref<125xi32, #tpu.memory_space<vmem>>
          %dma_wait3A_144 = arith.constant 0 : i32
          %dma_wait3A_145 = arith.constant 0 : i32
          %dma_wait3A_146 = tpu.memref_slice %arg10[%dma_wait3A_144, %dma_wait3A_145] : memref<10000x128xf32, #tpu.memory_space<vmem_shared>> -> memref<10000x128xf32, #tpu.memory_space<vmem_shared>>
          tpu.wait_indirect_dma semaphore(%arg14 : memref<!tpu.dma_semaphore, #tpu.memory_space<semaphore_mem>>) src(%dma_wait3A_140 : memref<125x128xf32, #tpu.memory_space<vmem>>) dst(%dma_wait3A_146 : memref<10000x128xf32, #tpu.memory_space<vmem_shared>>)
        } else {
        }
        %add3A_90 = arith.constant 1 : i32
        %add3A_91 = arith.addi %add3A_64, %add3A_90 : i32
        %lt3A = arith.constant 16 : i32
        %lt3A_92 = arith.cmpi slt, %add3A_91, %lt3A : i32
        %convert_element_type3A_93 = arith.extui %lt3A_92 : i1 to i32
        %cond3A_94 = arith.constant 0 : i32
        %cond3A_95 = arith.cmpi ne, %convert_element_type3A_93, %cond3A_94 : i32
        scf.if %cond3A_95 {
          %add3A_135 = arith.constant 1 : i32
          %add3A_136 = arith.addi %add3A_64, %add3A_135 : i32
          %dma_start3A_137 = arith.constant 1 : i32
          %dma_start3A_138 = arith.constant 0 : i32
          %dma_start3A_139 = arith.constant 0 : i32
          %dma_start3A_140 = tpu.memref_slice %arg8[%dma_start3A_137, %dma_start3A_138, %dma_start3A_139] : memref<2x125x128xf32, #tpu.memory_space<vmem>> -> memref<1x125x128xf32, #tpu.memory_space<vmem>>
          %dma_start3A_141 = tpu.memref_squeeze %dma_start3A_140 : memref<1x125x128xf32, #tpu.memory_space<vmem>> -> memref<125x128xf32, #tpu.memory_space<vmem>>
          %dma_start3A_142 = arith.constant 0 : i32
          %dma_start3A_143 = tpu.memref_slice %arg6[%add3A_136, %dma_start3A_142] : memref<16x125xi32, #tpu.memory_space<vmem>> -> memref<1x125xi32, #tpu.memory_space<vmem>>
          %dma_start3A_144 = tpu.memref_squeeze %dma_start3A_143 : memref<1x125xi32, #tpu.memory_space<vmem>> -> memref<125xi32, #tpu.memory_space<vmem>>
          %dma_start3A_145 = arith.constant 0 : i32
          %dma_start3A_146 = arith.constant 0 : i32
          %dma_start3A_147 = tpu.memref_slice %arg2[%dma_start3A_145, %dma_start3A_146] : memref<10000x128xf32, #tpu.memory_space<hbm>> -> memref<10000x128xf32, #tpu.memory_space<hbm>>
          tpu.enqueue_indirect_dma source(%dma_start3A_147 : memref<10000x128xf32, #tpu.memory_space<hbm>>) target(%dma_start3A_141 : memref<125x128xf32, #tpu.memory_space<vmem>>) offsets(%dma_start3A_144 : memref<125xi32, #tpu.memory_space<vmem>>) semaphore(%arg12 : memref<!tpu.dma_semaphore, #tpu.memory_space<semaphore_mem>>)
        } else {
        }
        %mul3A_96 = arith.constant 2 : i32
        %mul3A_97 = arith.muli %scan3A_60, %mul3A_96 : i32
        %add3A_98 = arith.constant 1 : i32
        %add3A_99 = arith.addi %mul3A_97, %add3A_98 : i32
        %dma_wait3A_100 = arith.constant 0 : i32
        %dma_wait3A_101 = arith.constant 1 : i32
        %dma_wait3A_102 = arith.constant 0 : i32
        %dma_wait3A_103 = arith.constant 0 : i32
        %dma_wait3A_104 = tpu.memref_slice %arg8[%dma_wait3A_101, %dma_wait3A_102, %dma_wait3A_103] : memref<2x125x128xf32, #tpu.memory_space<vmem>> -> memref<1x125x128xf32, #tpu.memory_space<vmem>>
        %dma_wait3A_105 = tpu.memref_squeeze %dma_wait3A_104 : memref<1x125x128xf32, #tpu.memory_space<vmem>> -> memref<125x128xf32, #tpu.memory_space<vmem>>
        %dma_wait3A_106 = arith.constant 0 : i32
        %dma_wait3A_107 = tpu.memref_slice %arg6[%dma_wait3A_100, %dma_wait3A_106] : memref<16x125xi32, #tpu.memory_space<vmem>> -> memref<1x125xi32, #tpu.memory_space<vmem>>
        %dma_wait3A_108 = tpu.memref_squeeze %dma_wait3A_107 : memref<1x125xi32, #tpu.memory_space<vmem>> -> memref<125xi32, #tpu.memory_space<vmem>>
        %dma_wait3A_109 = arith.constant 0 : i32
        %dma_wait3A_110 = arith.constant 0 : i32
        %dma_wait3A_111 = tpu.memref_slice %arg2[%dma_wait3A_109, %dma_wait3A_110] : memref<10000x128xf32, #tpu.memory_space<hbm>> -> memref<10000x128xf32, #tpu.memory_space<hbm>>
        tpu.wait_indirect_dma semaphore(%arg12 : memref<!tpu.dma_semaphore, #tpu.memory_space<semaphore_mem>>) src(%dma_wait3A_111 : memref<10000x128xf32, #tpu.memory_space<hbm>>) dst(%dma_wait3A_105 : memref<125x128xf32, #tpu.memory_space<vmem>>)
        %dma_start3A_112 = arith.constant 1 : i32
        %dma_start3A_113 = arith.constant 0 : i32
        %dma_start3A_114 = arith.constant 0 : i32
        %dma_start3A_115 = tpu.memref_slice %arg8[%dma_start3A_112, %dma_start3A_113, %dma_start3A_114] : memref<2x125x128xf32, #tpu.memory_space<vmem>> -> memref<1x125x128xf32, #tpu.memory_space<vmem>>
        %dma_start3A_116 = tpu.memref_squeeze %dma_start3A_115 : memref<1x125x128xf32, #tpu.memory_space<vmem>> -> memref<125x128xf32, #tpu.memory_space<vmem>>
        %dma_start3A_117 = arith.constant 0 : i32
        %dma_start3A_118 = tpu.memref_slice %arg7[%add3A_99, %dma_start3A_117] : memref<16x125xi32, #tpu.memory_space<vmem>> -> memref<1x125xi32, #tpu.memory_space<vmem>>
        %dma_start3A_119 = tpu.memref_squeeze %dma_start3A_118 : memref<1x125xi32, #tpu.memory_space<vmem>> -> memref<125xi32, #tpu.memory_space<vmem>>
        %dma_start3A_120 = arith.constant 0 : i32
        %dma_start3A_121 = arith.constant 0 : i32
        %dma_start3A_122 = tpu.memref_slice %arg10[%dma_start3A_120, %dma_start3A_121] : memref<10000x128xf32, #tpu.memory_space<vmem_shared>> -> memref<10000x128xf32, #tpu.memory_space<vmem_shared>>
        tpu.enqueue_indirect_dma source(%dma_start3A_116 : memref<125x128xf32, #tpu.memory_space<vmem>>) target(%dma_start3A_122 : memref<10000x128xf32, #tpu.memory_space<vmem_shared>>) offsets(%dma_start3A_119 : memref<125xi32, #tpu.memory_space<vmem>>) semaphore(%arg14 : memref<!tpu.dma_semaphore, #tpu.memory_space<semaphore_mem>>) {add = true}
        %ge3A_123 = arith.constant 1 : i32
        %ge3A_124 = arith.cmpi sge, %add3A_99, %ge3A_123 : i32
        %convert_element_type3A_125 = arith.extui %ge3A_124 : i1 to i32
        %cond3A_126 = arith.constant 0 : i32
        %cond3A_127 = arith.cmpi ne, %convert_element_type3A_125, %cond3A_126 : i32
        scf.if %cond3A_127 {
          %dma_wait3A_135 = arith.constant 0 : i32
          %dma_wait3A_136 = arith.constant 0 : i32
          %dma_wait3A_137 = arith.constant 0 : i32
          %dma_wait3A_138 = arith.constant 0 : i32
          %dma_wait3A_139 = tpu.memref_slice %arg8[%dma_wait3A_135, %dma_wait3A_137, %dma_wait3A_138] : memref<2x125x128xf32, #tpu.memory_space<vmem>> -> memref<1x125x128xf32, #tpu.memory_space<vmem>>
          %dma_wait3A_140 = tpu.memref_squeeze %dma_wait3A_139 : memref<1x125x128xf32, #tpu.memory_space<vmem>> -> memref<125x128xf32, #tpu.memory_space<vmem>>
          %dma_wait3A_141 = arith.constant 0 : i32
          %dma_wait3A_142 = tpu.memref_slice %arg7[%dma_wait3A_136, %dma_wait3A_141] : memref<16x125xi32, #tpu.memory_space<vmem>> -> memref<1x125xi32, #tpu.memory_space<vmem>>
          %dma_wait3A_143 = tpu.memref_squeeze %dma_wait3A_142 : memref<1x125xi32, #tpu.memory_space<vmem>> -> memref<125xi32, #tpu.memory_space<vmem>>
          %dma_wait3A_144 = arith.constant 0 : i32
          %dma_wait3A_145 = arith.constant 0 : i32
          %dma_wait3A_146 = tpu.memref_slice %arg10[%dma_wait3A_144, %dma_wait3A_145] : memref<10000x128xf32, #tpu.memory_space<vmem_shared>> -> memref<10000x128xf32, #tpu.memory_space<vmem_shared>>
          tpu.wait_indirect_dma semaphore(%arg13 : memref<!tpu.dma_semaphore, #tpu.memory_space<semaphore_mem>>) src(%dma_wait3A_140 : memref<125x128xf32, #tpu.memory_space<vmem>>) dst(%dma_wait3A_146 : memref<10000x128xf32, #tpu.memory_space<vmem_shared>>)
        } else {
        }
        %add3A_128 = arith.constant 1 : i32
        %add3A_129 = arith.addi %add3A_99, %add3A_128 : i32
        %lt3A_130 = arith.constant 16 : i32
        %lt3A_131 = arith.cmpi slt, %add3A_129, %lt3A_130 : i32
        %convert_element_type3A_132 = arith.extui %lt3A_131 : i1 to i32
        %cond3A_133 = arith.constant 0 : i32
        %cond3A_134 = arith.cmpi ne, %convert_element_type3A_132, %cond3A_133 : i32
        scf.if %cond3A_134 {
          %add3A_135 = arith.constant 1 : i32
          %add3A_136 = arith.addi %add3A_99, %add3A_135 : i32
          %dma_start3A_137 = arith.constant 0 : i32
          %dma_start3A_138 = arith.constant 0 : i32
          %dma_start3A_139 = arith.constant 0 : i32
          %dma_start3A_140 = tpu.memref_slice %arg8[%dma_start3A_137, %dma_start3A_138, %dma_start3A_139] : memref<2x125x128xf32, #tpu.memory_space<vmem>> -> memref<1x125x128xf32, #tpu.memory_space<vmem>>
          %dma_start3A_141 = tpu.memref_squeeze %dma_start3A_140 : memref<1x125x128xf32, #tpu.memory_space<vmem>> -> memref<125x128xf32, #tpu.memory_space<vmem>>
          %dma_start3A_142 = arith.constant 0 : i32
          %dma_start3A_143 = tpu.memref_slice %arg6[%add3A_136, %dma_start3A_142] : memref<16x125xi32, #tpu.memory_space<vmem>> -> memref<1x125xi32, #tpu.memory_space<vmem>>
          %dma_start3A_144 = tpu.memref_squeeze %dma_start3A_143 : memref<1x125xi32, #tpu.memory_space<vmem>> -> memref<125xi32, #tpu.memory_space<vmem>>
          %dma_start3A_145 = arith.constant 0 : i32
          %dma_start3A_146 = arith.constant 0 : i32
          %dma_start3A_147 = tpu.memref_slice %arg2[%dma_start3A_145, %dma_start3A_146] : memref<10000x128xf32, #tpu.memory_space<hbm>> -> memref<10000x128xf32, #tpu.memory_space<hbm>>
          tpu.enqueue_indirect_dma source(%dma_start3A_147 : memref<10000x128xf32, #tpu.memory_space<hbm>>) target(%dma_start3A_141 : memref<125x128xf32, #tpu.memory_space<vmem>>) offsets(%dma_start3A_144 : memref<125xi32, #tpu.memory_space<vmem>>) semaphore(%arg11 : memref<!tpu.dma_semaphore, #tpu.memory_space<semaphore_mem>>)
        } else {
        }
      }
      %scan3A_48 = arith.constant 8 : i32
      %dma_wait3A = arith.constant 1 : i32
      %dma_wait3A_49 = arith.constant 0 : i32
      %dma_wait3A_50 = arith.constant 0 : i32
      %dma_wait3A_51 = arith.constant 0 : i32
      %dma_wait3A_52 = tpu.memref_slice %arg8[%dma_wait3A, %dma_wait3A_50, %dma_wait3A_51] : memref<2x125x128xf32, #tpu.memory_space<vmem>> -> memref<1x125x128xf32, #tpu.memory_space<vmem>>
      %dma_wait3A_53 = tpu.memref_squeeze %dma_wait3A_52 : memref<1x125x128xf32, #tpu.memory_space<vmem>> -> memref<125x128xf32, #tpu.memory_space<vmem>>
      %dma_wait3A_54 = arith.constant 0 : i32
      %dma_wait3A_55 = tpu.memref_slice %arg7[%dma_wait3A_49, %dma_wait3A_54] : memref<16x125xi32, #tpu.memory_space<vmem>> -> memref<1x125xi32, #tpu.memory_space<vmem>>
      %dma_wait3A_56 = tpu.memref_squeeze %dma_wait3A_55 : memref<1x125xi32, #tpu.memory_space<vmem>> -> memref<125xi32, #tpu.memory_space<vmem>>
      %dma_wait3A_57 = arith.constant 0 : i32
      %dma_wait3A_58 = arith.constant 0 : i32
      %dma_wait3A_59 = tpu.memref_slice %arg10[%dma_wait3A_57, %dma_wait3A_58] : memref<10000x128xf32, #tpu.memory_space<vmem_shared>> -> memref<10000x128xf32, #tpu.memory_space<vmem_shared>>
      tpu.wait_indirect_dma semaphore(%arg14 : memref<!tpu.dma_semaphore, #tpu.memory_space<semaphore_mem>>) src(%dma_wait3A_53 : memref<125x128xf32, #tpu.memory_space<vmem>>) dst(%dma_wait3A_59 : memref<10000x128xf32, #tpu.memory_space<vmem_shared>>)
    }
    %scan3A_18 = arith.constant 5 : i32
    %barrier3A_19 = arith.constant 0 : index
    tpu.barrier barrier_id(%barrier3A_19)
    %scan3A_20 = arith.constant 0 : i32
    %scan3A_21 = arith.constant 0 : i32
    %scan3A_22 = arith.constant 8 : i32
    %scan3A_23 = arith.addi %scan3A_21, %scan3A_22 : i32
    %scan3A_24 = arith.constant 1 : i32
    scf.for %scan3A_26 = %scan3A_21 to %scan3A_23 step %scan3A_24  : i32 {
      %mul3A_27 = arith.constant 16 : i32
      %mul3A_28 = arith.muli %scan3A_26, %mul3A_27 : i32
      %add3A_29 = arith.addi %mul3A_28, %arg1 : i32
      %lt3A = arith.constant 125 : i32
      %lt3A_30 = arith.cmpi slt, %add3A_29, %lt3A : i32
      %convert_element_type3A = arith.extui %lt3A_30 : i1 to i32
      %cond3A = arith.constant 0 : i32
      %cond3A_31 = arith.cmpi ne, %convert_element_type3A, %cond3A : i32
      scf.if %cond3A_31 {
        %mul3A_32 = arith.constant 80 : i32
        %mul3A_33 = arith.muli %add3A_29, %mul3A_32 : i32
        "tpu.region"() ({
          %run_scoped3A = tpu.sem_alloc : memref<!tpu.dma_semaphore, #tpu.memory_space<semaphore_mem>>
          %dma_start3A = arith.constant 0 : i32
          %dma_start3A_34 = tpu.memref_slice %arg5[%arg0, %mul3A_33, %dma_start3A] : memref<2x10000x128xf32, #tpu.memory_space<hbm>> -> memref<1x80x128xf32, #tpu.memory_space<hbm>>
          %dma_start3A_35 = tpu.memref_squeeze %dma_start3A_34 : memref<1x80x128xf32, #tpu.memory_space<hbm>> -> memref<80x128xf32, #tpu.memory_space<hbm>>
          %dma_start3A_36 = arith.constant 0 : i32
          %dma_start3A_37 = tpu.memref_slice %arg10[%mul3A_33, %dma_start3A_36] : memref<10000x128xf32, #tpu.memory_space<vmem_shared>> -> memref<80x128xf32, #tpu.memory_space<vmem_shared>>
          tpu.enqueue_dma source(%dma_start3A_37 : memref<80x128xf32, #tpu.memory_space<vmem_shared>>) target(%dma_start3A_35 : memref<80x128xf32, #tpu.memory_space<hbm>>) target_semaphore(%run_scoped3A : memref<!tpu.dma_semaphore, #tpu.memory_space<semaphore_mem>>)
          %dma_wait3A = arith.constant 0 : i32
          %dma_wait3A_38 = tpu.memref_slice %arg5[%arg0, %mul3A_33, %dma_wait3A] : memref<2x10000x128xf32, #tpu.memory_space<hbm>> -> memref<1x80x128xf32, #tpu.memory_space<hbm>>
          %dma_wait3A_39 = tpu.memref_squeeze %dma_wait3A_38 : memref<1x80x128xf32, #tpu.memory_space<hbm>> -> memref<80x128xf32, #tpu.memory_space<hbm>>
          %dma_wait3A_40 = arith.constant 0 : i32
          %dma_wait3A_41 = tpu.memref_slice %arg10[%mul3A_33, %dma_wait3A_40] : memref<10000x128xf32, #tpu.memory_space<vmem_shared>> -> memref<80x128xf32, #tpu.memory_space<vmem_shared>>
          tpu.wait_dma2 semaphore(%run_scoped3A : memref<!tpu.dma_semaphore, #tpu.memory_space<semaphore_mem>>) src(%dma_wait3A_41 : memref<80x128xf32, #tpu.memory_space<vmem_shared>>) dst(%dma_wait3A_39 : memref<80x128xf32, #tpu.memory_space<hbm>>)
          tpu.yield
        }) : () -> ()
      } else {
      }
    }
    %scan3A_25 = arith.constant 8 : i32
    return
  }
}

#map = affine_map<(d0, d1) -> (0, 0)>
#map1 = affine_map<(d0, d1) -> (0, 0, 0)>
module attributes {stable_mosaic.version = 14 : i64} {
  func.func @body(%arg0: i32, %arg1: i32, %arg2: memref<2560x125xi32, #tpu.memory_space<hbm>>, %arg3: memref<2x10000x128xf32, #tpu.memory_space<hbm>>, %arg4: memref<80x125xi32, #tpu.memory_space<vmem>>, %arg5: memref<125x128xf32, #tpu.memory_space<vmem>>, %arg6: memref<80x128xf32, #tpu.memory_space<vmem>>, %arg7: memref<10000x128xf32, #tpu.memory_space<vmem_shared>>, %arg8: memref<!tpu.dma_semaphore, #tpu.memory_space<semaphore_mem>>, %arg9: memref<!tpu.dma_semaphore, #tpu.memory_space<semaphore_mem>>) attributes {dimension_semantics = [#tpu.dimension_semantics<core_parallel>, #tpu.dimension_semantics<subcore_parallel>], iteration_bounds = array<i64: 2, 16>, scalar_prefetch = 0 : i64, scratch_operands = 6 : i64, tpu.core_type = #tpu.core_type<sc_vector_subcore>, window_params = [{transform_indices = #map}, {transform_indices = #map1}]} {
    %mul3A = arith.constant 2 : i32
    %mul3A_0 = arith.muli %arg1, %mul3A : i32
    %add3A = arith.addi %mul3A_0, %arg0 : i32
    %mul3A_1 = arith.constant 80 : i32
    %mul3A_2 = arith.muli %add3A, %mul3A_1 : i32
    "tpu.region"() ({
      %run_scoped3A = tpu.sem_alloc : memref<!tpu.dma_semaphore, #tpu.memory_space<semaphore_mem>>
      %dma_start3A = arith.constant 0 : i32
      %dma_start3A_41 = tpu.memref_slice %arg2[%mul3A_2, %dma_start3A] : memref<2560x125xi32, #tpu.memory_space<hbm>> -> memref<80x125xi32, #tpu.memory_space<hbm>>
      %dma_start3A_42 = arith.constant 0 : i32
      %dma_start3A_43 = tpu.memref_slice %arg2[%mul3A_2, %dma_start3A_42] : memref<2560x125xi32, #tpu.memory_space<hbm>> -> memref<80x125xi32, #tpu.memory_space<hbm>>
      tpu.enqueue_dma source(%dma_start3A_43 : memref<80x125xi32, #tpu.memory_space<hbm>>) target(%arg4 : memref<80x125xi32, #tpu.memory_space<vmem>>) target_semaphore(%run_scoped3A : memref<!tpu.dma_semaphore, #tpu.memory_space<semaphore_mem>>)
      %dma_wait3A_44 = arith.constant 0 : i32
      %dma_wait3A_45 = tpu.memref_slice %arg2[%mul3A_2, %dma_wait3A_44] : memref<2560x125xi32, #tpu.memory_space<hbm>> -> memref<80x125xi32, #tpu.memory_space<hbm>>
      %dma_wait3A_46 = arith.constant 0 : i32
      %dma_wait3A_47 = tpu.memref_slice %arg2[%mul3A_2, %dma_wait3A_46] : memref<2560x125xi32, #tpu.memory_space<hbm>> -> memref<80x125xi32, #tpu.memory_space<hbm>>
      tpu.wait_dma2 semaphore(%run_scoped3A : memref<!tpu.dma_semaphore, #tpu.memory_space<semaphore_mem>>) src(%dma_wait3A_47 : memref<80x125xi32, #tpu.memory_space<hbm>>) dst(%arg4 : memref<80x125xi32, #tpu.memory_space<vmem>>)
      tpu.yield
    }) : () -> ()
    %broadcast_in_dim3A = arith.constant 1.000000e+00 : f32
    %broadcast_in_dim3A_3 = vector.broadcast %broadcast_in_dim3A : f32 to vector<16xf32>
    %scan3A = arith.constant 0 : i32
    %scan3A_4 = arith.constant 0 : i32
    %scan3A_5 = arith.constant 125 : i32
    %scan3A_6 = arith.addi %scan3A_4, %scan3A_5 : i32
    %scan3A_7 = arith.constant 1 : i32
    scf.for %scan3A_41 = %scan3A_4 to %scan3A_6 step %scan3A_7  : i32 {
      %lt3A = arith.constant 80 : i32
      %lt3A_42 = arith.cmpi slt, %scan3A_41, %lt3A : i32
      %convert_element_type3A = arith.extui %lt3A_42 : i1 to i32
      %cond3A = arith.constant 0 : i32
      %cond3A_43 = arith.cmpi ne, %convert_element_type3A, %cond3A : i32
      scf.if %cond3A_43 {
        %broadcast_in_dim3A_118 = arith.constant 0.000000e+00 : f32
        %broadcast_in_dim3A_119 = vector.broadcast %broadcast_in_dim3A_118 : f32 to vector<16xf32>
        %swap3A_120 = arith.index_cast %scan3A_41 : i32 to index
        %swap3A_121 = arith.constant 0 : index
        %swap3A_122 = tpu.vector_load %arg6[%swap3A_120, %swap3A_121] {strides = array<i32>} : memref<80x128xf32, #tpu.memory_space<vmem>>, vector<1x16xf32>,
        %swap3A_123 = vector.shape_cast %swap3A_122 : vector<1x16xf32> to vector<16xf32>
        %swap3A_124 = vector.shape_cast %broadcast_in_dim3A_119 : vector<16xf32> to vector<1x16xf32>
        tpu.vector_store %arg6[%swap3A_120, %swap3A_121], %swap3A_124 {strides = array<i32>} : memref<80x128xf32, #tpu.memory_space<vmem>>, vector<1x16xf32>,
      } else {
      }
      %swap3A = arith.index_cast %scan3A_41 : i32 to index
      %swap3A_44 = arith.constant 0 : index
      %swap3A_45 = tpu.vector_load %arg5[%swap3A, %swap3A_44] {strides = array<i32>} : memref<125x128xf32, #tpu.memory_space<vmem>>, vector<1x16xf32>,
      %swap3A_46 = vector.shape_cast %swap3A_45 : vector<1x16xf32> to vector<16xf32>
      %swap3A_47 = vector.shape_cast %broadcast_in_dim3A_3 : vector<16xf32> to vector<1x16xf32>
      tpu.vector_store %arg5[%swap3A, %swap3A_44], %swap3A_47 {strides = array<i32>} : memref<125x128xf32, #tpu.memory_space<vmem>>, vector<1x16xf32>,
      %lt3A_48 = arith.constant 80 : i32
      %lt3A_49 = arith.cmpi slt, %scan3A_41, %lt3A_48 : i32
      %convert_element_type3A_50 = arith.extui %lt3A_49 : i1 to i32
      %cond3A_51 = arith.constant 0 : i32
      %cond3A_52 = arith.cmpi ne, %convert_element_type3A_50, %cond3A_51 : i32
      scf.if %cond3A_52 {
        %broadcast_in_dim3A_118 = arith.constant 0.000000e+00 : f32
        %broadcast_in_dim3A_119 = vector.broadcast %broadcast_in_dim3A_118 : f32 to vector<16xf32>
        %swap3A_120 = arith.index_cast %scan3A_41 : i32 to index
        %swap3A_121 = arith.constant 16 : index
        %swap3A_122 = tpu.vector_load %arg6[%swap3A_120, %swap3A_121] {strides = array<i32>} : memref<80x128xf32, #tpu.memory_space<vmem>>, vector<1x16xf32>,
        %swap3A_123 = vector.shape_cast %swap3A_122 : vector<1x16xf32> to vector<16xf32>
        %swap3A_124 = vector.shape_cast %broadcast_in_dim3A_119 : vector<16xf32> to vector<1x16xf32>
        tpu.vector_store %arg6[%swap3A_120, %swap3A_121], %swap3A_124 {strides = array<i32>} : memref<80x128xf32, #tpu.memory_space<vmem>>, vector<1x16xf32>,
      } else {
      }
      %swap3A_53 = arith.index_cast %scan3A_41 : i32 to index
      %swap3A_54 = arith.constant 16 : index
      %swap3A_55 = tpu.vector_load %arg5[%swap3A_53, %swap3A_54] {strides = array<i32>} : memref<125x128xf32, #tpu.memory_space<vmem>>, vector<1x16xf32>,
      %swap3A_56 = vector.shape_cast %swap3A_55 : vector<1x16xf32> to vector<16xf32>
      %swap3A_57 = vector.shape_cast %broadcast_in_dim3A_3 : vector<16xf32> to vector<1x16xf32>
      tpu.vector_store %arg5[%swap3A_53, %swap3A_54], %swap3A_57 {strides = array<i32>} : memref<125x128xf32, #tpu.memory_space<vmem>>, vector<1x16xf32>,
      %lt3A_58 = arith.constant 80 : i32
      %lt3A_59 = arith.cmpi slt, %scan3A_41, %lt3A_58 : i32
      %convert_element_type3A_60 = arith.extui %lt3A_59 : i1 to i32
      %cond3A_61 = arith.constant 0 : i32
      %cond3A_62 = arith.cmpi ne, %convert_element_type3A_60, %cond3A_61 : i32
      scf.if %cond3A_62 {
        %broadcast_in_dim3A_118 = arith.constant 0.000000e+00 : f32
        %broadcast_in_dim3A_119 = vector.broadcast %broadcast_in_dim3A_118 : f32 to vector<16xf32>
        %swap3A_120 = arith.index_cast %scan3A_41 : i32 to index
        %swap3A_121 = arith.constant 32 : index
        %swap3A_122 = tpu.vector_load %arg6[%swap3A_120, %swap3A_121] {strides = array<i32>} : memref<80x128xf32, #tpu.memory_space<vmem>>, vector<1x16xf32>,
        %swap3A_123 = vector.shape_cast %swap3A_122 : vector<1x16xf32> to vector<16xf32>
        %swap3A_124 = vector.shape_cast %broadcast_in_dim3A_119 : vector<16xf32> to vector<1x16xf32>
        tpu.vector_store %arg6[%swap3A_120, %swap3A_121], %swap3A_124 {strides = array<i32>} : memref<80x128xf32, #tpu.memory_space<vmem>>, vector<1x16xf32>,
      } else {
      }
      %swap3A_63 = arith.index_cast %scan3A_41 : i32 to index
      %swap3A_64 = arith.constant 32 : index
      %swap3A_65 = tpu.vector_load %arg5[%swap3A_63, %swap3A_64] {strides = array<i32>} : memref<125x128xf32, #tpu.memory_space<vmem>>, vector<1x16xf32>,
      %swap3A_66 = vector.shape_cast %swap3A_65 : vector<1x16xf32> to vector<16xf32>
      %swap3A_67 = vector.shape_cast %broadcast_in_dim3A_3 : vector<16xf32> to vector<1x16xf32>
      tpu.vector_store %arg5[%swap3A_63, %swap3A_64], %swap3A_67 {strides = array<i32>} : memref<125x128xf32, #tpu.memory_space<vmem>>, vector<1x16xf32>,
      %lt3A_68 = arith.constant 80 : i32
      %lt3A_69 = arith.cmpi slt, %scan3A_41, %lt3A_68 : i32
      %convert_element_type3A_70 = arith.extui %lt3A_69 : i1 to i32
      %cond3A_71 = arith.constant 0 : i32
      %cond3A_72 = arith.cmpi ne, %convert_element_type3A_70, %cond3A_71 : i32
      scf.if %cond3A_72 {
        %broadcast_in_dim3A_118 = arith.constant 0.000000e+00 : f32
        %broadcast_in_dim3A_119 = vector.broadcast %broadcast_in_dim3A_118 : f32 to vector<16xf32>
        %swap3A_120 = arith.index_cast %scan3A_41 : i32 to index
        %swap3A_121 = arith.constant 48 : index
        %swap3A_122 = tpu.vector_load %arg6[%swap3A_120, %swap3A_121] {strides = array<i32>} : memref<80x128xf32, #tpu.memory_space<vmem>>, vector<1x16xf32>,
        %swap3A_123 = vector.shape_cast %swap3A_122 : vector<1x16xf32> to vector<16xf32>
        %swap3A_124 = vector.shape_cast %broadcast_in_dim3A_119 : vector<16xf32> to vector<1x16xf32>
        tpu.vector_store %arg6[%swap3A_120, %swap3A_121], %swap3A_124 {strides = array<i32>} : memref<80x128xf32, #tpu.memory_space<vmem>>, vector<1x16xf32>,
      } else {
      }
      %swap3A_73 = arith.index_cast %scan3A_41 : i32 to index
      %swap3A_74 = arith.constant 48 : index
      %swap3A_75 = tpu.vector_load %arg5[%swap3A_73, %swap3A_74] {strides = array<i32>} : memref<125x128xf32, #tpu.memory_space<vmem>>, vector<1x16xf32>,
      %swap3A_76 = vector.shape_cast %swap3A_75 : vector<1x16xf32> to vector<16xf32>
      %swap3A_77 = vector.shape_cast %broadcast_in_dim3A_3 : vector<16xf32> to vector<1x16xf32>
      tpu.vector_store %arg5[%swap3A_73, %swap3A_74], %swap3A_77 {strides = array<i32>} : memref<125x128xf32, #tpu.memory_space<vmem>>, vector<1x16xf32>,
      %lt3A_78 = arith.constant 80 : i32
      %lt3A_79 = arith.cmpi slt, %scan3A_41, %lt3A_78 : i32
      %convert_element_type3A_80 = arith.extui %lt3A_79 : i1 to i32
      %cond3A_81 = arith.constant 0 : i32
      %cond3A_82 = arith.cmpi ne, %convert_element_type3A_80, %cond3A_81 : i32
      scf.if %cond3A_82 {
        %broadcast_in_dim3A_118 = arith.constant 0.000000e+00 : f32
        %broadcast_in_dim3A_119 = vector.broadcast %broadcast_in_dim3A_118 : f32 to vector<16xf32>
        %swap3A_120 = arith.index_cast %scan3A_41 : i32 to index
        %swap3A_121 = arith.constant 64 : index
        %swap3A_122 = tpu.vector_load %arg6[%swap3A_120, %swap3A_121] {strides = array<i32>} : memref<80x128xf32, #tpu.memory_space<vmem>>, vector<1x16xf32>,
        %swap3A_123 = vector.shape_cast %swap3A_122 : vector<1x16xf32> to vector<16xf32>
        %swap3A_124 = vector.shape_cast %broadcast_in_dim3A_119 : vector<16xf32> to vector<1x16xf32>
        tpu.vector_store %arg6[%swap3A_120, %swap3A_121], %swap3A_124 {strides = array<i32>} : memref<80x128xf32, #tpu.memory_space<vmem>>, vector<1x16xf32>,
      } else {
      }
      %swap3A_83 = arith.index_cast %scan3A_41 : i32 to index
      %swap3A_84 = arith.constant 64 : index
      %swap3A_85 = tpu.vector_load %arg5[%swap3A_83, %swap3A_84] {strides = array<i32>} : memref<125x128xf32, #tpu.memory_space<vmem>>, vector<1x16xf32>,
      %swap3A_86 = vector.shape_cast %swap3A_85 : vector<1x16xf32> to vector<16xf32>
      %swap3A_87 = vector.shape_cast %broadcast_in_dim3A_3 : vector<16xf32> to vector<1x16xf32>
      tpu.vector_store %arg5[%swap3A_83, %swap3A_84], %swap3A_87 {strides = array<i32>} : memref<125x128xf32, #tpu.memory_space<vmem>>, vector<1x16xf32>,
      %lt3A_88 = arith.constant 80 : i32
      %lt3A_89 = arith.cmpi slt, %scan3A_41, %lt3A_88 : i32
      %convert_element_type3A_90 = arith.extui %lt3A_89 : i1 to i32
      %cond3A_91 = arith.constant 0 : i32
      %cond3A_92 = arith.cmpi ne, %convert_element_type3A_90, %cond3A_91 : i32
      scf.if %cond3A_92 {
        %broadcast_in_dim3A_118 = arith.constant 0.000000e+00 : f32
        %broadcast_in_dim3A_119 = vector.broadcast %broadcast_in_dim3A_118 : f32 to vector<16xf32>
        %swap3A_120 = arith.index_cast %scan3A_41 : i32 to index
        %swap3A_121 = arith.constant 80 : index
        %swap3A_122 = tpu.vector_load %arg6[%swap3A_120, %swap3A_121] {strides = array<i32>} : memref<80x128xf32, #tpu.memory_space<vmem>>, vector<1x16xf32>,
        %swap3A_123 = vector.shape_cast %swap3A_122 : vector<1x16xf32> to vector<16xf32>
        %swap3A_124 = vector.shape_cast %broadcast_in_dim3A_119 : vector<16xf32> to vector<1x16xf32>
        tpu.vector_store %arg6[%swap3A_120, %swap3A_121], %swap3A_124 {strides = array<i32>} : memref<80x128xf32, #tpu.memory_space<vmem>>, vector<1x16xf32>,
      } else {
      }
      %swap3A_93 = arith.index_cast %scan3A_41 : i32 to index
      %swap3A_94 = arith.constant 80 : index
      %swap3A_95 = tpu.vector_load %arg5[%swap3A_93, %swap3A_94] {strides = array<i32>} : memref<125x128xf32, #tpu.memory_space<vmem>>, vector<1x16xf32>,
      %swap3A_96 = vector.shape_cast %swap3A_95 : vector<1x16xf32> to vector<16xf32>
      %swap3A_97 = vector.shape_cast %broadcast_in_dim3A_3 : vector<16xf32> to vector<1x16xf32>
      tpu.vector_store %arg5[%swap3A_93, %swap3A_94], %swap3A_97 {strides = array<i32>} : memref<125x128xf32, #tpu.memory_space<vmem>>, vector<1x16xf32>,
      %lt3A_98 = arith.constant 80 : i32
      %lt3A_99 = arith.cmpi slt, %scan3A_41, %lt3A_98 : i32
      %convert_element_type3A_100 = arith.extui %lt3A_99 : i1 to i32
      %cond3A_101 = arith.constant 0 : i32
      %cond3A_102 = arith.cmpi ne, %convert_element_type3A_100, %cond3A_101 : i32
      scf.if %cond3A_102 {
        %broadcast_in_dim3A_118 = arith.constant 0.000000e+00 : f32
        %broadcast_in_dim3A_119 = vector.broadcast %broadcast_in_dim3A_118 : f32 to vector<16xf32>
        %swap3A_120 = arith.index_cast %scan3A_41 : i32 to index
        %swap3A_121 = arith.constant 96 : index
        %swap3A_122 = tpu.vector_load %arg6[%swap3A_120, %swap3A_121] {strides = array<i32>} : memref<80x128xf32, #tpu.memory_space<vmem>>, vector<1x16xf32>,
        %swap3A_123 = vector.shape_cast %swap3A_122 : vector<1x16xf32> to vector<16xf32>
        %swap3A_124 = vector.shape_cast %broadcast_in_dim3A_119 : vector<16xf32> to vector<1x16xf32>
        tpu.vector_store %arg6[%swap3A_120, %swap3A_121], %swap3A_124 {strides = array<i32>} : memref<80x128xf32, #tpu.memory_space<vmem>>, vector<1x16xf32>,
      } else {
      }
      %swap3A_103 = arith.index_cast %scan3A_41 : i32 to index
      %swap3A_104 = arith.constant 96 : index
      %swap3A_105 = tpu.vector_load %arg5[%swap3A_103, %swap3A_104] {strides = array<i32>} : memref<125x128xf32, #tpu.memory_space<vmem>>, vector<1x16xf32>,
      %swap3A_106 = vector.shape_cast %swap3A_105 : vector<1x16xf32> to vector<16xf32>
      %swap3A_107 = vector.shape_cast %broadcast_in_dim3A_3 : vector<16xf32> to vector<1x16xf32>
      tpu.vector_store %arg5[%swap3A_103, %swap3A_104], %swap3A_107 {strides = array<i32>} : memref<125x128xf32, #tpu.memory_space<vmem>>, vector<1x16xf32>,
      %lt3A_108 = arith.constant 80 : i32
      %lt3A_109 = arith.cmpi slt, %scan3A_41, %lt3A_108 : i32
      %convert_element_type3A_110 = arith.extui %lt3A_109 : i1 to i32
      %cond3A_111 = arith.constant 0 : i32
      %cond3A_112 = arith.cmpi ne, %convert_element_type3A_110, %cond3A_111 : i32
      scf.if %cond3A_112 {
        %broadcast_in_dim3A_118 = arith.constant 0.000000e+00 : f32
        %broadcast_in_dim3A_119 = vector.broadcast %broadcast_in_dim3A_118 : f32 to vector<16xf32>
        %swap3A_120 = arith.index_cast %scan3A_41 : i32 to index
        %swap3A_121 = arith.constant 112 : index
        %swap3A_122 = tpu.vector_load %arg6[%swap3A_120, %swap3A_121] {strides = array<i32>} : memref<80x128xf32, #tpu.memory_space<vmem>>, vector<1x16xf32>,
        %swap3A_123 = vector.shape_cast %swap3A_122 : vector<1x16xf32> to vector<16xf32>
        %swap3A_124 = vector.shape_cast %broadcast_in_dim3A_119 : vector<16xf32> to vector<1x16xf32>
        tpu.vector_store %arg6[%swap3A_120, %swap3A_121], %swap3A_124 {strides = array<i32>} : memref<80x128xf32, #tpu.memory_space<vmem>>, vector<1x16xf32>,
      } else {
      }
      %swap3A_113 = arith.index_cast %scan3A_41 : i32 to index
      %swap3A_114 = arith.constant 112 : index
      %swap3A_115 = tpu.vector_load %arg5[%swap3A_113, %swap3A_114] {strides = array<i32>} : memref<125x128xf32, #tpu.memory_space<vmem>>, vector<1x16xf32>,
      %swap3A_116 = vector.shape_cast %swap3A_115 : vector<1x16xf32> to vector<16xf32>
      %swap3A_117 = vector.shape_cast %broadcast_in_dim3A_3 : vector<16xf32> to vector<1x16xf32>
      tpu.vector_store %arg5[%swap3A_113, %swap3A_114], %swap3A_117 {strides = array<i32>} : memref<125x128xf32, #tpu.memory_space<vmem>>, vector<1x16xf32>,
    }
    %scan3A_8 = arith.constant 125 : i32
    %scan3A_9 = arith.constant 0 : i32
    %scan3A_10 = arith.constant 0 : i32
    %scan3A_11 = arith.constant 8 : i32
    %scan3A_12 = arith.addi %scan3A_10, %scan3A_11 : i32
    %scan3A_13 = arith.constant 1 : i32
    scf.for %scan3A_41 = %scan3A_10 to %scan3A_12 step %scan3A_13  : i32 {
      %mul3A_42 = arith.constant 16 : i32
      %mul3A_43 = arith.muli %scan3A_41, %mul3A_42 : i32
      %add3A_44 = arith.addi %mul3A_43, %arg1 : i32
      %lt3A = arith.constant 125 : i32
      %lt3A_45 = arith.cmpi slt, %add3A_44, %lt3A : i32
      %convert_element_type3A = arith.extui %lt3A_45 : i1 to i32
      %cond3A = arith.constant 0 : i32
      %cond3A_46 = arith.cmpi ne, %convert_element_type3A, %cond3A : i32
      scf.if %cond3A_46 {
        %mul3A_47 = arith.constant 80 : i32
        %mul3A_48 = arith.muli %add3A_44, %mul3A_47 : i32
        "tpu.region"() ({
          %run_scoped3A = tpu.sem_alloc : memref<!tpu.dma_semaphore, #tpu.memory_space<semaphore_mem>>
          %dma_start3A = arith.constant 0 : i32
          %dma_start3A_49 = tpu.memref_slice %arg7[%mul3A_48, %dma_start3A] : memref<10000x128xf32, #tpu.memory_space<vmem_shared>> -> memref<80x128xf32, #tpu.memory_space<vmem_shared>>
          %dma_start3A_50 = arith.constant 0 : i32
          %dma_start3A_51 = tpu.memref_slice %arg7[%mul3A_48, %dma_start3A_50] : memref<10000x128xf32, #tpu.memory_space<vmem_shared>> -> memref<80x128xf32, #tpu.memory_space<vmem_shared>>
          tpu.enqueue_dma source(%arg6 : memref<80x128xf32, #tpu.memory_space<vmem>>) target(%dma_start3A_51 : memref<80x128xf32, #tpu.memory_space<vmem_shared>>) target_semaphore(%run_scoped3A : memref<!tpu.dma_semaphore, #tpu.memory_space<semaphore_mem>>)
          %dma_wait3A_52 = arith.constant 0 : i32
          %dma_wait3A_53 = tpu.memref_slice %arg7[%mul3A_48, %dma_wait3A_52] : memref<10000x128xf32, #tpu.memory_space<vmem_shared>> -> memref<80x128xf32, #tpu.memory_space<vmem_shared>>
          %dma_wait3A_54 = arith.constant 0 : i32
          %dma_wait3A_55 = tpu.memref_slice %arg7[%mul3A_48, %dma_wait3A_54] : memref<10000x128xf32, #tpu.memory_space<vmem_shared>> -> memref<80x128xf32, #tpu.memory_space<vmem_shared>>
          tpu.wait_dma2 semaphore(%run_scoped3A : memref<!tpu.dma_semaphore, #tpu.memory_space<semaphore_mem>>) src(%arg6 : memref<80x128xf32, #tpu.memory_space<vmem>>) dst(%dma_wait3A_55 : memref<80x128xf32, #tpu.memory_space<vmem_shared>>)
          tpu.yield
        }) : () -> ()
      } else {
      }
    }
    %scan3A_14 = arith.constant 8 : i32
    %barrier3A = arith.constant 0 : index
    tpu.barrier barrier_id(%barrier3A)
    %scan3A_15 = arith.constant 0 : i32
    %scan3A_16 = arith.constant 0 : i32
    %scan3A_17 = arith.constant 40 : i32
    %scan3A_18 = arith.addi %scan3A_16, %scan3A_17 : i32
    %scan3A_19 = arith.constant 1 : i32
    scf.for %scan3A_41 = %scan3A_16 to %scan3A_18 step %scan3A_19  : i32 {
      %mul3A_42 = arith.constant 2 : i32
      %mul3A_43 = arith.muli %scan3A_41, %mul3A_42 : i32
      %add3A_44 = arith.constant 0 : i32
      %add3A_45 = arith.addi %mul3A_43, %add3A_44 : i32
      %ge3A = arith.constant 2 : i32
      %ge3A_46 = arith.cmpi sge, %add3A_45, %ge3A : i32
      %convert_element_type3A = arith.extui %ge3A_46 : i1 to i32
      %cond3A = arith.constant 0 : i32
      %cond3A_47 = arith.cmpi ne, %convert_element_type3A, %cond3A : i32
      scf.if %cond3A_47 {
        %dma_wait3A_68 = arith.constant 0 : i32
        %dma_wait3A_69 = arith.constant 0 : i32
        %dma_wait3A_70 = tpu.memref_slice %arg4[%dma_wait3A_68, %dma_wait3A_69] : memref<80x125xi32, #tpu.memory_space<vmem>> -> memref<1x125xi32, #tpu.memory_space<vmem>>
        %dma_wait3A_71 = tpu.memref_squeeze %dma_wait3A_70 : memref<1x125xi32, #tpu.memory_space<vmem>> -> memref<125xi32, #tpu.memory_space<vmem>>
        %dma_wait3A_72 = arith.constant 0 : i32
        %dma_wait3A_73 = arith.constant 0 : i32
        %dma_wait3A_74 = tpu.memref_slice %arg7[%dma_wait3A_72, %dma_wait3A_73] : memref<10000x128xf32, #tpu.memory_space<vmem_shared>> -> memref<10000x128xf32, #tpu.memory_space<vmem_shared>>
        tpu.wait_indirect_dma semaphore(%arg8 : memref<!tpu.dma_semaphore, #tpu.memory_space<semaphore_mem>>) src(%arg5 : memref<125x128xf32, #tpu.memory_space<vmem>>) dst(%dma_wait3A_74 : memref<10000x128xf32, #tpu.memory_space<vmem_shared>>)
      } else {
      }
      %dma_start3A = arith.constant 0 : i32
      %dma_start3A_48 = tpu.memref_slice %arg4[%add3A_45, %dma_start3A] : memref<80x125xi32, #tpu.memory_space<vmem>> -> memref<1x125xi32, #tpu.memory_space<vmem>>
      %dma_start3A_49 = tpu.memref_squeeze %dma_start3A_48 : memref<1x125xi32, #tpu.memory_space<vmem>> -> memref<125xi32, #tpu.memory_space<vmem>>
      %dma_start3A_50 = arith.constant 0 : i32
      %dma_start3A_51 = arith.constant 0 : i32
      %dma_start3A_52 = tpu.memref_slice %arg7[%dma_start3A_50, %dma_start3A_51] : memref<10000x128xf32, #tpu.memory_space<vmem_shared>> -> memref<10000x128xf32, #tpu.memory_space<vmem_shared>>
      tpu.enqueue_indirect_dma source(%arg5 : memref<125x128xf32, #tpu.memory_space<vmem>>) target(%dma_start3A_52 : memref<10000x128xf32, #tpu.memory_space<vmem_shared>>) offsets(%dma_start3A_49 : memref<125xi32, #tpu.memory_space<vmem>>) semaphore(%arg8 : memref<!tpu.dma_semaphore, #tpu.memory_space<semaphore_mem>>) {add = true}
      %mul3A_53 = arith.constant 2 : i32
      %mul3A_54 = arith.muli %scan3A_41, %mul3A_53 : i32
      %add3A_55 = arith.constant 1 : i32
      %add3A_56 = arith.addi %mul3A_54, %add3A_55 : i32
      %ge3A_57 = arith.constant 2 : i32
      %ge3A_58 = arith.cmpi sge, %add3A_56, %ge3A_57 : i32
      %convert_element_type3A_59 = arith.extui %ge3A_58 : i1 to i32
      %cond3A_60 = arith.constant 0 : i32
      %cond3A_61 = arith.cmpi ne, %convert_element_type3A_59, %cond3A_60 : i32
      scf.if %cond3A_61 {
        %dma_wait3A_68 = arith.constant 0 : i32
        %dma_wait3A_69 = arith.constant 0 : i32
        %dma_wait3A_70 = tpu.memref_slice %arg4[%dma_wait3A_68, %dma_wait3A_69] : memref<80x125xi32, #tpu.memory_space<vmem>> -> memref<1x125xi32, #tpu.memory_space<vmem>>
        %dma_wait3A_71 = tpu.memref_squeeze %dma_wait3A_70 : memref<1x125xi32, #tpu.memory_space<vmem>> -> memref<125xi32, #tpu.memory_space<vmem>>
        %dma_wait3A_72 = arith.constant 0 : i32
        %dma_wait3A_73 = arith.constant 0 : i32
        %dma_wait3A_74 = tpu.memref_slice %arg7[%dma_wait3A_72, %dma_wait3A_73] : memref<10000x128xf32, #tpu.memory_space<vmem_shared>> -> memref<10000x128xf32, #tpu.memory_space<vmem_shared>>
        tpu.wait_indirect_dma semaphore(%arg9 : memref<!tpu.dma_semaphore, #tpu.memory_space<semaphore_mem>>) src(%arg5 : memref<125x128xf32, #tpu.memory_space<vmem>>) dst(%dma_wait3A_74 : memref<10000x128xf32, #tpu.memory_space<vmem_shared>>)
      } else {
      }
      %dma_start3A_62 = arith.constant 0 : i32
      %dma_start3A_63 = tpu.memref_slice %arg4[%add3A_56, %dma_start3A_62] : memref<80x125xi32, #tpu.memory_space<vmem>> -> memref<1x125xi32, #tpu.memory_space<vmem>>
      %dma_start3A_64 = tpu.memref_squeeze %dma_start3A_63 : memref<1x125xi32, #tpu.memory_space<vmem>> -> memref<125xi32, #tpu.memory_space<vmem>>
      %dma_start3A_65 = arith.constant 0 : i32
      %dma_start3A_66 = arith.constant 0 : i32
      %dma_start3A_67 = tpu.memref_slice %arg7[%dma_start3A_65, %dma_start3A_66] : memref<10000x128xf32, #tpu.memory_space<vmem_shared>> -> memref<10000x128xf32, #tpu.memory_space<vmem_shared>>
      tpu.enqueue_indirect_dma source(%arg5 : memref<125x128xf32, #tpu.memory_space<vmem>>) target(%dma_start3A_67 : memref<10000x128xf32, #tpu.memory_space<vmem_shared>>) offsets(%dma_start3A_64 : memref<125xi32, #tpu.memory_space<vmem>>) semaphore(%arg9 : memref<!tpu.dma_semaphore, #tpu.memory_space<semaphore_mem>>) {add = true}
    }
    %scan3A_20 = arith.constant 40 : i32
    %dma_wait3A = arith.constant 0 : i32
    %dma_wait3A_21 = arith.constant 0 : i32
    %dma_wait3A_22 = tpu.memref_slice %arg4[%dma_wait3A, %dma_wait3A_21] : memref<80x125xi32, #tpu.memory_space<vmem>> -> memref<1x125xi32, #tpu.memory_space<vmem>>
    %dma_wait3A_23 = tpu.memref_squeeze %dma_wait3A_22 : memref<1x125xi32, #tpu.memory_space<vmem>> -> memref<125xi32, #tpu.memory_space<vmem>>
    %dma_wait3A_24 = arith.constant 0 : i32
    %dma_wait3A_25 = arith.constant 0 : i32
    %dma_wait3A_26 = tpu.memref_slice %arg7[%dma_wait3A_24, %dma_wait3A_25] : memref<10000x128xf32, #tpu.memory_space<vmem_shared>> -> memref<10000x128xf32, #tpu.memory_space<vmem_shared>>
    tpu.wait_indirect_dma semaphore(%arg8 : memref<!tpu.dma_semaphore, #tpu.memory_space<semaphore_mem>>) src(%arg5 : memref<125x128xf32, #tpu.memory_space<vmem>>) dst(%dma_wait3A_26 : memref<10000x128xf32, #tpu.memory_space<vmem_shared>>)
    %dma_wait3A_27 = arith.constant 0 : i32
    %dma_wait3A_28 = arith.constant 0 : i32
    %dma_wait3A_29 = tpu.memref_slice %arg4[%dma_wait3A_27, %dma_wait3A_28] : memref<80x125xi32, #tpu.memory_space<vmem>> -> memref<1x125xi32, #tpu.memory_space<vmem>>
    %dma_wait3A_30 = tpu.memref_squeeze %dma_wait3A_29 : memref<1x125xi32, #tpu.memory_space<vmem>> -> memref<125xi32, #tpu.memory_space<vmem>>
    %dma_wait3A_31 = arith.constant 0 : i32
    %dma_wait3A_32 = arith.constant 0 : i32
    %dma_wait3A_33 = tpu.memref_slice %arg7[%dma_wait3A_31, %dma_wait3A_32] : memref<10000x128xf32, #tpu.memory_space<vmem_shared>> -> memref<10000x128xf32, #tpu.memory_space<vmem_shared>>
    tpu.wait_indirect_dma semaphore(%arg9 : memref<!tpu.dma_semaphore, #tpu.memory_space<semaphore_mem>>) src(%arg5 : memref<125x128xf32, #tpu.memory_space<vmem>>) dst(%dma_wait3A_33 : memref<10000x128xf32, #tpu.memory_space<vmem_shared>>)
    %barrier3A_34 = arith.constant 0 : index
    tpu.barrier barrier_id(%barrier3A_34)
    %scan3A_35 = arith.constant 0 : i32
    %scan3A_36 = arith.constant 0 : i32
    %scan3A_37 = arith.constant 8 : i32
    %scan3A_38 = arith.addi %scan3A_36, %scan3A_37 : i32
    %scan3A_39 = arith.constant 1 : i32
    scf.for %scan3A_41 = %scan3A_36 to %scan3A_38 step %scan3A_39  : i32 {
      %mul3A_42 = arith.constant 16 : i32
      %mul3A_43 = arith.muli %scan3A_41, %mul3A_42 : i32
      %add3A_44 = arith.addi %mul3A_43, %arg1 : i32
      %lt3A = arith.constant 125 : i32
      %lt3A_45 = arith.cmpi slt, %add3A_44, %lt3A : i32
      %convert_element_type3A = arith.extui %lt3A_45 : i1 to i32
      %cond3A = arith.constant 0 : i32
      %cond3A_46 = arith.cmpi ne, %convert_element_type3A, %cond3A : i32
      scf.if %cond3A_46 {
        %mul3A_47 = arith.constant 80 : i32
        %mul3A_48 = arith.muli %add3A_44, %mul3A_47 : i32
        "tpu.region"() ({
          %run_scoped3A = tpu.sem_alloc : memref<!tpu.dma_semaphore, #tpu.memory_space<semaphore_mem>>
          %dma_start3A = arith.constant 0 : i32
          %dma_start3A_49 = tpu.memref_slice %arg3[%arg0, %mul3A_48, %dma_start3A] : memref<2x10000x128xf32, #tpu.memory_space<hbm>> -> memref<1x80x128xf32, #tpu.memory_space<hbm>>
          %dma_start3A_50 = tpu.memref_squeeze %dma_start3A_49 : memref<1x80x128xf32, #tpu.memory_space<hbm>> -> memref<80x128xf32, #tpu.memory_space<hbm>>
          %dma_start3A_51 = arith.constant 0 : i32
          %dma_start3A_52 = tpu.memref_slice %arg7[%mul3A_48, %dma_start3A_51] : memref<10000x128xf32, #tpu.memory_space<vmem_shared>> -> memref<80x128xf32, #tpu.memory_space<vmem_shared>>
          tpu.enqueue_dma source(%dma_start3A_52 : memref<80x128xf32, #tpu.memory_space<vmem_shared>>) target(%dma_start3A_50 : memref<80x128xf32, #tpu.memory_space<hbm>>) target_semaphore(%run_scoped3A : memref<!tpu.dma_semaphore, #tpu.memory_space<semaphore_mem>>)
          %dma_wait3A_53 = arith.constant 0 : i32
          %dma_wait3A_54 = tpu.memref_slice %arg3[%arg0, %mul3A_48, %dma_wait3A_53] : memref<2x10000x128xf32, #tpu.memory_space<hbm>> -> memref<1x80x128xf32, #tpu.memory_space<hbm>>
          %dma_wait3A_55 = tpu.memref_squeeze %dma_wait3A_54 : memref<1x80x128xf32, #tpu.memory_space<hbm>> -> memref<80x128xf32, #tpu.memory_space<hbm>>
          %dma_wait3A_56 = arith.constant 0 : i32
          %dma_wait3A_57 = tpu.memref_slice %arg7[%mul3A_48, %dma_wait3A_56] : memref<10000x128xf32, #tpu.memory_space<vmem_shared>> -> memref<80x128xf32, #tpu.memory_space<vmem_shared>>
          tpu.wait_dma2 semaphore(%run_scoped3A : memref<!tpu.dma_semaphore, #tpu.memory_space<semaphore_mem>>) src(%dma_wait3A_57 : memref<80x128xf32, #tpu.memory_space<vmem_shared>>) dst(%dma_wait3A_55 : memref<80x128xf32, #tpu.memory_space<hbm>>)
          tpu.yield
        }) : () -> ()
      } else {
      }
    }
    %scan3A_40 = arith.constant 8 : i32
    return
  }
}

#map = affine_map<(d0, d1) -> (0, 0)>
#map1 = affine_map<(d0, d1) -> (0, 0, 0)>
module attributes {stable_mosaic.version = 14 : i64} {
  func.func @body(%arg0: i32, %arg1: i32, %arg2: memref<10000x128xf32, #tpu.memory_space<hbm>>, %arg3: memref<2560x125xi32, #tpu.memory_space<hbm>>, %arg4: memref<2560x125xi32, #tpu.memory_space<hbm>>, %arg5: memref<2x10000x128xf32, #tpu.memory_space<hbm>>, %arg6: memref<16x125xi32, #tpu.memory_space<vmem>>, %arg7: memref<16x125xi32, #tpu.memory_space<vmem>>, %arg8: memref<2x125x128xf32, #tpu.memory_space<vmem>>, %arg9: memref<80x128xf32, #tpu.memory_space<vmem>>, %arg10: memref<10000x128xf32, #tpu.memory_space<vmem_shared>>, %arg11: memref<!tpu.dma_semaphore, #tpu.memory_space<semaphore_mem>>, %arg12: memref<!tpu.dma_semaphore, #tpu.memory_space<semaphore_mem>>, %arg13: memref<!tpu.dma_semaphore, #tpu.memory_space<semaphore_mem>>, %arg14: memref<!tpu.dma_semaphore, #tpu.memory_space<semaphore_mem>>) attributes {dimension_semantics = [#tpu.dimension_semantics<core_parallel>, #tpu.dimension_semantics<subcore_parallel>], iteration_bounds = array<i64: 2, 16>, scalar_prefetch = 0 : i64, scratch_operands = 9 : i64, tpu.core_type = #tpu.core_type<sc_vector_subcore>, window_params = [{transform_indices = #map}, {transform_indices = #map}, {transform_indices = #map}, {transform_indices = #map1}]} {
    %mul3A = arith.constant 2 : i32
    %mul3A_0 = arith.muli %arg1, %mul3A : i32
    %add3A = arith.addi %mul3A_0, %arg0 : i32
    %broadcast_in_dim3A = arith.constant 0.000000e+00 : f32
    %broadcast_in_dim3A_1 = vector.broadcast %broadcast_in_dim3A : f32 to vector<16xf32>
    %scan3A = arith.constant 0 : i32
    %scan3A_2 = arith.constant 0 : i32
    %scan3A_3 = arith.constant 80 : i32
    %scan3A_4 = arith.addi %scan3A_2, %scan3A_3 : i32
    %scan3A_5 = arith.constant 1 : i32
    scf.for %scan3A_26 = %scan3A_2 to %scan3A_4 step %scan3A_5  : i32 {
      %swap3A = arith.index_cast %scan3A_26 : i32 to index
      %swap3A_27 = arith.constant 0 : index
      %swap3A_28 = tpu.vector_load %arg9[%swap3A, %swap3A_27] {strides = array<i32>} : memref<80x128xf32, #tpu.memory_space<vmem>>, vector<1x16xf32>,
      %swap3A_29 = vector.shape_cast %swap3A_28 : vector<1x16xf32> to vector<16xf32>
      %swap3A_30 = vector.shape_cast %broadcast_in_dim3A_1 : vector<16xf32> to vector<1x16xf32>
      tpu.vector_store %arg9[%swap3A, %swap3A_27], %swap3A_30 {strides = array<i32>} : memref<80x128xf32, #tpu.memory_space<vmem>>, vector<1x16xf32>,
      %swap3A_31 = arith.index_cast %scan3A_26 : i32 to index
      %swap3A_32 = arith.constant 16 : index
      %swap3A_33 = tpu.vector_load %arg9[%swap3A_31, %swap3A_32] {strides = array<i32>} : memref<80x128xf32, #tpu.memory_space<vmem>>, vector<1x16xf32>,
      %swap3A_34 = vector.shape_cast %swap3A_33 : vector<1x16xf32> to vector<16xf32>
      %swap3A_35 = vector.shape_cast %broadcast_in_dim3A_1 : vector<16xf32> to vector<1x16xf32>
      tpu.vector_store %arg9[%swap3A_31, %swap3A_32], %swap3A_35 {strides = array<i32>} : memref<80x128xf32, #tpu.memory_space<vmem>>, vector<1x16xf32>,
      %swap3A_36 = arith.index_cast %scan3A_26 : i32 to index
      %swap3A_37 = arith.constant 32 : index
      %swap3A_38 = tpu.vector_load %arg9[%swap3A_36, %swap3A_37] {strides = array<i32>} : memref<80x128xf32, #tpu.memory_space<vmem>>, vector<1x16xf32>,
      %swap3A_39 = vector.shape_cast %swap3A_38 : vector<1x16xf32> to vector<16xf32>
      %swap3A_40 = vector.shape_cast %broadcast_in_dim3A_1 : vector<16xf32> to vector<1x16xf32>
      tpu.vector_store %arg9[%swap3A_36, %swap3A_37], %swap3A_40 {strides = array<i32>} : memref<80x128xf32, #tpu.memory_space<vmem>>, vector<1x16xf32>,
      %swap3A_41 = arith.index_cast %scan3A_26 : i32 to index
      %swap3A_42 = arith.constant 48 : index
      %swap3A_43 = tpu.vector_load %arg9[%swap3A_41, %swap3A_42] {strides = array<i32>} : memref<80x128xf32, #tpu.memory_space<vmem>>, vector<1x16xf32>,
      %swap3A_44 = vector.shape_cast %swap3A_43 : vector<1x16xf32> to vector<16xf32>
      %swap3A_45 = vector.shape_cast %broadcast_in_dim3A_1 : vector<16xf32> to vector<1x16xf32>
      tpu.vector_store %arg9[%swap3A_41, %swap3A_42], %swap3A_45 {strides = array<i32>} : memref<80x128xf32, #tpu.memory_space<vmem>>, vector<1x16xf32>,
      %swap3A_46 = arith.index_cast %scan3A_26 : i32 to index
      %swap3A_47 = arith.constant 64 : index
      %swap3A_48 = tpu.vector_load %arg9[%swap3A_46, %swap3A_47] {strides = array<i32>} : memref<80x128xf32, #tpu.memory_space<vmem>>, vector<1x16xf32>,
      %swap3A_49 = vector.shape_cast %swap3A_48 : vector<1x16xf32> to vector<16xf32>
      %swap3A_50 = vector.shape_cast %broadcast_in_dim3A_1 : vector<16xf32> to vector<1x16xf32>
      tpu.vector_store %arg9[%swap3A_46, %swap3A_47], %swap3A_50 {strides = array<i32>} : memref<80x128xf32, #tpu.memory_space<vmem>>, vector<1x16xf32>,
      %swap3A_51 = arith.index_cast %scan3A_26 : i32 to index
      %swap3A_52 = arith.constant 80 : index
      %swap3A_53 = tpu.vector_load %arg9[%swap3A_51, %swap3A_52] {strides = array<i32>} : memref<80x128xf32, #tpu.memory_space<vmem>>, vector<1x16xf32>,
      %swap3A_54 = vector.shape_cast %swap3A_53 : vector<1x16xf32> to vector<16xf32>
      %swap3A_55 = vector.shape_cast %broadcast_in_dim3A_1 : vector<16xf32> to vector<1x16xf32>
      tpu.vector_store %arg9[%swap3A_51, %swap3A_52], %swap3A_55 {strides = array<i32>} : memref<80x128xf32, #tpu.memory_space<vmem>>, vector<1x16xf32>,
      %swap3A_56 = arith.index_cast %scan3A_26 : i32 to index
      %swap3A_57 = arith.constant 96 : index
      %swap3A_58 = tpu.vector_load %arg9[%swap3A_56, %swap3A_57] {strides = array<i32>} : memref<80x128xf32, #tpu.memory_space<vmem>>, vector<1x16xf32>,
      %swap3A_59 = vector.shape_cast %swap3A_58 : vector<1x16xf32> to vector<16xf32>
      %swap3A_60 = vector.shape_cast %broadcast_in_dim3A_1 : vector<16xf32> to vector<1x16xf32>
      tpu.vector_store %arg9[%swap3A_56, %swap3A_57], %swap3A_60 {strides = array<i32>} : memref<80x128xf32, #tpu.memory_space<vmem>>, vector<1x16xf32>,
      %swap3A_61 = arith.index_cast %scan3A_26 : i32 to index
      %swap3A_62 = arith.constant 112 : index
      %swap3A_63 = tpu.vector_load %arg9[%swap3A_61, %swap3A_62] {strides = array<i32>} : memref<80x128xf32, #tpu.memory_space<vmem>>, vector<1x16xf32>,
      %swap3A_64 = vector.shape_cast %swap3A_63 : vector<1x16xf32> to vector<16xf32>
      %swap3A_65 = vector.shape_cast %broadcast_in_dim3A_1 : vector<16xf32> to vector<1x16xf32>
      tpu.vector_store %arg9[%swap3A_61, %swap3A_62], %swap3A_65 {strides = array<i32>} : memref<80x128xf32, #tpu.memory_space<vmem>>, vector<1x16xf32>,
    }
    %scan3A_6 = arith.constant 80 : i32
    %scan3A_7 = arith.constant 0 : i32
    %scan3A_8 = arith.constant 0 : i32
    %scan3A_9 = arith.constant 8 : i32
    %scan3A_10 = arith.addi %scan3A_8, %scan3A_9 : i32
    %scan3A_11 = arith.constant 1 : i32
    scf.for %scan3A_26 = %scan3A_8 to %scan3A_10 step %scan3A_11  : i32 {
      %mul3A_27 = arith.constant 16 : i32
      %mul3A_28 = arith.muli %scan3A_26, %mul3A_27 : i32
      %add3A_29 = arith.addi %mul3A_28, %arg1 : i32
      %lt3A = arith.constant 125 : i32
      %lt3A_30 = arith.cmpi slt, %add3A_29, %lt3A : i32
      %convert_element_type3A = arith.extui %lt3A_30 : i1 to i32
      %cond3A = arith.constant 0 : i32
      %cond3A_31 = arith.cmpi ne, %convert_element_type3A, %cond3A : i32
      scf.if %cond3A_31 {
        %mul3A_32 = arith.constant 80 : i32
        %mul3A_33 = arith.muli %add3A_29, %mul3A_32 : i32
        "tpu.region"() ({
          %run_scoped3A = tpu.sem_alloc : memref<!tpu.dma_semaphore, #tpu.memory_space<semaphore_mem>>
          %dma_start3A = arith.constant 0 : i32
          %dma_start3A_34 = tpu.memref_slice %arg10[%mul3A_33, %dma_start3A] : memref<10000x128xf32, #tpu.memory_space<vmem_shared>> -> memref<80x128xf32, #tpu.memory_space<vmem_shared>>
          %dma_start3A_35 = arith.constant 0 : i32
          %dma_start3A_36 = tpu.memref_slice %arg10[%mul3A_33, %dma_start3A_35] : memref<10000x128xf32, #tpu.memory_space<vmem_shared>> -> memref<80x128xf32, #tpu.memory_space<vmem_shared>>
          tpu.enqueue_dma source(%arg9 : memref<80x128xf32, #tpu.memory_space<vmem>>) target(%dma_start3A_36 : memref<80x128xf32, #tpu.memory_space<vmem_shared>>) target_semaphore(%run_scoped3A : memref<!tpu.dma_semaphore, #tpu.memory_space<semaphore_mem>>)
          %dma_wait3A = arith.constant 0 : i32
          %dma_wait3A_37 = tpu.memref_slice %arg10[%mul3A_33, %dma_wait3A] : memref<10000x128xf32, #tpu.memory_space<vmem_shared>> -> memref<80x128xf32, #tpu.memory_space<vmem_shared>>
          %dma_wait3A_38 = arith.constant 0 : i32
          %dma_wait3A_39 = tpu.memref_slice %arg10[%mul3A_33, %dma_wait3A_38] : memref<10000x128xf32, #tpu.memory_space<vmem_shared>> -> memref<80x128xf32, #tpu.memory_space<vmem_shared>>
          tpu.wait_dma2 semaphore(%run_scoped3A : memref<!tpu.dma_semaphore, #tpu.memory_space<semaphore_mem>>) src(%arg9 : memref<80x128xf32, #tpu.memory_space<vmem>>) dst(%dma_wait3A_39 : memref<80x128xf32, #tpu.memory_space<vmem_shared>>)
          tpu.yield
        }) : () -> ()
      } else {
      }
    }
    %scan3A_12 = arith.constant 8 : i32
    %barrier3A = arith.constant 0 : index
    tpu.barrier barrier_id(%barrier3A)
    %scan3A_13 = arith.constant 0 : i32
    %scan3A_14 = arith.constant 0 : i32
    %scan3A_15 = arith.constant 5 : i32
    %scan3A_16 = arith.addi %scan3A_14, %scan3A_15 : i32
    %scan3A_17 = arith.constant 1 : i32
    scf.for %scan3A_26 = %scan3A_14 to %scan3A_16 step %scan3A_17  : i32 {
      %mul3A_27 = arith.constant 80 : i32
      %mul3A_28 = arith.muli %add3A, %mul3A_27 : i32
      %mul3A_29 = arith.constant 16 : i32
      %mul3A_30 = arith.muli %scan3A_26, %mul3A_29 : i32
      %add3A_31 = arith.addi %mul3A_28, %mul3A_30 : i32
      "tpu.region"() ({
        %run_scoped3A = tpu.sem_alloc : memref<!tpu.dma_semaphore, #tpu.memory_space<semaphore_mem>>
        %dma_start3A_60 = arith.constant 0 : i32
        %dma_start3A_61 = tpu.memref_slice %arg3[%add3A_31, %dma_start3A_60] : memref<2560x125xi32, #tpu.memory_space<hbm>> -> memref<16x125xi32, #tpu.memory_space<hbm>>
        %dma_start3A_62 = arith.constant 0 : i32
        %dma_start3A_63 = tpu.memref_slice %arg3[%add3A_31, %dma_start3A_62] : memref<2560x125xi32, #tpu.memory_space<hbm>> -> memref<16x125xi32, #tpu.memory_space<hbm>>
        tpu.enqueue_dma source(%dma_start3A_63 : memref<16x125xi32, #tpu.memory_space<hbm>>) target(%arg6 : memref<16x125xi32, #tpu.memory_space<vmem>>) target_semaphore(%run_scoped3A : memref<!tpu.dma_semaphore, #tpu.memory_space<semaphore_mem>>)
        %dma_wait3A_64 = arith.constant 0 : i32
        %dma_wait3A_65 = tpu.memref_slice %arg3[%add3A_31, %dma_wait3A_64] : memref<2560x125xi32, #tpu.memory_space<hbm>> -> memref<16x125xi32, #tpu.memory_space<hbm>>
        %dma_wait3A_66 = arith.constant 0 : i32
        %dma_wait3A_67 = tpu.memref_slice %arg3[%add3A_31, %dma_wait3A_66] : memref<2560x125xi32, #tpu.memory_space<hbm>> -> memref<16x125xi32, #tpu.memory_space<hbm>>
        tpu.wait_dma2 semaphore(%run_scoped3A : memref<!tpu.dma_semaphore, #tpu.memory_space<semaphore_mem>>) src(%dma_wait3A_67 : memref<16x125xi32, #tpu.memory_space<hbm>>) dst(%arg6 : memref<16x125xi32, #tpu.memory_space<vmem>>)
        tpu.yield
      }) : () -> ()
      "tpu.region"() ({
        %run_scoped3A = tpu.sem_alloc : memref<!tpu.dma_semaphore, #tpu.memory_space<semaphore_mem>>
        %dma_start3A_60 = arith.constant 0 : i32
        %dma_start3A_61 = tpu.memref_slice %arg4[%add3A_31, %dma_start3A_60] : memref<2560x125xi32, #tpu.memory_space<hbm>> -> memref<16x125xi32, #tpu.memory_space<hbm>>
        %dma_start3A_62 = arith.constant 0 : i32
        %dma_start3A_63 = tpu.memref_slice %arg4[%add3A_31, %dma_start3A_62] : memref<2560x125xi32, #tpu.memory_space<hbm>> -> memref<16x125xi32, #tpu.memory_space<hbm>>
        tpu.enqueue_dma source(%dma_start3A_63 : memref<16x125xi32, #tpu.memory_space<hbm>>) target(%arg7 : memref<16x125xi32, #tpu.memory_space<vmem>>) target_semaphore(%run_scoped3A : memref<!tpu.dma_semaphore, #tpu.memory_space<semaphore_mem>>)
        %dma_wait3A_64 = arith.constant 0 : i32
        %dma_wait3A_65 = tpu.memref_slice %arg4[%add3A_31, %dma_wait3A_64] : memref<2560x125xi32, #tpu.memory_space<hbm>> -> memref<16x125xi32, #tpu.memory_space<hbm>>
        %dma_wait3A_66 = arith.constant 0 : i32
        %dma_wait3A_67 = tpu.memref_slice %arg4[%add3A_31, %dma_wait3A_66] : memref<2560x125xi32, #tpu.memory_space<hbm>> -> memref<16x125xi32, #tpu.memory_space<hbm>>
        tpu.wait_dma2 semaphore(%run_scoped3A : memref<!tpu.dma_semaphore, #tpu.memory_space<semaphore_mem>>) src(%dma_wait3A_67 : memref<16x125xi32, #tpu.memory_space<hbm>>) dst(%arg7 : memref<16x125xi32, #tpu.memory_space<vmem>>)
        tpu.yield
      }) : () -> ()
      %dma_start3A = arith.constant 0 : i32
      %dma_start3A_32 = arith.constant 0 : i32
      %dma_start3A_33 = arith.constant 0 : i32
      %dma_start3A_34 = arith.constant 0 : i32
      %dma_start3A_35 = tpu.memref_slice %arg8[%dma_start3A_32, %dma_start3A_33, %dma_start3A_34] : memref<2x125x128xf32, #tpu.memory_space<vmem>> -> memref<1x125x128xf32, #tpu.memory_space<vmem>>
      %dma_start3A_36 = tpu.memref_squeeze %dma_start3A_35 : memref<1x125x128xf32, #tpu.memory_space<vmem>> -> memref<125x128xf32, #tpu.memory_space<vmem>>
      %dma_start3A_37 = arith.constant 0 : i32
      %dma_start3A_38 = tpu.memref_slice %arg6[%dma_start3A, %dma_start3A_37] : memref<16x125xi32, #tpu.memory_space<vmem>> -> memref<1x125xi32, #tpu.memory_space<vmem>>
      %dma_start3A_39 = tpu.memref_squeeze %dma_start3A_38 : memref<1x125xi32, #tpu.memory_space<vmem>> -> memref<125xi32, #tpu.memory_space<vmem>>
      %dma_start3A_40 = arith.constant 0 : i32
      %dma_start3A_41 = arith.constant 0 : i32
      %dma_start3A_42 = tpu.memref_slice %arg2[%dma_start3A_40, %dma_start3A_41] : memref<10000x128xf32, #tpu.memory_space<hbm>> -> memref<10000x128xf32, #tpu.memory_space<hbm>>
      tpu.enqueue_indirect_dma source(%dma_start3A_42 : memref<10000x128xf32, #tpu.memory_space<hbm>>) target(%dma_start3A_36 : memref<125x128xf32, #tpu.memory_space<vmem>>) offsets(%dma_start3A_39 : memref<125xi32, #tpu.memory_space<vmem>>) semaphore(%arg11 : memref<!tpu.dma_semaphore, #tpu.memory_space<semaphore_mem>>)
      %scan3A_43 = arith.constant 0 : i32
      %scan3A_44 = arith.constant 0 : i32
      %scan3A_45 = arith.constant 8 : i32
      %scan3A_46 = arith.addi %scan3A_44, %scan3A_45 : i32
      %scan3A_47 = arith.constant 1 : i32
      scf.for %scan3A_60 = %scan3A_44 to %scan3A_46 step %scan3A_47  : i32 {
        %mul3A_61 = arith.constant 2 : i32
        %mul3A_62 = arith.muli %scan3A_60, %mul3A_61 : i32
        %add3A_63 = arith.constant 0 : i32
        %add3A_64 = arith.addi %mul3A_62, %add3A_63 : i32
        %dma_wait3A_65 = arith.constant 0 : i32
        %dma_wait3A_66 = arith.constant 0 : i32
        %dma_wait3A_67 = arith.constant 0 : i32
        %dma_wait3A_68 = arith.constant 0 : i32
        %dma_wait3A_69 = tpu.memref_slice %arg8[%dma_wait3A_66, %dma_wait3A_67, %dma_wait3A_68] : memref<2x125x128xf32, #tpu.memory_space<vmem>> -> memref<1x125x128xf32, #tpu.memory_space<vmem>>
        %dma_wait3A_70 = tpu.memref_squeeze %dma_wait3A_69 : memref<1x125x128xf32, #tpu.memory_space<vmem>> -> memref<125x128xf32, #tpu.memory_space<vmem>>
        %dma_wait3A_71 = arith.constant 0 : i32
        %dma_wait3A_72 = tpu.memref_slice %arg6[%dma_wait3A_65, %dma_wait3A_71] : memref<16x125xi32, #tpu.memory_space<vmem>> -> memref<1x125xi32, #tpu.memory_space<vmem>>
        %dma_wait3A_73 = tpu.memref_squeeze %dma_wait3A_72 : memref<1x125xi32, #tpu.memory_space<vmem>> -> memref<125xi32, #tpu.memory_space<vmem>>
        %dma_wait3A_74 = arith.constant 0 : i32
        %dma_wait3A_75 = arith.constant 0 : i32
        %dma_wait3A_76 = tpu.memref_slice %arg2[%dma_wait3A_74, %dma_wait3A_75] : memref<10000x128xf32, #tpu.memory_space<hbm>> -> memref<10000x128xf32, #tpu.memory_space<hbm>>
        tpu.wait_indirect_dma semaphore(%arg11 : memref<!tpu.dma_semaphore, #tpu.memory_space<semaphore_mem>>) src(%dma_wait3A_76 : memref<10000x128xf32, #tpu.memory_space<hbm>>) dst(%dma_wait3A_70 : memref<125x128xf32, #tpu.memory_space<vmem>>)
        %dma_start3A_77 = arith.constant 0 : i32
        %dma_start3A_78 = arith.constant 0 : i32
        %dma_start3A_79 = arith.constant 0 : i32
        %dma_start3A_80 = tpu.memref_slice %arg8[%dma_start3A_77, %dma_start3A_78, %dma_start3A_79] : memref<2x125x128xf32, #tpu.memory_space<vmem>> -> memref<1x125x128xf32, #tpu.memory_space<vmem>>
        %dma_start3A_81 = tpu.memref_squeeze %dma_start3A_80 : memref<1x125x128xf32, #tpu.memory_space<vmem>> -> memref<125x128xf32, #tpu.memory_space<vmem>>
        %dma_start3A_82 = arith.constant 0 : i32
        %dma_start3A_83 = tpu.memref_slice %arg7[%add3A_64, %dma_start3A_82] : memref<16x125xi32, #tpu.memory_space<vmem>> -> memref<1x125xi32, #tpu.memory_space<vmem>>
        %dma_start3A_84 = tpu.memref_squeeze %dma_start3A_83 : memref<1x125xi32, #tpu.memory_space<vmem>> -> memref<125xi32, #tpu.memory_space<vmem>>
        %dma_start3A_85 = arith.constant 0 : i32
        %dma_start3A_86 = arith.constant 0 : i32
        %dma_start3A_87 = tpu.memref_slice %arg10[%dma_start3A_85, %dma_start3A_86] : memref<10000x128xf32, #tpu.memory_space<vmem_shared>> -> memref<10000x128xf32, #tpu.memory_space<vmem_shared>>
        tpu.enqueue_indirect_dma source(%dma_start3A_81 : memref<125x128xf32, #tpu.memory_space<vmem>>) target(%dma_start3A_87 : memref<10000x128xf32, #tpu.memory_space<vmem_shared>>) offsets(%dma_start3A_84 : memref<125xi32, #tpu.memory_space<vmem>>) semaphore(%arg13 : memref<!tpu.dma_semaphore, #tpu.memory_space<semaphore_mem>>) {add = true}
        %ge3A = arith.constant 1 : i32
        %ge3A_88 = arith.cmpi sge, %add3A_64, %ge3A : i32
        %convert_element_type3A = arith.extui %ge3A_88 : i1 to i32
        %cond3A = arith.constant 0 : i32
        %cond3A_89 = arith.cmpi ne, %convert_element_type3A, %cond3A : i32
        scf.if %cond3A_89 {
          %dma_wait3A_135 = arith.constant 1 : i32
          %dma_wait3A_136 = arith.constant 0 : i32
          %dma_wait3A_137 = arith.constant 0 : i32
          %dma_wait3A_138 = arith.constant 0 : i32
          %dma_wait3A_139 = tpu.memref_slice %arg8[%dma_wait3A_135, %dma_wait3A_137, %dma_wait3A_138] : memref<2x125x128xf32, #tpu.memory_space<vmem>> -> memref<1x125x128xf32, #tpu.memory_space<vmem>>
          %dma_wait3A_140 = tpu.memref_squeeze %dma_wait3A_139 : memref<1x125x128xf32, #tpu.memory_space<vmem>> -> memref<125x128xf32, #tpu.memory_space<vmem>>
          %dma_wait3A_141 = arith.constant 0 : i32
          %dma_wait3A_142 = tpu.memref_slice %arg7[%dma_wait3A_136, %dma_wait3A_141] : memref<16x125xi32, #tpu.memory_space<vmem>> -> memref<1x125xi32, #tpu.memory_space<vmem>>
          %dma_wait3A_143 = tpu.memref_squeeze %dma_wait3A_142 : memref<1x125xi32, #tpu.memory_space<vmem>> -> memref<125xi32, #tpu.memory_space<vmem>>
          %dma_wait3A_144 = arith.constant 0 : i32
          %dma_wait3A_145 = arith.constant 0 : i32
          %dma_wait3A_146 = tpu.memref_slice %arg10[%dma_wait3A_144, %dma_wait3A_145] : memref<10000x128xf32, #tpu.memory_space<vmem_shared>> -> memref<10000x128xf32, #tpu.memory_space<vmem_shared>>
          tpu.wait_indirect_dma semaphore(%arg14 : memref<!tpu.dma_semaphore, #tpu.memory_space<semaphore_mem>>) src(%dma_wait3A_140 : memref<125x128xf32, #tpu.memory_space<vmem>>) dst(%dma_wait3A_146 : memref<10000x128xf32, #tpu.memory_space<vmem_shared>>)
        } else {
        }
        %add3A_90 = arith.constant 1 : i32
        %add3A_91 = arith.addi %add3A_64, %add3A_90 : i32
        %lt3A = arith.constant 16 : i32
        %lt3A_92 = arith.cmpi slt, %add3A_91, %lt3A : i32
        %convert_element_type3A_93 = arith.extui %lt3A_92 : i1 to i32
        %cond3A_94 = arith.constant 0 : i32
        %cond3A_95 = arith.cmpi ne, %convert_element_type3A_93, %cond3A_94 : i32
        scf.if %cond3A_95 {
          %add3A_135 = arith.constant 1 : i32
          %add3A_136 = arith.addi %add3A_64, %add3A_135 : i32
          %dma_start3A_137 = arith.constant 1 : i32
          %dma_start3A_138 = arith.constant 0 : i32
          %dma_start3A_139 = arith.constant 0 : i32
          %dma_start3A_140 = tpu.memref_slice %arg8[%dma_start3A_137, %dma_start3A_138, %dma_start3A_139] : memref<2x125x128xf32, #tpu.memory_space<vmem>> -> memref<1x125x128xf32, #tpu.memory_space<vmem>>
          %dma_start3A_141 = tpu.memref_squeeze %dma_start3A_140 : memref<1x125x128xf32, #tpu.memory_space<vmem>> -> memref<125x128xf32, #tpu.memory_space<vmem>>
          %dma_start3A_142 = arith.constant 0 : i32
          %dma_start3A_143 = tpu.memref_slice %arg6[%add3A_136, %dma_start3A_142] : memref<16x125xi32, #tpu.memory_space<vmem>> -> memref<1x125xi32, #tpu.memory_space<vmem>>
          %dma_start3A_144 = tpu.memref_squeeze %dma_start3A_143 : memref<1x125xi32, #tpu.memory_space<vmem>> -> memref<125xi32, #tpu.memory_space<vmem>>
          %dma_start3A_145 = arith.constant 0 : i32
          %dma_start3A_146 = arith.constant 0 : i32
          %dma_start3A_147 = tpu.memref_slice %arg2[%dma_start3A_145, %dma_start3A_146] : memref<10000x128xf32, #tpu.memory_space<hbm>> -> memref<10000x128xf32, #tpu.memory_space<hbm>>
          tpu.enqueue_indirect_dma source(%dma_start3A_147 : memref<10000x128xf32, #tpu.memory_space<hbm>>) target(%dma_start3A_141 : memref<125x128xf32, #tpu.memory_space<vmem>>) offsets(%dma_start3A_144 : memref<125xi32, #tpu.memory_space<vmem>>) semaphore(%arg12 : memref<!tpu.dma_semaphore, #tpu.memory_space<semaphore_mem>>)
        } else {
        }
        %mul3A_96 = arith.constant 2 : i32
        %mul3A_97 = arith.muli %scan3A_60, %mul3A_96 : i32
        %add3A_98 = arith.constant 1 : i32
        %add3A_99 = arith.addi %mul3A_97, %add3A_98 : i32
        %dma_wait3A_100 = arith.constant 0 : i32
        %dma_wait3A_101 = arith.constant 1 : i32
        %dma_wait3A_102 = arith.constant 0 : i32
        %dma_wait3A_103 = arith.constant 0 : i32
        %dma_wait3A_104 = tpu.memref_slice %arg8[%dma_wait3A_101, %dma_wait3A_102, %dma_wait3A_103] : memref<2x125x128xf32, #tpu.memory_space<vmem>> -> memref<1x125x128xf32, #tpu.memory_space<vmem>>
        %dma_wait3A_105 = tpu.memref_squeeze %dma_wait3A_104 : memref<1x125x128xf32, #tpu.memory_space<vmem>> -> memref<125x128xf32, #tpu.memory_space<vmem>>
        %dma_wait3A_106 = arith.constant 0 : i32
        %dma_wait3A_107 = tpu.memref_slice %arg6[%dma_wait3A_100, %dma_wait3A_106] : memref<16x125xi32, #tpu.memory_space<vmem>> -> memref<1x125xi32, #tpu.memory_space<vmem>>
        %dma_wait3A_108 = tpu.memref_squeeze %dma_wait3A_107 : memref<1x125xi32, #tpu.memory_space<vmem>> -> memref<125xi32, #tpu.memory_space<vmem>>
        %dma_wait3A_109 = arith.constant 0 : i32
        %dma_wait3A_110 = arith.constant 0 : i32
        %dma_wait3A_111 = tpu.memref_slice %arg2[%dma_wait3A_109, %dma_wait3A_110] : memref<10000x128xf32, #tpu.memory_space<hbm>> -> memref<10000x128xf32, #tpu.memory_space<hbm>>
        tpu.wait_indirect_dma semaphore(%arg12 : memref<!tpu.dma_semaphore, #tpu.memory_space<semaphore_mem>>) src(%dma_wait3A_111 : memref<10000x128xf32, #tpu.memory_space<hbm>>) dst(%dma_wait3A_105 : memref<125x128xf32, #tpu.memory_space<vmem>>)
        %dma_start3A_112 = arith.constant 1 : i32
        %dma_start3A_113 = arith.constant 0 : i32
        %dma_start3A_114 = arith.constant 0 : i32
        %dma_start3A_115 = tpu.memref_slice %arg8[%dma_start3A_112, %dma_start3A_113, %dma_start3A_114] : memref<2x125x128xf32, #tpu.memory_space<vmem>> -> memref<1x125x128xf32, #tpu.memory_space<vmem>>
        %dma_start3A_116 = tpu.memref_squeeze %dma_start3A_115 : memref<1x125x128xf32, #tpu.memory_space<vmem>> -> memref<125x128xf32, #tpu.memory_space<vmem>>
        %dma_start3A_117 = arith.constant 0 : i32
        %dma_start3A_118 = tpu.memref_slice %arg7[%add3A_99, %dma_start3A_117] : memref<16x125xi32, #tpu.memory_space<vmem>> -> memref<1x125xi32, #tpu.memory_space<vmem>>
        %dma_start3A_119 = tpu.memref_squeeze %dma_start3A_118 : memref<1x125xi32, #tpu.memory_space<vmem>> -> memref<125xi32, #tpu.memory_space<vmem>>
        %dma_start3A_120 = arith.constant 0 : i32
        %dma_start3A_121 = arith.constant 0 : i32
        %dma_start3A_122 = tpu.memref_slice %arg10[%dma_start3A_120, %dma_start3A_121] : memref<10000x128xf32, #tpu.memory_space<vmem_shared>> -> memref<10000x128xf32, #tpu.memory_space<vmem_shared>>
        tpu.enqueue_indirect_dma source(%dma_start3A_116 : memref<125x128xf32, #tpu.memory_space<vmem>>) target(%dma_start3A_122 : memref<10000x128xf32, #tpu.memory_space<vmem_shared>>) offsets(%dma_start3A_119 : memref<125xi32, #tpu.memory_space<vmem>>) semaphore(%arg14 : memref<!tpu.dma_semaphore, #tpu.memory_space<semaphore_mem>>) {add = true}
        %ge3A_123 = arith.constant 1 : i32
        %ge3A_124 = arith.cmpi sge, %add3A_99, %ge3A_123 : i32
        %convert_element_type3A_125 = arith.extui %ge3A_124 : i1 to i32
        %cond3A_126 = arith.constant 0 : i32
        %cond3A_127 = arith.cmpi ne, %convert_element_type3A_125, %cond3A_126 : i32
        scf.if %cond3A_127 {
          %dma_wait3A_135 = arith.constant 0 : i32
          %dma_wait3A_136 = arith.constant 0 : i32
          %dma_wait3A_137 = arith.constant 0 : i32
          %dma_wait3A_138 = arith.constant 0 : i32
          %dma_wait3A_139 = tpu.memref_slice %arg8[%dma_wait3A_135, %dma_wait3A_137, %dma_wait3A_138] : memref<2x125x128xf32, #tpu.memory_space<vmem>> -> memref<1x125x128xf32, #tpu.memory_space<vmem>>
          %dma_wait3A_140 = tpu.memref_squeeze %dma_wait3A_139 : memref<1x125x128xf32, #tpu.memory_space<vmem>> -> memref<125x128xf32, #tpu.memory_space<vmem>>
          %dma_wait3A_141 = arith.constant 0 : i32
          %dma_wait3A_142 = tpu.memref_slice %arg7[%dma_wait3A_136, %dma_wait3A_141] : memref<16x125xi32, #tpu.memory_space<vmem>> -> memref<1x125xi32, #tpu.memory_space<vmem>>
          %dma_wait3A_143 = tpu.memref_squeeze %dma_wait3A_142 : memref<1x125xi32, #tpu.memory_space<vmem>> -> memref<125xi32, #tpu.memory_space<vmem>>
          %dma_wait3A_144 = arith.constant 0 : i32
          %dma_wait3A_145 = arith.constant 0 : i32
          %dma_wait3A_146 = tpu.memref_slice %arg10[%dma_wait3A_144, %dma_wait3A_145] : memref<10000x128xf32, #tpu.memory_space<vmem_shared>> -> memref<10000x128xf32, #tpu.memory_space<vmem_shared>>
          tpu.wait_indirect_dma semaphore(%arg13 : memref<!tpu.dma_semaphore, #tpu.memory_space<semaphore_mem>>) src(%dma_wait3A_140 : memref<125x128xf32, #tpu.memory_space<vmem>>) dst(%dma_wait3A_146 : memref<10000x128xf32, #tpu.memory_space<vmem_shared>>)
        } else {
        }
        %add3A_128 = arith.constant 1 : i32
        %add3A_129 = arith.addi %add3A_99, %add3A_128 : i32
        %lt3A_130 = arith.constant 16 : i32
        %lt3A_131 = arith.cmpi slt, %add3A_129, %lt3A_130 : i32
        %convert_element_type3A_132 = arith.extui %lt3A_131 : i1 to i32
        %cond3A_133 = arith.constant 0 : i32
        %cond3A_134 = arith.cmpi ne, %convert_element_type3A_132, %cond3A_133 : i32
        scf.if %cond3A_134 {
          %add3A_135 = arith.constant 1 : i32
          %add3A_136 = arith.addi %add3A_99, %add3A_135 : i32
          %dma_start3A_137 = arith.constant 0 : i32
          %dma_start3A_138 = arith.constant 0 : i32
          %dma_start3A_139 = arith.constant 0 : i32
          %dma_start3A_140 = tpu.memref_slice %arg8[%dma_start3A_137, %dma_start3A_138, %dma_start3A_139] : memref<2x125x128xf32, #tpu.memory_space<vmem>> -> memref<1x125x128xf32, #tpu.memory_space<vmem>>
          %dma_start3A_141 = tpu.memref_squeeze %dma_start3A_140 : memref<1x125x128xf32, #tpu.memory_space<vmem>> -> memref<125x128xf32, #tpu.memory_space<vmem>>
          %dma_start3A_142 = arith.constant 0 : i32
          %dma_start3A_143 = tpu.memref_slice %arg6[%add3A_136, %dma_start3A_142] : memref<16x125xi32, #tpu.memory_space<vmem>> -> memref<1x125xi32, #tpu.memory_space<vmem>>
          %dma_start3A_144 = tpu.memref_squeeze %dma_start3A_143 : memref<1x125xi32, #tpu.memory_space<vmem>> -> memref<125xi32, #tpu.memory_space<vmem>>
          %dma_start3A_145 = arith.constant 0 : i32
          %dma_start3A_146 = arith.constant 0 : i32
          %dma_start3A_147 = tpu.memref_slice %arg2[%dma_start3A_145, %dma_start3A_146] : memref<10000x128xf32, #tpu.memory_space<hbm>> -> memref<10000x128xf32, #tpu.memory_space<hbm>>
          tpu.enqueue_indirect_dma source(%dma_start3A_147 : memref<10000x128xf32, #tpu.memory_space<hbm>>) target(%dma_start3A_141 : memref<125x128xf32, #tpu.memory_space<vmem>>) offsets(%dma_start3A_144 : memref<125xi32, #tpu.memory_space<vmem>>) semaphore(%arg11 : memref<!tpu.dma_semaphore, #tpu.memory_space<semaphore_mem>>)
        } else {
        }
      }
      %scan3A_48 = arith.constant 8 : i32
      %dma_wait3A = arith.constant 1 : i32
      %dma_wait3A_49 = arith.constant 0 : i32
      %dma_wait3A_50 = arith.constant 0 : i32
      %dma_wait3A_51 = arith.constant 0 : i32
      %dma_wait3A_52 = tpu.memref_slice %arg8[%dma_wait3A, %dma_wait3A_50, %dma_wait3A_51] : memref<2x125x128xf32, #tpu.memory_space<vmem>> -> memref<1x125x128xf32, #tpu.memory_space<vmem>>
      %dma_wait3A_53 = tpu.memref_squeeze %dma_wait3A_52 : memref<1x125x128xf32, #tpu.memory_space<vmem>> -> memref<125x128xf32, #tpu.memory_space<vmem>>
      %dma_wait3A_54 = arith.constant 0 : i32
      %dma_wait3A_55 = tpu.memref_slice %arg7[%dma_wait3A_49, %dma_wait3A_54] : memref<16x125xi32, #tpu.memory_space<vmem>> -> memref<1x125xi32, #tpu.memory_space<vmem>>
      %dma_wait3A_56 = tpu.memref_squeeze %dma_wait3A_55 : memref<1x125xi32, #tpu.memory_space<vmem>> -> memref<125xi32, #tpu.memory_space<vmem>>
      %dma_wait3A_57 = arith.constant 0 : i32
      %dma_wait3A_58 = arith.constant 0 : i32
      %dma_wait3A_59 = tpu.memref_slice %arg10[%dma_wait3A_57, %dma_wait3A_58] : memref<10000x128xf32, #tpu.memory_space<vmem_shared>> -> memref<10000x128xf32, #tpu.memory_space<vmem_shared>>
      tpu.wait_indirect_dma semaphore(%arg14 : memref<!tpu.dma_semaphore, #tpu.memory_space<semaphore_mem>>) src(%dma_wait3A_53 : memref<125x128xf32, #tpu.memory_space<vmem>>) dst(%dma_wait3A_59 : memref<10000x128xf32, #tpu.memory_space<vmem_shared>>)
    }
    %scan3A_18 = arith.constant 5 : i32
    %barrier3A_19 = arith.constant 0 : index
    tpu.barrier barrier_id(%barrier3A_19)
    %scan3A_20 = arith.constant 0 : i32
    %scan3A_21 = arith.constant 0 : i32
    %scan3A_22 = arith.constant 8 : i32
    %scan3A_23 = arith.addi %scan3A_21, %scan3A_22 : i32
    %scan3A_24 = arith.constant 1 : i32
    scf.for %scan3A_26 = %scan3A_21 to %scan3A_23 step %scan3A_24  : i32 {
      %mul3A_27 = arith.constant 16 : i32
      %mul3A_28 = arith.muli %scan3A_26, %mul3A_27 : i32
      %add3A_29 = arith.addi %mul3A_28, %arg1 : i32
      %lt3A = arith.constant 125 : i32
      %lt3A_30 = arith.cmpi slt, %add3A_29, %lt3A : i32
      %convert_element_type3A = arith.extui %lt3A_30 : i1 to i32
      %cond3A = arith.constant 0 : i32
      %cond3A_31 = arith.cmpi ne, %convert_element_type3A, %cond3A : i32
      scf.if %cond3A_31 {
        %mul3A_32 = arith.constant 80 : i32
        %mul3A_33 = arith.muli %add3A_29, %mul3A_32 : i32
        "tpu.region"() ({
          %run_scoped3A = tpu.sem_alloc : memref<!tpu.dma_semaphore, #tpu.memory_space<semaphore_mem>>
          %dma_start3A = arith.constant 0 : i32
          %dma_start3A_34 = tpu.memref_slice %arg5[%arg0, %mul3A_33, %dma_start3A] : memref<2x10000x128xf32, #tpu.memory_space<hbm>> -> memref<1x80x128xf32, #tpu.memory_space<hbm>>
          %dma_start3A_35 = tpu.memref_squeeze %dma_start3A_34 : memref<1x80x128xf32, #tpu.memory_space<hbm>> -> memref<80x128xf32, #tpu.memory_space<hbm>>
          %dma_start3A_36 = arith.constant 0 : i32
          %dma_start3A_37 = tpu.memref_slice %arg10[%mul3A_33, %dma_start3A_36] : memref<10000x128xf32, #tpu.memory_space<vmem_shared>> -> memref<80x128xf32, #tpu.memory_space<vmem_shared>>
          tpu.enqueue_dma source(%dma_start3A_37 : memref<80x128xf32, #tpu.memory_space<vmem_shared>>) target(%dma_start3A_35 : memref<80x128xf32, #tpu.memory_space<hbm>>) target_semaphore(%run_scoped3A : memref<!tpu.dma_semaphore, #tpu.memory_space<semaphore_mem>>)
          %dma_wait3A = arith.constant 0 : i32
          %dma_wait3A_38 = tpu.memref_slice %arg5[%arg0, %mul3A_33, %dma_wait3A] : memref<2x10000x128xf32, #tpu.memory_space<hbm>> -> memref<1x80x128xf32, #tpu.memory_space<hbm>>
          %dma_wait3A_39 = tpu.memref_squeeze %dma_wait3A_38 : memref<1x80x128xf32, #tpu.memory_space<hbm>> -> memref<80x128xf32, #tpu.memory_space<hbm>>
          %dma_wait3A_40 = arith.constant 0 : i32
          %dma_wait3A_41 = tpu.memref_slice %arg10[%mul3A_33, %dma_wait3A_40] : memref<10000x128xf32, #tpu.memory_space<vmem_shared>> -> memref<80x128xf32, #tpu.memory_space<vmem_shared>>
          tpu.wait_dma2 semaphore(%run_scoped3A : memref<!tpu.dma_semaphore, #tpu.memory_space<semaphore_mem>>) src(%dma_wait3A_41 : memref<80x128xf32, #tpu.memory_space<vmem_shared>>) dst(%dma_wait3A_39 : memref<80x128xf32, #tpu.memory_space<hbm>>)
          tpu.yield
        }) : () -> ()
      } else {
      }
    }
    %scan3A_25 = arith.constant 8 : i32
    return
  }
}

module attributes {stable_mosaic.version = 14 : i64} {
  func.func @_tc_pre_body(%arg0: i32, %arg1: memref<1000x128xf32, #tpu.memory_space<vmem>>, %arg2: memref<256x128xf32, #tpu.memory_space<vmem>>, %arg3: memref<1000x256xf32, #tpu.memory_space<vmem>>) attributes {dimension_semantics = [#tpu.dimension_semantics<arbitrary>], iteration_bounds = array<i64: 10>, scalar_prefetch = 0 : i64, scratch_operands = 0 : i64, tpu.core_type = #tpu.core_type<tc>, window_params = [{transform_indices = @transform_0, window_bounds = array<i64: 1000, 128>}, {pipeline_mode = #tpu.pipeline_mode<synchronous>, transform_indices = @transform_1, window_bounds = array<i64: 256, 128>}, {transform_indices = @transform_2, window_bounds = array<i64: 1000, 256>}]} {
    %get3A = arith.constant 0 : index
    %get3A_0 = arith.constant 0 : index
    %get3A_1 = vector.load %arg1[%get3A, %get3A_0] : memref<1000x128xf32, #tpu.memory_space<vmem>>, vector<1000x128xf32>
    %get3A_2 = arith.constant 0 : index
    %get3A_3 = arith.constant 0 : index
    %get3A_4 = vector.load %arg2[%get3A_2, %get3A_3] : memref<256x128xf32, #tpu.memory_space<vmem>>, vector<256x128xf32>
    %dot_general3A = arith.constant dense<0.000000e+00> : vector<1000x256xf32>
    %dot_general3A_5 = tpu.matmul %get3A_1, %get3A_4, %dot_general3A {dimension_numbers = #tpu.dot_dimension_numbers<[1], [1], [0], [0], [0, 0, 1, 0], [], []>, precision = #tpu.contract_precision<fp32>, transpose_lhs_hint = false} : vector<1000x128xf32>, vector<256x128xf32>, vector<1000x256xf32> -> vector<1000x256xf32>
    %swap3A = arith.constant 0 : index
    %swap3A_6 = arith.constant 0 : index
    %swap3A_7 = vector.load %arg3[%swap3A, %swap3A_6] : memref<1000x256xf32, #tpu.memory_space<vmem>>, vector<1000x256xf32>
    tpu.vector_store %arg3[%swap3A, %swap3A_6], %dot_general3A_5 {strides = array<i32>} : memref<1000x256xf32, #tpu.memory_space<vmem>>, vector<1000x256xf32>,
    return
  }
  func.func @transform_0(%arg0: i32) -> (i32, i32) {
    %c0_i32 = arith.constant 0 : i32
    %c0_i32_0 = arith.constant 0 : i32
    return %arg0, %c0_i32 : i32, i32
  }
  func.func @transform_1(%arg0: i32) -> (i32, i32) {
    %c0_i32 = arith.constant 0 : i32
    %c0_i32_0 = arith.constant 0 : i32
    %c0_i32_1 = arith.constant 0 : i32
    return %c0_i32, %c0_i32_0 : i32, i32
  }
  func.func @transform_2(%arg0: i32) -> (i32, i32) {
    %c0_i32 = arith.constant 0 : i32
    %c0_i32_0 = arith.constant 0 : i32
    return %arg0, %c0_i32 : i32, i32
  }
}

module attributes {stable_mosaic.version = 14 : i64} {
  func.func @_tc1_body(%arg0: i32, %arg1: memref<2x1000x128xf32, #tpu.memory_space<vmem>>, %arg2: memref<2x1000x128xf32, #tpu.memory_space<vmem>>, %arg3: memref<1000x256xf32, #tpu.memory_space<vmem>>, %arg4: memref<256x128xf32, #tpu.memory_space<vmem>>, %arg5: memref<1x256xf32, #tpu.memory_space<vmem>>, %arg6: memref<128x256xf32, #tpu.memory_space<vmem>>, %arg7: memref<1000x256xf32, #tpu.memory_space<vmem>>, %arg8: memref<1000x128xf32, #tpu.memory_space<vmem>>) attributes {dimension_semantics = [#tpu.dimension_semantics<arbitrary>], iteration_bounds = array<i64: 10>, scalar_prefetch = 0 : i64, scratch_operands = 0 : i64, tpu.core_type = #tpu.core_type<tc>, window_params = [{transform_indices = @transform_0, window_bounds = array<i64: 2, 1000, 128>}, {transform_indices = @transform_1, window_bounds = array<i64: 2, 1000, 128>}, {transform_indices = @transform_2, window_bounds = array<i64: 1000, 256>}, {pipeline_mode = #tpu.pipeline_mode<synchronous>, transform_indices = @transform_3, window_bounds = array<i64: 256, 128>}, {pipeline_mode = #tpu.pipeline_mode<synchronous>, transform_indices = @transform_4, window_bounds = array<i64: 1, 256>}, {pipeline_mode = #tpu.pipeline_mode<synchronous>, transform_indices = @transform_5, window_bounds = array<i64: 128, 256>}, {transform_indices = @transform_6, window_bounds = array<i64: 1000, 256>}, {transform_indices = @transform_7, window_bounds = array<i64: 1000, 128>}]} {
    %get3A = arith.constant 0 : index
    %get3A_0 = arith.constant 0 : index
    %get3A_1 = arith.constant 0 : index
    %get3A_2 = vector.load %arg1[%get3A, %get3A_0, %get3A_1] : memref<2x1000x128xf32, #tpu.memory_space<vmem>>, vector<1x1000x128xf32>
    %get3A_3 = vector.shape_cast %get3A_2 : vector<1x1000x128xf32> to vector<1000x128xf32>
    %get3A_4 = arith.constant 1 : index
    %get3A_5 = arith.constant 0 : index
    %get3A_6 = arith.constant 0 : index
    %get3A_7 = vector.load %arg1[%get3A_4, %get3A_5, %get3A_6] : memref<2x1000x128xf32, #tpu.memory_space<vmem>>, vector<1x1000x128xf32>
    %get3A_8 = vector.shape_cast %get3A_7 : vector<1x1000x128xf32> to vector<1000x128xf32>
    %add3A = arith.addf %get3A_3, %get3A_8 : vector<1000x128xf32>
    %get3A_9 = arith.constant 0 : index
    %get3A_10 = arith.constant 0 : index
    %get3A_11 = arith.constant 0 : index
    %get3A_12 = vector.load %arg2[%get3A_9, %get3A_10, %get3A_11] : memref<2x1000x128xf32, #tpu.memory_space<vmem>>, vector<1x1000x128xf32>
    %get3A_13 = vector.shape_cast %get3A_12 : vector<1x1000x128xf32> to vector<1000x128xf32>
    %slice3A = vector.extract_strided_slice %get3A_13 {offsets = [0, 0], sizes = [1000, 1], strides = [1, 1]} : vector<1000x128xf32> to vector<1000x1xf32>
    %get3A_14 = arith.constant 1 : index
    %get3A_15 = arith.constant 0 : index
    %get3A_16 = arith.constant 0 : index
    %get3A_17 = vector.load %arg2[%get3A_14, %get3A_15, %get3A_16] : memref<2x1000x128xf32, #tpu.memory_space<vmem>>, vector<1x1000x128xf32>
    %get3A_18 = vector.shape_cast %get3A_17 : vector<1x1000x128xf32> to vector<1000x128xf32>
    %slice3A_19 = vector.extract_strided_slice %get3A_18 {offsets = [0, 0], sizes = [1000, 1], strides = [1, 1]} : vector<1000x128xf32> to vector<1000x1xf32>
    %add3A_20 = arith.addf %slice3A, %slice3A_19 : vector<1000x1xf32>
    %max3A = arith.constant 1.000000e+00 : f32
    %max3A_21 = vector.broadcast %max3A : f32 to vector<1000x1xf32>
    %max3A_22 = arith.maximumf %add3A_20, %max3A_21 : vector<1000x1xf32>
    %div3A = vector.broadcast %max3A_22 : vector<1000x1xf32> to vector<1000x128xf32>
    %div3A_23 = arith.divf %add3A, %div3A : vector<1000x128xf32>
    %get3A_24 = arith.constant 0 : index
    %get3A_25 = arith.constant 0 : index
    %get3A_26 = vector.load %arg4[%get3A_24, %get3A_25] : memref<256x128xf32, #tpu.memory_space<vmem>>, vector<256x128xf32>
    %dot_general3A = arith.constant dense<0.000000e+00> : vector<1000x256xf32>
    %dot_general3A_27 = tpu.matmul %div3A_23, %get3A_26, %dot_general3A {dimension_numbers = #tpu.dot_dimension_numbers<[1], [1], [0], [0], [0, 0, 1, 0], [], []>, precision = #tpu.contract_precision<fp32>, transpose_lhs_hint = false} : vector<1000x128xf32>, vector<256x128xf32>, vector<1000x256xf32> -> vector<1000x256xf32>
    %get3A_28 = arith.constant 0 : index
    %get3A_29 = arith.constant 0 : index
    %get3A_30 = vector.load %arg5[%get3A_28, %get3A_29] : memref<1x256xf32, #tpu.memory_space<vmem>>, vector<1x256xf32>
    %add3A_31 = vector.broadcast %get3A_30 : vector<1x256xf32> to vector<1000x256xf32>
    %add3A_32 = arith.addf %dot_general3A_27, %add3A_31 : vector<1000x256xf32>
    %get3A_33 = arith.constant 0 : index
    %get3A_34 = arith.constant 0 : index
    %get3A_35 = vector.load %arg3[%get3A_33, %get3A_34] : memref<1000x256xf32, #tpu.memory_space<vmem>>, vector<1000x256xf32>
    %add3A_36 = arith.addf %add3A_32, %get3A_35 : vector<1000x256xf32>
    %max3A_37 = arith.constant 0.000000e+00 : f32
    %max3A_38 = vector.broadcast %max3A_37 : f32 to vector<1000x256xf32>
    %max3A_39 = arith.maximumf %add3A_36, %max3A_38 : vector<1000x256xf32>
    %swap3A = arith.constant 0 : index
    %swap3A_40 = arith.constant 0 : index
    %swap3A_41 = vector.load %arg7[%swap3A, %swap3A_40] : memref<1000x256xf32, #tpu.memory_space<vmem>>, vector<1000x256xf32>
    tpu.vector_store %arg7[%swap3A, %swap3A_40], %max3A_39 {strides = array<i32>} : memref<1000x256xf32, #tpu.memory_space<vmem>>, vector<1000x256xf32>,
    %get3A_42 = arith.constant 0 : index
    %get3A_43 = arith.constant 0 : index
    %get3A_44 = vector.load %arg6[%get3A_42, %get3A_43] : memref<128x256xf32, #tpu.memory_space<vmem>>, vector<128x256xf32>
    %dot_general3A_45 = arith.constant dense<0.000000e+00> : vector<1000x128xf32>
    %dot_general3A_46 = tpu.matmul %max3A_39, %get3A_44, %dot_general3A_45 {dimension_numbers = #tpu.dot_dimension_numbers<[1], [1], [0], [0], [0, 0, 1, 0], [], []>, precision = #tpu.contract_precision<fp32>, transpose_lhs_hint = false} : vector<1000x256xf32>, vector<128x256xf32>, vector<1000x128xf32> -> vector<1000x128xf32>
    %swap3A_47 = arith.constant 0 : index
    %swap3A_48 = arith.constant 0 : index
    %swap3A_49 = vector.load %arg8[%swap3A_47, %swap3A_48] : memref<1000x128xf32, #tpu.memory_space<vmem>>, vector<1000x128xf32>
    tpu.vector_store %arg8[%swap3A_47, %swap3A_48], %dot_general3A_46 {strides = array<i32>} : memref<1000x128xf32, #tpu.memory_space<vmem>>, vector<1000x128xf32>,
    return
  }
  func.func @transform_0(%arg0: i32) -> (i32, i32, i32) {
    %c0_i32 = arith.constant 0 : i32
    %c0_i32_0 = arith.constant 0 : i32
    %c0_i32_1 = arith.constant 0 : i32
    return %c0_i32, %arg0, %c0_i32_0 : i32, i32, i32
  }
  func.func @transform_1(%arg0: i32) -> (i32, i32, i32) {
    %c0_i32 = arith.constant 0 : i32
    %c0_i32_0 = arith.constant 0 : i32
    %c0_i32_1 = arith.constant 0 : i32
    return %c0_i32, %arg0, %c0_i32_0 : i32, i32, i32
  }
  func.func @transform_2(%arg0: i32) -> (i32, i32) {
    %c0_i32 = arith.constant 0 : i32
    %c0_i32_0 = arith.constant 0 : i32
    return %arg0, %c0_i32 : i32, i32
  }
  func.func @transform_3(%arg0: i32) -> (i32, i32) {
    %c0_i32 = arith.constant 0 : i32
    %c0_i32_0 = arith.constant 0 : i32
    %c0_i32_1 = arith.constant 0 : i32
    return %c0_i32, %c0_i32_0 : i32, i32
  }
  func.func @transform_4(%arg0: i32) -> (i32, i32) {
    %c0_i32 = arith.constant 0 : i32
    %c0_i32_0 = arith.constant 0 : i32
    %c0_i32_1 = arith.constant 0 : i32
    return %c0_i32, %c0_i32_0 : i32, i32
  }
  func.func @transform_5(%arg0: i32) -> (i32, i32) {
    %c0_i32 = arith.constant 0 : i32
    %c0_i32_0 = arith.constant 0 : i32
    %c0_i32_1 = arith.constant 0 : i32
    return %c0_i32, %c0_i32_0 : i32, i32
  }
  func.func @transform_6(%arg0: i32) -> (i32, i32) {
    %c0_i32 = arith.constant 0 : i32
    %c0_i32_0 = arith.constant 0 : i32
    return %arg0, %c0_i32 : i32, i32
  }
  func.func @transform_7(%arg0: i32) -> (i32, i32) {
    %c0_i32 = arith.constant 0 : i32
    %c0_i32_0 = arith.constant 0 : i32
    return %arg0, %c0_i32 : i32, i32
  }
}

module attributes {stable_mosaic.version = 14 : i64} {
  func.func @_tc_hr2_body(%arg0: i32, %arg1: memref<1000x256xf32, #tpu.memory_space<vmem>>, %arg2: memref<128x256xf32, #tpu.memory_space<vmem>>, %arg3: memref<1x128xf32, #tpu.memory_space<vmem>>, %arg4: memref<1000x128xf32, #tpu.memory_space<vmem>>) attributes {dimension_semantics = [#tpu.dimension_semantics<arbitrary>], iteration_bounds = array<i64: 10>, scalar_prefetch = 0 : i64, scratch_operands = 0 : i64, tpu.core_type = #tpu.core_type<tc>, window_params = [{transform_indices = @transform_0, window_bounds = array<i64: 1000, 256>}, {pipeline_mode = #tpu.pipeline_mode<synchronous>, transform_indices = @transform_1, window_bounds = array<i64: 128, 256>}, {pipeline_mode = #tpu.pipeline_mode<synchronous>, transform_indices = @transform_2, window_bounds = array<i64: 1, 128>}, {transform_indices = @transform_3, window_bounds = array<i64: 1000, 128>}]} {
    %get3A = arith.constant 0 : index
    %get3A_0 = arith.constant 0 : index
    %get3A_1 = vector.load %arg3[%get3A, %get3A_0] : memref<1x128xf32, #tpu.memory_space<vmem>>, vector<1x128xf32>
    %get3A_2 = arith.constant 0 : index
    %get3A_3 = arith.constant 0 : index
    %get3A_4 = vector.load %arg1[%get3A_2, %get3A_3] : memref<1000x256xf32, #tpu.memory_space<vmem>>, vector<1000x256xf32>
    %get3A_5 = arith.constant 0 : index
    %get3A_6 = arith.constant 0 : index
    %get3A_7 = vector.load %arg2[%get3A_5, %get3A_6] : memref<128x256xf32, #tpu.memory_space<vmem>>, vector<128x256xf32>
    %dot_general3A = arith.constant dense<0.000000e+00> : vector<1000x128xf32>
    %dot_general3A_8 = tpu.matmul %get3A_4, %get3A_7, %dot_general3A {dimension_numbers = #tpu.dot_dimension_numbers<[1], [1], [0], [0], [0, 0, 1, 0], [], []>, precision = #tpu.contract_precision<fp32>, transpose_lhs_hint = false} : vector<1000x256xf32>, vector<128x256xf32>, vector<1000x128xf32> -> vector<1000x128xf32>
    %add3A = vector.broadcast %get3A_1 : vector<1x128xf32> to vector<1000x128xf32>
    %add3A_9 = arith.addf %add3A, %dot_general3A_8 : vector<1000x128xf32>
    %swap3A = arith.constant 0 : index
    %swap3A_10 = arith.constant 0 : index
    %swap3A_11 = vector.load %arg4[%swap3A, %swap3A_10] : memref<1000x128xf32, #tpu.memory_space<vmem>>, vector<1000x128xf32>
    tpu.vector_store %arg4[%swap3A, %swap3A_10], %add3A_9 {strides = array<i32>} : memref<1000x128xf32, #tpu.memory_space<vmem>>, vector<1000x128xf32>,
    return
  }
  func.func @transform_0(%arg0: i32) -> (i32, i32) {
    %c0_i32 = arith.constant 0 : i32
    %c0_i32_0 = arith.constant 0 : i32
    return %arg0, %c0_i32 : i32, i32
  }
  func.func @transform_1(%arg0: i32) -> (i32, i32) {
    %c0_i32 = arith.constant 0 : i32
    %c0_i32_0 = arith.constant 0 : i32
    %c0_i32_1 = arith.constant 0 : i32
    return %c0_i32, %c0_i32_0 : i32, i32
  }
  func.func @transform_2(%arg0: i32) -> (i32, i32) {
    %c0_i32 = arith.constant 0 : i32
    %c0_i32_0 = arith.constant 0 : i32
    %c0_i32_1 = arith.constant 0 : i32
    return %c0_i32, %c0_i32_0 : i32, i32
  }
  func.func @transform_3(%arg0: i32) -> (i32, i32) {
    %c0_i32 = arith.constant 0 : i32
    %c0_i32_0 = arith.constant 0 : i32
    return %arg0, %c0_i32 : i32, i32
  }
}

module attributes {stable_mosaic.version = 14 : i64} {
  func.func @_tc2_body(%arg0: i32, %arg1: memref<2x1000x128xf32, #tpu.memory_space<vmem>>, %arg2: memref<2x1000x128xf32, #tpu.memory_space<vmem>>, %arg3: memref<1000x128xf32, #tpu.memory_space<vmem>>, %arg4: memref<1000x128xf32, #tpu.memory_space<vmem>>) attributes {dimension_semantics = [#tpu.dimension_semantics<arbitrary>], iteration_bounds = array<i64: 10>, scalar_prefetch = 0 : i64, scratch_operands = 0 : i64, tpu.core_type = #tpu.core_type<tc>, window_params = [{transform_indices = @transform_0, window_bounds = array<i64: 2, 1000, 128>}, {transform_indices = @transform_1, window_bounds = array<i64: 2, 1000, 128>}, {transform_indices = @transform_2, window_bounds = array<i64: 1000, 128>}, {transform_indices = @transform_3, window_bounds = array<i64: 1000, 128>}]} {
    %get3A = arith.constant 0 : index
    %get3A_0 = arith.constant 0 : index
    %get3A_1 = arith.constant 0 : index
    %get3A_2 = vector.load %arg1[%get3A, %get3A_0, %get3A_1] : memref<2x1000x128xf32, #tpu.memory_space<vmem>>, vector<1x1000x128xf32>
    %get3A_3 = vector.shape_cast %get3A_2 : vector<1x1000x128xf32> to vector<1000x128xf32>
    %get3A_4 = arith.constant 1 : index
    %get3A_5 = arith.constant 0 : index
    %get3A_6 = arith.constant 0 : index
    %get3A_7 = vector.load %arg1[%get3A_4, %get3A_5, %get3A_6] : memref<2x1000x128xf32, #tpu.memory_space<vmem>>, vector<1x1000x128xf32>
    %get3A_8 = vector.shape_cast %get3A_7 : vector<1x1000x128xf32> to vector<1000x128xf32>
    %add3A = arith.addf %get3A_3, %get3A_8 : vector<1000x128xf32>
    %get3A_9 = arith.constant 0 : index
    %get3A_10 = arith.constant 0 : index
    %get3A_11 = arith.constant 0 : index
    %get3A_12 = vector.load %arg2[%get3A_9, %get3A_10, %get3A_11] : memref<2x1000x128xf32, #tpu.memory_space<vmem>>, vector<1x1000x128xf32>
    %get3A_13 = vector.shape_cast %get3A_12 : vector<1x1000x128xf32> to vector<1000x128xf32>
    %slice3A = vector.extract_strided_slice %get3A_13 {offsets = [0, 0], sizes = [1000, 1], strides = [1, 1]} : vector<1000x128xf32> to vector<1000x1xf32>
    %get3A_14 = arith.constant 1 : index
    %get3A_15 = arith.constant 0 : index
    %get3A_16 = arith.constant 0 : index
    %get3A_17 = vector.load %arg2[%get3A_14, %get3A_15, %get3A_16] : memref<2x1000x128xf32, #tpu.memory_space<vmem>>, vector<1x1000x128xf32>
    %get3A_18 = vector.shape_cast %get3A_17 : vector<1x1000x128xf32> to vector<1000x128xf32>
    %slice3A_19 = vector.extract_strided_slice %get3A_18 {offsets = [0, 0], sizes = [1000, 1], strides = [1, 1]} : vector<1000x128xf32> to vector<1000x1xf32>
    %add3A_20 = arith.addf %slice3A, %slice3A_19 : vector<1000x1xf32>
    %max3A = arith.constant 1.000000e+00 : f32
    %max3A_21 = vector.broadcast %max3A : f32 to vector<1000x1xf32>
    %max3A_22 = arith.maximumf %add3A_20, %max3A_21 : vector<1000x1xf32>
    %div3A = vector.broadcast %max3A_22 : vector<1000x1xf32> to vector<1000x128xf32>
    %div3A_23 = arith.divf %add3A, %div3A : vector<1000x128xf32>
    %get3A_24 = arith.constant 0 : index
    %get3A_25 = arith.constant 0 : index
    %get3A_26 = vector.load %arg3[%get3A_24, %get3A_25] : memref<1000x128xf32, #tpu.memory_space<vmem>>, vector<1000x128xf32>
    %add3A_27 = arith.addf %div3A_23, %get3A_26 : vector<1000x128xf32>
    %swap3A = arith.constant 0 : index
    %swap3A_28 = arith.constant 0 : index
    %swap3A_29 = vector.load %arg4[%swap3A, %swap3A_28] : memref<1000x128xf32, #tpu.memory_space<vmem>>, vector<1000x128xf32>
    tpu.vector_store %arg4[%swap3A, %swap3A_28], %add3A_27 {strides = array<i32>} : memref<1000x128xf32, #tpu.memory_space<vmem>>, vector<1000x128xf32>,
    return
  }
  func.func @transform_0(%arg0: i32) -> (i32, i32, i32) {
    %c0_i32 = arith.constant 0 : i32
    %c0_i32_0 = arith.constant 0 : i32
    %c0_i32_1 = arith.constant 0 : i32
    return %c0_i32, %arg0, %c0_i32_0 : i32, i32, i32
  }
  func.func @transform_1(%arg0: i32) -> (i32, i32, i32) {
    %c0_i32 = arith.constant 0 : i32
    %c0_i32_0 = arith.constant 0 : i32
    %c0_i32_1 = arith.constant 0 : i32
    return %c0_i32, %arg0, %c0_i32_0 : i32, i32, i32
  }
  func.func @transform_2(%arg0: i32) -> (i32, i32) {
    %c0_i32 = arith.constant 0 : i32
    %c0_i32_0 = arith.constant 0 : i32
    return %arg0, %c0_i32 : i32, i32
  }
  func.func @transform_3(%arg0: i32) -> (i32, i32) {
    %c0_i32 = arith.constant 0 : i32
    %c0_i32_0 = arith.constant 0 : i32
    return %arg0, %c0_i32 : i32, i32
  }
}

</mosaic_0001>

<sc_bundles>
// kernel: kernel.12.cloned.1.call-start
scs
__scs_entry_jumppad:
0x0: {  	(pc) =	sbr.rel $0x88, $3  }
0x1: {  	(tag) =	ssettag $0x0;
	lr =	simm.s32 $0x1  }
0x2: {  	[smem:$0x3F99] =	sst lr;
	_ =	strace $0xD0000000  }
0x3: {  	_ = 	snop  }
0x4: {  	_ = 	snop  }
0x5: {  	_ = 	snop  }
0x6: {  	_ = 	snop  }
0x7: {  	_ = 	snop  }
__scs_overlays_trampoline_lowered:
0x8: {  	[smem:$0x3FA8] =	sst s0  }
0x9: {  	[smem:$0x3FA9] =	sst s1  }
0xa: {  	[smem:$0x3FAA] =	sst s2  }
0xb: {  	[smem:$0x3FAB] =	sst s3  }
0xc: {  	[smem:$0x3FAC] =	sst s4  }
0xd: {  	[smem:$0x3FAD] =	sst s5  }
0xe: {  	[smem:$0x3FAE] =	sst s6  }
0xf: {  	[smem:$0x3FAF] =	sst s7  }
0x10: {  	[smem:$0x3FB0] =	sst s8  }
0x11: {  	[smem:$0x3FB1] =	sst s9;
	s0 =	simm.s32 @!p0 $0x0  }
0x12: {  	s1 =	sld [smem:$0x3F97];
	s0 =	simm.s32 @p0 $0x1  }
0x13: {  	[smem:$0x3FB2] =	sst s0;
	s0 =	simm.s32 @!p1 $0x0  }
0x14: {  	s2 =	sld [smem:$0x3F96];
	s0 =	simm.s32 @p1 $0x1  }
0x15: {  	[smem:$0x3FB3] =	sst s0;
	s0 =	simm.s32 @!p2 $0x0  }
0x16: {  	s3 =	sld [smem:$0x3FDB];
	s0 =	simm.s32 @p2 $0x1  }
0x17: {  	s4 =	simm.s32 $0x1BF5;
	[smem:$0x3FB5] =	sst s0  }
0x18: {  	s0 =	sld [smem:$0x3F98];
	_ =	swait.ge [sflag:s4], $0x0  }
0x19: {  	s7 =	sld [smem:$0x3F99]  }
0x1a: {  	s8 =	sadd.s32 $0xFFFFE003, lr  }
0x1b: {  	s9 =	sadd.s32 $0xFFFFFEF7, lr;
	s5 =	simm.s32 $0xFFFFFFFF;
	p2 =	slt.u32 s8, $0xFFFFF086  }
0x1c: {  	p1 =	slt.u32 s9, $0xF7A;
	s5 =	simm.s32 @!p2 $0x0  }
0x1d: {  	s5 =	simm.s32 @p1 $0x1;
	p0 =	seq.s32 s7, s2  }
0x1e: {  	s7 =	smul.u32 @!p0 $0xF7A, s2;
	p2 =	seq.s32 @!p0 s5, $0x0  }
0x1f: {  	s9 =	smul.u32 $0xF7A, s1;
	s8 =	simm.s32 @!p0 $0x1BF5;
	p2 =	por !p2, p0  }
0x20: {  	[sflag:s8] =	ssyncset.s32 @!p0 $0xFFFFF086;
	s6 =	sadd.s32 @!p0 s3, s7;
	s7 =	simm.s32 @!p0 $0x108  }
0x21: {  	s3 =	sadd.s32 s3, s9;
	s6 =	sadd.s32 @!p0 $0x88, s6;
	s7 =	simm.s32 @p2 $0x1082  }
0x22: {  	[simem:s7], [sflag:s8] =	dma.local @!p0 [hbm:s6], $0xF7A  }
0x23: {  	s9 =	sor.u32 $0xD0000000, s2;
	s6 =	simm.s32 $0x108;
	_ =	swait.ge @!p0 [sflag:s8], $0x0  }
0x24: {  	s3 =	sadd.s32 $0x88, s3;
	s6 =	simm.s32 @!p1 $0x1082;
	[sflag:s4] =	ssyncset.s32 $0xFFFFF086  }
0x25: {  	[simem:s6], [sflag:s4] =	dma.local [hbm:s3], $0xF7A  }
0x26: {  	[smem:$0x3F99] =	sst s1;
	(tag) =	ssettag s2;
	_ =	strace s9  }
0x27: {  	s1 =	sld [smem:$0x3FA9]  }
0x28: {  	s2 =	sld [smem:$0x3FAA]  }
0x29: {  	s4 =	sld [smem:$0x3FAC]  }
0x2a: {  	p0 =	seq.s32 s5, $0x0;
	s5 =	sld [smem:$0x3FAD]  }
0x2b: {  	s6 =	sld [smem:$0x3FAE]  }
0x2c: {  	s7 =	sld [smem:$0x3FAF]  }
0x2d: {  	s3 =	simm.s32 $0x108;
	s8 =	sld [smem:$0x3FB0]  }
0x2e: {  	s3 =	simm.s32 @!p0 $0x1082;
	s9 =	sld [smem:$0x3FB1]  }
0x2f: {  	lr =	sadd.s32 s0, s3;
	s0 =	sld [smem:$0x3FA8]  }
0x30: {  	s3 =	sld [smem:$0x3FAB]  }
0x31: {  	[smem:$0x3FB4] =	sst s10  }
0x32: {  	s10 =	sld [smem:$0x3FB2];
	_ =	sdelay $0x3  }
0x33: {  	p0 =	seq.s32 s10, $0x1;
	s10 =	sld [smem:$0x3FB4];
	_ =	sdelay $0x3  }
0x34: {  	[smem:$0x3FB4] =	sst s10  }
0x35: {  	s10 =	sld [smem:$0x3FB3];
	_ =	sdelay $0x3  }
0x36: {  	p1 =	seq.s32 s10, $0x1;
	s10 =	sld [smem:$0x3FB4];
	_ =	sdelay $0x3  }
0x37: {  	[smem:$0x3FB4] =	sst s10  }
0x38: {  	s10 =	sld [smem:$0x3FB5]  }
0x39: {  	_ = 	snop;
	(pc) =	sbr.ind lr, $3  }
0x3a: {  	_ = 	snop  }
0x3b: {  	_ = 	snop  }
0x3c: {  	p2 =	seq.s32 s10, $0x1;
	s10 =	sld [smem:$0x3FB4]  }
0x3d: {  	_ =	shalt  }
0x3e: {  	_ =	shalt  }
0x3f: {  	_ =	shalt  }
0x40: {  	_ =	shalt  }
0x41: {  	_ =	shalt  }
0x42: {  	_ =	shalt  }
0x43: {  	_ =	shalt  }
0x44: {  	_ =	shalt  }
0x45: {  	_ =	shalt  }
0x46: {  	_ =	shalt  }
0x47: {  	_ =	shalt  }
0x48: {  	_ =	shalt  }
0x49: {  	_ =	shalt  }
0x4a: {  	_ =	shalt  }
0x4b: {  	_ =	shalt  }
0x4c: {  	_ =	shalt  }
0x4d: {  	_ =	shalt  }
0x4e: {  	_ =	shalt  }
0x4f: {  	_ =	shalt  }
0x50: {  	_ =	shalt  }
0x51: {  	_ =	shalt  }
0x52: {  	_ =	shalt  }
0x53: {  	_ =	shalt  }
0x54: {  	_ =	shalt  }
0x55: {  	_ =	shalt  }
0x56: {  	_ =	shalt  }
0x57: {  	_ =	shalt  }
0x58: {  	_ =	shalt  }
0x59: {  	_ =	shalt  }
0x5a: {  	_ =	shalt  }
0x5b: {  	_ =	shalt  }
0x5c: {  	_ =	shalt  }
0x5d: {  	_ =	shalt  }
0x5e: {  	_ =	shalt  }
0x5f: {  	_ =	shalt  }
0x60: {  	_ =	shalt  }
0x61: {  	_ =	shalt  }
0x62: {  	_ =	shalt  }
0x63: {  	_ =	shalt  }
0x64: {  	_ =	shalt  }
0x65: {  	_ =	shalt  }
0x66: {  	_ =	shalt  }
0x67: {  	_ =	shalt  }
0x68: {  	_ =	shalt  }
0x69: {  	_ =	shalt  }
0x6a: {  	_ =	shalt  }
0x6b: {  	_ =	shalt  }
0x6c: {  	_ =	shalt  }
0x6d: {  	_ =	shalt  }
0x6e: {  	_ =	shalt  }
0x6f: {  	_ =	shalt  }
0x70: {  	_ =	shalt  }
0x71: {  	_ =	shalt  }
0x72: {  	_ =	shalt  }
0x73: {  	_ =	shalt  }
0x74: {  	_ =	shalt  }
0x75: {  	_ =	shalt  }
0x76: {  	_ =	shalt  }
0x77: {  	_ =	shalt  }
0x78: {  	_ =	shalt  }
0x79: {  	_ =	shalt  }
0x7a: {  	_ =	shalt  }
0x7b: {  	_ =	shalt  }
0x7c: {  	_ =	shalt  }
0x7d: {  	_ =	shalt  }
0x7e: {  	_ =	shalt  }
0x7f: {  	_ =	shalt  }
0x80: {  	_ =	shalt  }
0x81: {  	_ =	shalt  }
0x82: {  	_ =	shalt  }
0x83: {  	_ =	shalt  }
0x84: {  	_ =	shalt  }
0x85: {  	_ =	shalt  }
0x86: {  	_ =	shalt  }
0x87: {  	_ =	shalt  }
.Lfunc_end0:
.L_simem_size_0:
called_computation.1_lowered:
.L_overlay_start_0:
0x88: {  	s2 =	sld [smem:$0x3FD9]  }
0x89: {  	s3 =	sld [smem:$0x3FFE];
	_ =	sdelay $0x1  }
0x8a: {  	s1 =	srdreg.scid  }
0x8b: {  	s0 =	sand.u32 $0x1, s1  }
0x8c: {  	s17 =	sshll.u32 s0, $0xA;
	s2 =	sadd.s32 s3, s2  }
0x8d: {  	s2 =	sadd.s32 s2, s17  }
0x8e: {  	[smem:$0x3FC0] =	sst s2  }
0x8f: {  	_ = 	snop  }
0x90: {  	s2 =	sld [smem:$0x3FC9];
	(tm) =	ssettm $0x1  }
0x91: {  	s18 =	sld [smem:$0x3FFB];
	_ =	sdelay $0x3  }
0x92: {  	_ =	strace s18  }
0x93: {  	s3 =	sld [smem:$0x3FFC];
	_ =	sdelay $0x3  }
0x94: {  	_ =	strace s3  }
0x95: {  	s3 =	sld [smem:$0x3FFD];
	_ =	sdelay $0x3  }
0x96: {  	_ =	strace s3  }
0x97: {  	_ =	strace $0x8FFFFFFF  }
0x98: {  	s19 =	sld [smem:$0x3FDB];
	_ =	sdelay $0x1  }
0x99: {  	s4 =	simm.s32 $_scs_section_size  }
0x9a: {  	s5 =	simm.s32 $_size__tile_overlayer_lowered;
	s6 =	simm.s32 $_tile_overlayer_lowered  }
0x9b: {  	s22 =	simm.s32 $0x1BFF;
	s21 =	sshll.u32 s6, $0x1;
	s3 =	sadd.s32 s4, s19  }
0x9c: {  	s7 =	simm.s32 $0x0;
	s20 =	sshll.u32 s5, $0x1;
	s5 =	sadd.s32 s21, s3  }
0x9d: {  	[timem:s7], [sflag:s22] =	dma.local [hbm:s5], s20  }
0x9e: {  	_ =	swait.ge [sflag:s22], s20  }
0x9f: {  	s4 =	ssub.s32 $0x0, s20;
	[sflag:s22] =	ssyncset.done $0x0  }
0xa0: {  	[sflag:s22] =	ssyncadd.s32 s4;
	_ =	sdelay $0x1  }
0xa1: {  	s23 =	simm.s32 $0x1B8B  }
0xa2: {  	_ =	swait.ge [sflag:s23], $0x1  }
0xa3: {  	[sflag:s23] =	ssyncset.done $0x0  }
0xa4: {  	s25 =	simm.s32 $0x1B8E;
	s24 =	sld [smem:$0x3FFE];
	[sflag:s23] =	ssyncadd.s32 $0xFFFFFFFF  }
0xa5: {  	s26 =	simm.s32 $execute0_lowered;
	[smem:$0x3FD2] =	sst s25  }
0xa6: {  	s5 =	sshll.u32 s26, $0x1;
	_ =	strace $0x80000046;
	[dreg:$0x1] =	wrdreg $0xFFFFFFFF  }
0xa7: {  	s28 =	simm.s32 $_size_execute0_lowered;
	s3 =	sadd.s32 s3, s5;
	[dreg:$0x0] =	wrdreg $0x0  }
0xa8: {  	s5 =	sshll.u32 s28, $0x1;
	[dreg:$0x2] =	wrdreg s3  }
0xa9: {  	[dreg:$0x3] =	wrdreg s5  }
0xaa: {  	[dreg:$0x4] =	wrdreg $0xC0  }
0xab: {  	_ =	task [dreg:s7], $0x5FFFF  }
0xac: {  	[dreg:$0x1] =	wrdreg $0xFFFFFFFF  }
0xad: {  	[dreg:$0x0] =	wrdreg $0x60  }
0xae: {  	[dreg:$0x2] =	wrdreg s2  }
0xaf: {  	[dreg:$0x3] =	wrdreg s24  }
0xb0: {  	[dreg:$0x4] =	wrdreg $0xB8000  }
0xb1: {  	[dreg:$0x5] =	wrdreg $0xA  }
0xb2: {  	_ =	task.clear_ibuf [dreg:s7], $0x6FFFF;
	_ =	strace $0x90000046  }
0xb3: {  	s29 =	simm.s32 $0xA;
	_ =	strace $0x80000048  }
0xb4: {  	_ =	swait.ge [sflag:s29], $0x1  }
0xb5: {  	[sflag:s29] =	ssyncadd.s32 $0xFFFFFFFF  }
0xb6: {  	_ =	strace $0x90000048  }
0xb7: {  	_ =	sfence  }
0xb8: {  	s30 =	sld [smem:$0x0];
	_ =	sdelay $0x2  }
0xb9: {  	s31 =	sshll.u32 s1, $0xD;
	s1 =	sshrl.u32 s1, $0x2  }
0xba: {  	s3 =	sand.u32 $0x4000, s31;
	s1 =	sadd.s32 s1, s30  }
0xbb: {  	s0 =	sor.u32 s3, s0;
	s1 =	sshll.u32 s1, $0x11  }
0xbc: {  	s0 =	sor.u32 s1, s0  }
0xbd: {  	s0 =	sadd.s32 $0x8F2B, s0  }
0xbe: {  	[sflag:s0] =	ssyncadd.remote.s32 $0x1  }
0xbf: {  	_ =	sfence.sel $0xFFFF  }
0xc0: {  	[dreg:$0x0] =	wrdreg $0xFFFFFFFF;
	(pc) =	sbr.abs _section_cstart, $3  }
0xc1: {  	[dreg:$0x1] =	wrdreg $0xFFFFFFFF  }
0xc2: {  	_ =	task.clear_ibuf [dreg:s7], $0x2FFFF;
	_ =	strace $0x9FFFFFFF  }
0xc3: {  	(tm) =	ssettm $0x7FFFFFFF  }
tec
execute0_lowered:
.L_overlay_start_1:
0x0: {  	(tag) =	ssettag $0x1  }
0x1: {  	s0 =	srdreg.scid  }
0x2: {  	s17 =	stileid.u32;
	s2 =	rddreg [dreg:$0x0]  }
0x3: {  	s5 =	rddreg [dreg:$0x1];
	s12 =	smul.u32 $0x5000, s17  }
0x4: {  	s3 =	rddreg [dreg:$0x2];
	s9 =	smul.u32 $0xA000, s17  }
0x5: {  	s4 =	simm.s32 $0x0;
	s1 =	sand.u32 $0x1, s0;
	s26 =	smul.u32 $0x2800, s17  }
0x6: {  	s28 =	simm.s32 $0x1;
	s10 =	sor.u32 $0x10, s17;
	s6 =	smul.u32 $0x2800, s1  }
0x7: {  	s29 =	simm.s32 $0x5000;
	s30 =	simm.s32 $0x2;
	s14 =	smul.u32 $0xA000, s10  }
0x8: {  	s11 =	sor.u32 $0x40, s17;
	s7 =	ssub.s32 $0x2, s1;
	s1 =	smul.u32 $0x138800, s1  }
0x9: {  	s31 =	simm.s32 $0x3;
	[smem:$0x7FF] =	sst s4;
	s21 =	smul.u32 $0xA000, s11  }
0xa: {  	_ =	strace $0x80000047;
	s10 =	smul.u32 $0x2800, s10;
	s8 =	sshrl.u32 s7, $0x1  }
0xb: {  	s15 =	sshrl.u32 s9, $0x2;
	s0 =	sadd.s32 s6, s12;
	s13 =	ssub.s32 s7, s8  }
0xc: {  	s8 =	sor.u32 $0x20, s17;
	s7 =	sshrl.u32 s14, $0x2;
	s22 =	sadd.s32 s15, s3  }
0xd: {  	s12 =	sor.u32 $0x50, s17;
	s14 =	sor.u32 $0x60, s17;
	s15 =	sshrl.u32 s21, $0x2  }
0xe: {  	s10 =	sadd.s32 s1, s10;
	s21 =	smul.u32 $0x2800, s11;
	s11 =	simm.s32 $0x100  }
0xf: {  	s0 =	sshrl.u32 s0, $0x3;
	s16 =	smul.u32 $0xA000, s8;
	s18 =	sadd.s32 s7, s3  }
0x10: {  	s7 =	sor.u32 $0x30, s17;
	s23 =	sadd.s32 s15, s3;
	[dreg:$0x8] =	wrdreg s11  }
0x11: {  	s8 =	smul.u32 $0x2800, s8;
	s15 =	simm.s32 $0x980;
	[dreg:$0x16] =	wrdreg s22  }
0x12: {  	s6 =	sadd.s32 s0, s5;
	s0 =	sadd.s32 $0x16000, s5;
	s20 =	smul.u32 $0xA000, s7  }
0x13: {  	s5 =	smax.u32 s13, $0x1;
	[dreg:$0x17] =	wrdreg s18;
	s13 =	smul.u32 $0xA000, s12  }
0x14: {  	[dreg:$0x1a] =	wrdreg s23;
	s18 =	sadd.s32 s1, s26;
	s7 =	smul.u32 $0x2800, s7  }
0x15: {  	s23 =	sadd.s32 s1, s21;
	[dreg:$0xb] =	wrdreg s15;
	s21 =	simm.s32 $0x300  }
0x16: {  	s15 =	simm.s32 $0x500;
	[dreg:$0x15] =	wrdreg s5;
	s19 =	sshrl.u32 s16, $0x2  }
0x17: {  	s16 =	smul.u32 $0xA000, s14;
	s8 =	sadd.s32 s1, s8;
	[dreg:$0x10] =	wrdreg s21  }
0x18: {  	s21 =	simm.s32 $0x680;
	s5 =	sadd.s32 s19, s3;
	s9 =	sshrl.u32 s20, $0x2  }
0x19: {  	s13 =	sshrl.u32 s13, $0x2;
	s20 =	sshrl.u32 s10, $0x3;
	s7 =	sadd.s32 s1, s7  }
0x1a: {  	s8 =	sshrl.u32 s8, $0x3;
	s10 =	smul.u32 $0x2800, s14;
	s14 =	simm.s32 $0x180  }
0x1b: {  	[dreg:$0x18] =	wrdreg s5;
	s5 =	sor.u32 $0x70, s17;
	s9 =	sadd.s32 s9, s3  }
0x1c: {  	s25 =	sshrl.u32 s16, $0x2;
	s13 =	sadd.s32 s13, s3;
	[dreg:$0xa] =	wrdreg s14  }
0x1d: {  	s7 =	sshrl.u32 s7, $0x3;
	s8 =	sadd.s32 s0, s8;
	[dreg:$0x19] =	wrdreg s9  }
0x1e: {  	s14 =	simm.s32 $0xC80;
	s24 =	smul.u32 $0xA000, s5;
	[dreg:$0x1b] =	wrdreg s13  }
0x1f: {  	s17 =	sadd.s32 s25, s3;
	s13 =	sshrl.u32 s18, $0x3;
	[smem:$0x7F8] =	sst s8  }
0x20: {  	s7 =	sadd.s32 s0, s7;
	s25 =	sadd.s32 $0x2000, s6;
	[dreg:$0x1c] =	wrdreg s17  }
0x21: {  	s6 =	sadd.s32 $0xC000, s6;
	s8 =	simm.s32 $0x80;
	[smem:$0x7F9] =	sst s7  }
0x22: {  	s16 =	smul.u32 $0x2800, s5;
	s18 =	simm.s32 $0xA00;
	[dreg:$0x4] =	wrdreg s25  }
0x23: {  	p0 =	sgt.u32 s5, $0x7C;
	s5 =	simm.s32 $0x480;
	[dreg:$0x5] =	wrdreg s6  }
0x24: {  	s19 =	sadd.s32 s0, s13;
	s7 =	sshrl.u32 s23, $0x3;
	[dreg:$0x6] =	wrdreg s8  }
0x25: {  	s13 =	sadd.s32 s1, s10;
	s17 =	simm.s32 $0x200;
	[dreg:$0xd] =	wrdreg s18  }
0x26: {  	s23 =	simm.s32 $0xB00;
	s25 =	simm.s32 $0xB80;
	[dreg:$0x1e] =	wrdreg s19  }
0x27: {  	s18 =	simm.s32 $0xD80;
	s6 =	simm.s32 $0xE80;
	[dreg:$0xc] =	wrdreg s17  }
0x28: {  	s8 =	simm.s32 $0xF00;
	s10 =	simm.s32 $0xF80;
	[dreg:$0x11] =	wrdreg s23  }
0x29: {  	s9 =	sshrl.u32 s24, $0x2;
	s7 =	sadd.s32 s0, s7;
	[dreg:$0x13] =	wrdreg s25  }
0x2a: {  	s24 =	smul.u32 $0x2800, s12;
	s12 =	simm.s32 $0x900;
	[smem:$0x7FA] =	sst s7  }
0x2b: {  	s19 =	simm.s32 $0x280;
	s23 =	simm.s32 $0x5;
	[dreg:$0x9] =	wrdreg s12  }
0x2c: {  	s25 =	simm.s32 $0x7D;
	s9 =	sadd.s32 s9, s3;
	[dreg:$0xe] =	wrdreg s19  }
0x2d: {  	s17 =	simm.s32 $0x580;
	s19 =	simm.s32 $0x600;
	[dreg:$0x1d] =	wrdreg s9  }
0x2e: {  	s9 =	sadd.s32 s0, s20;
	s26 =	sadd.s32 s1, s24;
	s1 =	sadd.s32 s1, s16  }
0x2f: {  	s20 =	simm.s32 $0xA80;
	s24 =	simm.s32 $0x380;
	[dreg:$0x1f] =	wrdreg s9  }
0x30: {  	s16 =	simm.s32 $0xD00;
	s7 =	sshrl.u32 s26, $0x3;
	[dreg:$0xf] =	wrdreg s20  }
0x31: {  	s9 =	simm.s32 $0x880;
	s1 =	sshrl.u32 s1, $0x3;
	[dreg:$0x12] =	wrdreg s24  }
0x32: {  	s24 =	simm.s32 $0x800;
	s26 =	simm.s32 $0x400;
	[dreg:$0x7] =	wrdreg s9  }
0x33: {  	s20 =	simm.s32 $0xE00;
	s7 =	sadd.s32 s0, s7;
	[dreg:$0x14] =	wrdreg s26  }
0x34: {  	s26 =	simm.s32 $0x1000;
	[smem:$0x7FB] =	sst s7;
	s7 =	sshrl.u32 s13, $0x3  }
0x35: {  	s9 =	simm.s32 $0x780;
	s13 =	simm.s32 $0x0;
	s7 =	sadd.s32 s0, s7  }
0x36: {  	s0 =	sadd.s32 s0, s1;
	s1 =	simm.s32 $0x4;
	[smem:$0x7FC] =	sst s7  }
0x37: {  	v0 =	vimm.f32 $0.0e+00;
	[smem:$0x7FD] =	sst s0;
	s0 =	simm.s32 $0xC00;
	s7 =	simm.s32 $0x700  }
.LBB2_1:
0x38: {  	[smem:$0x7F7] =	sst s13;
	s12 =	simm.s32 $0x0;
	s13 =	simm.s32 $0x200  }
.LBB2_2:
0x39: {  	p1 =	sne.s32 s13, $0x9E00;
	[tilespmem:s12+$0x9070] =	vst v0  }
0x3a: {  	[tilespmem:s12+$0x9000] =	vst v0  }
0x3b: {  	[tilespmem:s12+$0x9010] =	vst v0  }
.Ltmp0:
0x3c: {  	[tilespmem:s12+$0x9020] =	vst v0;
	(pc) =	sbr.rel @p1 .LBB2_2-.Ltmp0, $4  }
0x3d: {  	[tilespmem:s12+$0x9030] =	vst v0  }
0x3e: {  	[tilespmem:s12+$0x9040] =	vst v0  }
0x3f: {  	[tilespmem:s12+$0x9050] =	vst v0  }
0x40: {  	[tilespmem:s12+$0x9060] =	vst v0;
	s12 =	sshra.s32 s13, $0x2;
	s13 =	sadd.s32 $0x200, s13  }
0x41: {  	[tilespmem:s12+$0x9070] =	vst v0  }
0x42: {  	[tilespmem:s12+$0x9000] =	vst v0  }
0x43: {  	[tilespmem:s12+$0x9010] =	vst v0  }
0x44: {  	[tilespmem:s12+$0x9020] =	vst v0  }
0x45: {  	[tilespmem:s12+$0x9030] =	vst v0  }
0x46: {  	[tilespmem:s12+$0x9040] =	vst v0  }
0x47: {  	[tilespmem:s12+$0x9050] =	vst v0  }
0x48: {  	[tilespmem:s12+$0x9060] =	vst v0;
	s12 =	simm.s32 $0x9000  }
0x49: {  	[spmem:s22] =	stream.linear.scatter [tilespmem:s12], [sflag:$0x5], $0x2800, $0x38;
	[tilespmem:$0x1F080] =	vst v63  }
0x4a: {  	_ =	swait.ge [sflag:s23], $0x2800  }
0x4b: {  	[sflag:s23] =	ssyncset.done $0x0  }
0x4c: {  	s11 =	rddreg [dreg:$0x17];
	[sflag:s23] =	ssyncadd.s32 $0xFFFFD800  }
0x4d: {  	[spmem:s11] =	stream.linear.scatter [tilespmem:s12], [sflag:$0x5], $0x2800, $0x38;
	[tilespmem:$0x1F080] =	vst v63  }
0x4e: {  	_ =	swait.ge [sflag:s23], $0x2800  }
0x4f: {  	[sflag:s23] =	ssyncset.done $0x0  }
0x50: {  	s22 =	rddreg [dreg:$0x18];
	[sflag:s23] =	ssyncadd.s32 $0xFFFFD800  }
0x51: {  	[spmem:s22] =	stream.linear.scatter [tilespmem:s12], [sflag:$0x5], $0x2800, $0x38;
	[tilespmem:$0x1F080] =	vst v63  }
0x52: {  	_ =	swait.ge [sflag:s23], $0x2800  }
0x53: {  	[sflag:s23] =	ssyncset.done $0x0  }
0x54: {  	s13 =	rddreg [dreg:$0x19];
	[sflag:s23] =	ssyncadd.s32 $0xFFFFD800  }
0x55: {  	[spmem:s13] =	stream.linear.scatter [tilespmem:s12], [sflag:$0x5], $0x2800, $0x38;
	[tilespmem:$0x1F080] =	vst v63  }
0x56: {  	_ =	swait.ge [sflag:s23], $0x2800  }
0x57: {  	[sflag:s23] =	ssyncset.done $0x0  }
0x58: {  	s22 =	rddreg [dreg:$0x1a];
	[sflag:s23] =	ssyncadd.s32 $0xFFFFD800  }
0x59: {  	[spmem:s22] =	stream.linear.scatter [tilespmem:s12], [sflag:$0x5], $0x2800, $0x38;
	[tilespmem:$0x1F080] =	vst v63  }
0x5a: {  	_ =	swait.ge [sflag:s23], $0x2800  }
0x5b: {  	[sflag:s23] =	ssyncset.done $0x0  }
0x5c: {  	s13 =	rddreg [dreg:$0x1b];
	[sflag:s23] =	ssyncadd.s32 $0xFFFFD800  }
0x5d: {  	[spmem:s13] =	stream.linear.scatter [tilespmem:s12], [sflag:$0x5], $0x2800, $0x38;
	[tilespmem:$0x1F080] =	vst v63  }
0x5e: {  	_ =	swait.ge [sflag:s23], $0x2800  }
0x5f: {  	[sflag:s23] =	ssyncset.done $0x0  }
0x60: {  	s22 =	rddreg [dreg:$0x1c];
	[sflag:s23] =	ssyncadd.s32 $0xFFFFD800  }
0x61: {  	[spmem:s22] =	stream.linear.scatter [tilespmem:s12], [sflag:$0x5], $0x2800, $0x38;
	[tilespmem:$0x1F080] =	vst v63  }
0x62: {  	_ =	swait.ge [sflag:s23], $0x2800  }
0x63: {  	[sflag:s23] =	ssyncset.done $0x0  }
0x64: {  	s12 =	simm.s32 @!p0 $0x9000;
	s11 =	rddreg [dreg:$0x1d];
	[sflag:s23] =	ssyncadd.s32 $0xFFFFD800  }
0x65: {  	[spmem:s11] =	stream.linear.scatter @!p0 [tilespmem:s12], [sflag:$0x5], $0x2800, $0x38;
	[tilespmem:$0x1F080] =	vst v63  }
0x66: {  	s12 =	simm.s32 @!p0 $0x5  }
0x67: {  	_ =	swait.ge @!p0 [sflag:s12], $0x2800  }
0x68: {  	[sflag:s12] =	ssyncset.done @!p0 $0x0  }
0x69: {  	[sflag:s12] =	ssyncadd.s32 @!p0 $0xFFFFD800  }
0x6a: {  	[bflag:$0x0] =	sbarrier.arrive $0xFFFF  }
0x6b: {  	s13 =	rddreg [dreg:$0x5]  }
0x6c: {  	s12 =	sadd.s32 $0x0, s13  }
0x6d: {  	[tilespmem:s4], [sflag:$0x5] =	stream.linear.gather [hbm4b:s12+s4], $0x800, $0x38;
	[tilespmem:$0x1F080] =	vst v63  }
0x6e: {  	_ =	swait.ge [sflag:s23], $0x800  }
0x6f: {  	s22 =	rddreg [dreg:$0x4];
	[sflag:s23] =	ssyncset.done $0x0  }
0x70: {  	[sflag:s23] =	ssyncadd.s32 $0xFFFFF800;
	s12 =	sadd.s32 $0x0, s22  }
0x71: {  	[tilespmem:s24], [sflag:$0x5] =	stream.linear.gather [hbm4b:s12+s4], $0x800, $0x38;
	[tilespmem:$0x1F080] =	vst v63  }
0x72: {  	_ =	swait.ge [sflag:s23], $0x800  }
0x73: {  	[sflag:s23] =	ssyncset.done $0x0  }
0x74: {  	[sflag:s23] =	ssyncadd.s32 $0xFFFFF800  }
0x75: {  	[tilespmem:s26], [sflag:$0x1] =	stream.indirect.gather [hbm4b:s2+s25], $0x80, s4, s25, $0xb8;
	[tilespmem:$0x1F080] =	vst v63  }
0x76: {  	_ =	swait.ge [sflag:s28], $0x3E80  }
0x77: {  	[sflag:s28] =	ssyncset.done $0x0  }
0x78: {  	[sflag:s28] =	ssyncadd.s32 $0xFFFFC180  }
0x79: {  	[spmem:s3] =	stream.indirect.scatter.add.f32 [tilespmem:s26], [sflag:$0x3], $0x80, s24, s25, $0xb8;
	[tilespmem:$0x1F080] =	vst v63  }
0x7a: {  	s11 =	rddreg [dreg:$0x6]  }
0x7b: {  	[tilespmem:s29], [sflag:$0x2] =	stream.indirect.gather [hbm4b:s2+s25], $0x80, s11, s25, $0xb8;
	[tilespmem:$0x1F080] =	vst v63  }
0x7c: {  	_ =	swait.ge [sflag:s30], $0x3E80  }
0x7d: {  	[sflag:s30] =	ssyncset.done $0x0  }
0x7e: {  	s13 =	rddreg [dreg:$0x7];
	[sflag:s30] =	ssyncadd.s32 $0xFFFFC180  }
0x7f: {  	[spmem:s3] =	stream.indirect.scatter.add.f32 [tilespmem:s29], [sflag:$0x4], $0x80, s13, s25, $0xb8;
	[tilespmem:$0x1F080] =	vst v63  }
0x80: {  	_ =	swait.ge [sflag:s31], $0x3E80  }
0x81: {  	[sflag:s31] =	ssyncset.done $0x0  }
0x82: {  	s22 =	rddreg [dreg:$0x8];
	[sflag:s31] =	ssyncadd.s32 $0xFFFFC180  }
0x83: {  	[tilespmem:s26], [sflag:$0x1] =	stream.indirect.gather [hbm4b:s2+s25], $0x80, s22, s25, $0xb8;
	[tilespmem:$0x1F080] =	vst v63  }
0x84: {  	_ =	swait.ge [sflag:s28], $0x3E80  }
0x85: {  	[sflag:s28] =	ssyncset.done $0x0  }
0x86: {  	s11 =	rddreg [dreg:$0x9];
	[sflag:s28] =	ssyncadd.s32 $0xFFFFC180  }
0x87: {  	[spmem:s3] =	stream.indirect.scatter.add.f32 [tilespmem:s26], [sflag:$0x3], $0x80, s11, s25, $0xb8;
	[tilespmem:$0x1F080] =	vst v63  }
0x88: {  	_ =	swait.ge [sflag:s1], $0x3E80  }
0x89: {  	[sflag:s1] =	ssyncset.done $0x0  }
0x8a: {  	s13 =	rddreg [dreg:$0xa];
	[sflag:s1] =	ssyncadd.s32 $0xFFFFC180  }
0x8b: {  	[tilespmem:s29], [sflag:$0x2] =	stream.indirect.gather [hbm4b:s2+s25], $0x80, s13, s25, $0xb8;
	[tilespmem:$0x1F080] =	vst v63  }
0x8c: {  	_ =	swait.ge [sflag:s30], $0x3E80  }
0x8d: {  	[sflag:s30] =	ssyncset.done $0x0  }
0x8e: {  	s22 =	rddreg [dreg:$0xb];
	[sflag:s30] =	ssyncadd.s32 $0xFFFFC180  }
0x8f: {  	[spmem:s3] =	stream.indirect.scatter.add.f32 [tilespmem:s29], [sflag:$0x4], $0x80, s22, s25, $0xb8;
	[tilespmem:$0x1F080] =	vst v63  }
0x90: {  	_ =	swait.ge [sflag:s31], $0x3E80  }
0x91: {  	[sflag:s31] =	ssyncset.done $0x0  }
0x92: {  	s11 =	rddreg [dreg:$0xc];
	[sflag:s31] =	ssyncadd.s32 $0xFFFFC180  }
0x93: {  	[tilespmem:s26], [sflag:$0x1] =	stream.indirect.gather [hbm4b:s2+s25], $0x80, s11, s25, $0xb8;
	[tilespmem:$0x1F080] =	vst v63  }
0x94: {  	_ =	swait.ge [sflag:s28], $0x3E80  }
0x95: {  	[sflag:s28] =	ssyncset.done $0x0  }
0x96: {  	s13 =	rddreg [dreg:$0xd];
	[sflag:s28] =	ssyncadd.s32 $0xFFFFC180  }
0x97: {  	[spmem:s3] =	stream.indirect.scatter.add.f32 [tilespmem:s26], [sflag:$0x3], $0x80, s13, s25, $0xb8;
	[tilespmem:$0x1F080] =	vst v63  }
0x98: {  	_ =	swait.ge [sflag:s1], $0x3E80  }
0x99: {  	[sflag:s1] =	ssyncset.done $0x0  }
0x9a: {  	s22 =	rddreg [dreg:$0xe];
	[sflag:s1] =	ssyncadd.s32 $0xFFFFC180  }
0x9b: {  	[tilespmem:s29], [sflag:$0x2] =	stream.indirect.gather [hbm4b:s2+s25], $0x80, s22, s25, $0xb8;
	[tilespmem:$0x1F080] =	vst v63  }
0x9c: {  	_ =	swait.ge [sflag:s30], $0x3E80  }
0x9d: {  	[sflag:s30] =	ssyncset.done $0x0  }
0x9e: {  	s11 =	rddreg [dreg:$0xf];
	[sflag:s30] =	ssyncadd.s32 $0xFFFFC180  }
0x9f: {  	[spmem:s3] =	stream.indirect.scatter.add.f32 [tilespmem:s29], [sflag:$0x4], $0x80, s11, s25, $0xb8;
	[tilespmem:$0x1F080] =	vst v63  }
0xa0: {  	_ =	swait.ge [sflag:s31], $0x3E80  }
0xa1: {  	[sflag:s31] =	ssyncset.done $0x0  }
0xa2: {  	s13 =	rddreg [dreg:$0x10];
	[sflag:s31] =	ssyncadd.s32 $0xFFFFC180  }
0xa3: {  	[tilespmem:s26], [sflag:$0x1] =	stream.indirect.gather [hbm4b:s2+s25], $0x80, s13, s25, $0xb8;
	[tilespmem:$0x1F080] =	vst v63  }
0xa4: {  	_ =	swait.ge [sflag:s28], $0x3E80  }
0xa5: {  	[sflag:s28] =	ssyncset.done $0x0  }
0xa6: {  	s22 =	rddreg [dreg:$0x11];
	[sflag:s28] =	ssyncadd.s32 $0xFFFFC180  }
0xa7: {  	[spmem:s3] =	stream.indirect.scatter.add.f32 [tilespmem:s26], [sflag:$0x3], $0x80, s22, s25, $0xb8;
	[tilespmem:$0x1F080] =	vst v63  }
0xa8: {  	_ =	swait.ge [sflag:s1], $0x3E80  }
0xa9: {  	[sflag:s1] =	ssyncset.done $0x0  }
0xaa: {  	s11 =	rddreg [dreg:$0x12];
	[sflag:s1] =	ssyncadd.s32 $0xFFFFC180  }
0xab: {  	[tilespmem:s29], [sflag:$0x2] =	stream.indirect.gather [hbm4b:s2+s25], $0x80, s11, s25, $0xb8;
	[tilespmem:$0x1F080] =	vst v63  }
0xac: {  	_ =	swait.ge [sflag:s30], $0x3E80  }
0xad: {  	[sflag:s30] =	ssyncset.done $0x0  }
0xae: {  	s13 =	rddreg [dreg:$0x13];
	[sflag:s30] =	ssyncadd.s32 $0xFFFFC180  }
0xaf: {  	[spmem:s3] =	stream.indirect.scatter.add.f32 [tilespmem:s29], [sflag:$0x4], $0x80, s13, s25, $0xb8;
	[tilespmem:$0x1F080] =	vst v63  }
0xb0: {  	_ =	swait.ge [sflag:s31], $0x3E80  }
0xb1: {  	[sflag:s31] =	ssyncset.done $0x0  }
0xb2: {  	s22 =	rddreg [dreg:$0x14];
	[sflag:s31] =	ssyncadd.s32 $0xFFFFC180  }
0xb3: {  	[tilespmem:s26], [sflag:$0x1] =	stream.indirect.gather [hbm4b:s2+s25], $0x80, s22, s25, $0xb8;
	[tilespmem:$0x1F080] =	vst v63  }
0xb4: {  	_ =	swait.ge [sflag:s28], $0x3E80  }
0xb5: {  	[sflag:s28] =	ssyncset.done $0x0  }
0xb6: {  	[sflag:s28] =	ssyncadd.s32 $0xFFFFC180  }
0xb7: {  	[spmem:s3] =	stream.indirect.scatter.add.f32 [tilespmem:s26], [sflag:$0x3], $0x80, s0, s25, $0xb8;
	[tilespmem:$0x1F080] =	vst v63  }
0xb8: {  	_ =	swait.ge [sflag:s1], $0x3E80  }
0xb9: {  	[sflag:s1] =	ssyncset.done $0x0  }
0xba: {  	[sflag:s1] =	ssyncadd.s32 $0xFFFFC180  }
0xbb: {  	[tilespmem:s29], [sflag:$0x2] =	stream.indirect.gather [hbm4b:s2+s25], $0x80, s5, s25, $0xb8;
	[tilespmem:$0x1F080] =	vst v63  }
0xbc: {  	_ =	swait.ge [sflag:s30], $0x3E80  }
0xbd: {  	[sflag:s30] =	ssyncset.done $0x0  }
0xbe: {  	[sflag:s30] =	ssyncadd.s32 $0xFFFFC180  }
0xbf: {  	[spmem:s3] =	stream.indirect.scatter.add.f32 [tilespmem:s29], [sflag:$0x4], $0x80, s14, s25, $0xb8;
	[tilespmem:$0x1F080] =	vst v63  }
0xc0: {  	_ =	swait.ge [sflag:s31], $0x3E80  }
0xc1: {  	[sflag:s31] =	ssyncset.done $0x0  }
0xc2: {  	[sflag:s31] =	ssyncadd.s32 $0xFFFFC180  }
0xc3: {  	[tilespmem:s26], [sflag:$0x1] =	stream.indirect.gather [hbm4b:s2+s25], $0x80, s15, s25, $0xb8;
	[tilespmem:$0x1F080] =	vst v63  }
0xc4: {  	_ =	swait.ge [sflag:s28], $0x3E80  }
0xc5: {  	[sflag:s28] =	ssyncset.done $0x0  }
0xc6: {  	[sflag:s28] =	ssyncadd.s32 $0xFFFFC180  }
0xc7: {  	[spmem:s3] =	stream.indirect.scatter.add.f32 [tilespmem:s26], [sflag:$0x3], $0x80, s16, s25, $0xb8;
	[tilespmem:$0x1F080] =	vst v63  }
0xc8: {  	_ =	swait.ge [sflag:s1], $0x3E80  }
0xc9: {  	[sflag:s1] =	ssyncset.done $0x0  }
0xca: {  	[sflag:s1] =	ssyncadd.s32 $0xFFFFC180  }
0xcb: {  	[tilespmem:s29], [sflag:$0x2] =	stream.indirect.gather [hbm4b:s2+s25], $0x80, s17, s25, $0xb8;
	[tilespmem:$0x1F080] =	vst v63  }
0xcc: {  	_ =	swait.ge [sflag:s30], $0x3E80  }
0xcd: {  	[sflag:s30] =	ssyncset.done $0x0  }
0xce: {  	[sflag:s30] =	ssyncadd.s32 $0xFFFFC180  }
0xcf: {  	[spmem:s3] =	stream.indirect.scatter.add.f32 [tilespmem:s29], [sflag:$0x4], $0x80, s18, s25, $0xb8;
	[tilespmem:$0x1F080] =	vst v63  }
0xd0: {  	_ =	swait.ge [sflag:s31], $0x3E80  }
0xd1: {  	[sflag:s31] =	ssyncset.done $0x0  }
0xd2: {  	[sflag:s31] =	ssyncadd.s32 $0xFFFFC180  }
0xd3: {  	[tilespmem:s26], [sflag:$0x1] =	stream.indirect.gather [hbm4b:s2+s25], $0x80, s19, s25, $0xb8;
	[tilespmem:$0x1F080] =	vst v63  }
0xd4: {  	_ =	swait.ge [sflag:s28], $0x3E80  }
0xd5: {  	[sflag:s28] =	ssyncset.done $0x0  }
0xd6: {  	[sflag:s28] =	ssyncadd.s32 $0xFFFFC180  }
0xd7: {  	[spmem:s3] =	stream.indirect.scatter.add.f32 [tilespmem:s26], [sflag:$0x3], $0x80, s20, s25, $0xb8;
	[tilespmem:$0x1F080] =	vst v63  }
0xd8: {  	_ =	swait.ge [sflag:s1], $0x3E80  }
0xd9: {  	[sflag:s1] =	ssyncset.done $0x0  }
0xda: {  	[sflag:s1] =	ssyncadd.s32 $0xFFFFC180  }
0xdb: {  	[tilespmem:s29], [sflag:$0x2] =	stream.indirect.gather [hbm4b:s2+s25], $0x80, s21, s25, $0xb8;
	[tilespmem:$0x1F080] =	vst v63  }
0xdc: {  	_ =	swait.ge [sflag:s30], $0x3E80  }
0xdd: {  	[sflag:s30] =	ssyncset.done $0x0  }
0xde: {  	[sflag:s30] =	ssyncadd.s32 $0xFFFFC180  }
0xdf: {  	[spmem:s3] =	stream.indirect.scatter.add.f32 [tilespmem:s29], [sflag:$0x4], $0x80, s6, s25, $0xb8;
	[tilespmem:$0x1F080] =	vst v63  }
0xe0: {  	_ =	swait.ge [sflag:s31], $0x3E80  }
0xe1: {  	[sflag:s31] =	ssyncset.done $0x0  }
0xe2: {  	[sflag:s31] =	ssyncadd.s32 $0xFFFFC180  }
0xe3: {  	[tilespmem:s26], [sflag:$0x1] =	stream.indirect.gather [hbm4b:s2+s25], $0x80, s7, s25, $0xb8;
	[tilespmem:$0x1F080] =	vst v63  }
0xe4: {  	_ =	swait.ge [sflag:s28], $0x3E80  }
0xe5: {  	[sflag:s28] =	ssyncset.done $0x0  }
0xe6: {  	[sflag:s28] =	ssyncadd.s32 $0xFFFFC180  }
0xe7: {  	[spmem:s3] =	stream.indirect.scatter.add.f32 [tilespmem:s26], [sflag:$0x3], $0x80, s8, s25, $0xb8;
	[tilespmem:$0x1F080] =	vst v63  }
0xe8: {  	_ =	swait.ge [sflag:s1], $0x3E80  }
0xe9: {  	[sflag:s1] =	ssyncset.done $0x0  }
0xea: {  	[sflag:s1] =	ssyncadd.s32 $0xFFFFC180  }
0xeb: {  	[tilespmem:s29], [sflag:$0x2] =	stream.indirect.gather [hbm4b:s2+s25], $0x80, s9, s25, $0xb8;
	[tilespmem:$0x1F080] =	vst v63  }
0xec: {  	_ =	swait.ge [sflag:s30], $0x3E80  }
0xed: {  	[sflag:s30] =	ssyncset.done $0x0  }
0xee: {  	[sflag:s30] =	ssyncadd.s32 $0xFFFFC180  }
0xef: {  	[spmem:s3] =	stream.indirect.scatter.add.f32 [tilespmem:s29], [sflag:$0x4], $0x80, s10, s25, $0xb8;
	[tilespmem:$0x1F080] =	vst v63  }
0xf0: {  	_ =	swait.ge [sflag:s31], $0x3E80  }
0xf1: {  	[sflag:s31] =	ssyncset.done $0x0  }
0xf2: {  	[sflag:s31] =	ssyncadd.s32 $0xFFFFC180  }
0xf3: {  	s12 =	simm.s32 $0x100;
	_ =	swait.ge [sflag:s1], $0x3E80  }
0xf4: {  	s13 =	simm.s32 $0x200;
	s22 =	rddreg [dreg:$0x5];
	[sflag:s1] =	ssyncset.done $0x0  }
.LBB2_4:
0xf5: {  	[sflag:s1] =	ssyncadd.s32 $0xFFFFC180;
	s22 =	sadd.s32 s12, s22  }
0xf6: {  	[tilespmem:s4], [sflag:$0x5] =	stream.linear.gather [hbm4b:s22+s4], $0x800, $0x38;
	[tilespmem:$0x1F080] =	vst v63  }
0xf7: {  	_ =	swait.ge [sflag:s23], $0x800  }
0xf8: {  	s22 =	rddreg [dreg:$0x4];
	[sflag:s23] =	ssyncset.done $0x0  }
0xf9: {  	[sflag:s23] =	ssyncadd.s32 $0xFFFFF800;
	s22 =	sadd.s32 s12, s22  }
0xfa: {  	[tilespmem:s24], [sflag:$0x5] =	stream.linear.gather [hbm4b:s22+s4], $0x800, $0x38;
	[tilespmem:$0x1F080] =	vst v63  }
0xfb: {  	_ =	swait.ge [sflag:s23], $0x800  }
0xfc: {  	[sflag:s23] =	ssyncset.done $0x0  }
0xfd: {  	[sflag:s23] =	ssyncadd.s32 $0xFFFFF800  }
0xfe: {  	[tilespmem:s26], [sflag:$0x1] =	stream.indirect.gather [hbm4b:s2+s25], $0x80, s4, s25, $0xb8;
	[tilespmem:$0x1F080] =	vst v63  }
0xff: {  	_ =	swait.ge [sflag:s28], $0x3E80  }
0x100: {  	[sflag:s28] =	ssyncset.done $0x0  }
0x101: {  	[sflag:s28] =	ssyncadd.s32 $0xFFFFC180  }
0x102: {  	[spmem:s3] =	stream.indirect.scatter.add.f32 [tilespmem:s26], [sflag:$0x3], $0x80, s24, s25, $0xb8;
	[tilespmem:$0x1F080] =	vst v63  }
0x103: {  	s22 =	rddreg [dreg:$0x6]  }
0x104: {  	[tilespmem:s29], [sflag:$0x2] =	stream.indirect.gather [hbm4b:s2+s25], $0x80, s22, s25, $0xb8;
	[tilespmem:$0x1F080] =	vst v63  }
0x105: {  	_ =	swait.ge [sflag:s30], $0x3E80  }
0x106: {  	[sflag:s30] =	ssyncset.done $0x0  }
0x107: {  	s22 =	rddreg [dreg:$0x7];
	[sflag:s30] =	ssyncadd.s32 $0xFFFFC180  }
0x108: {  	[spmem:s3] =	stream.indirect.scatter.add.f32 [tilespmem:s29], [sflag:$0x4], $0x80, s22, s25, $0xb8;
	[tilespmem:$0x1F080] =	vst v63  }
0x109: {  	_ =	swait.ge [sflag:s31], $0x3E80  }
0x10a: {  	[sflag:s31] =	ssyncset.done $0x0  }
0x10b: {  	s22 =	rddreg [dreg:$0x8];
	[sflag:s31] =	ssyncadd.s32 $0xFFFFC180  }
0x10c: {  	[tilespmem:s26], [sflag:$0x1] =	stream.indirect.gather [hbm4b:s2+s25], $0x80, s22, s25, $0xb8;
	[tilespmem:$0x1F080] =	vst v63  }
0x10d: {  	_ =	swait.ge [sflag:s28], $0x3E80  }
0x10e: {  	[sflag:s28] =	ssyncset.done $0x0  }
0x10f: {  	s22 =	rddreg [dreg:$0x9];
	[sflag:s28] =	ssyncadd.s32 $0xFFFFC180  }
0x110: {  	[spmem:s3] =	stream.indirect.scatter.add.f32 [tilespmem:s26], [sflag:$0x3], $0x80, s22, s25, $0xb8;
	[tilespmem:$0x1F080] =	vst v63  }
0x111: {  	_ =	swait.ge [sflag:s1], $0x3E80  }
0x112: {  	[sflag:s1] =	ssyncset.done $0x0  }
0x113: {  	s22 =	rddreg [dreg:$0xa];
	[sflag:s1] =	ssyncadd.s32 $0xFFFFC180  }
0x114: {  	[tilespmem:s29], [sflag:$0x2] =	stream.indirect.gather [hbm4b:s2+s25], $0x80, s22, s25, $0xb8;
	[tilespmem:$0x1F080] =	vst v63  }
0x115: {  	_ =	swait.ge [sflag:s30], $0x3E80  }
0x116: {  	[sflag:s30] =	ssyncset.done $0x0  }
0x117: {  	s22 =	rddreg [dreg:$0xb];
	[sflag:s30] =	ssyncadd.s32 $0xFFFFC180  }
0x118: {  	[spmem:s3] =	stream.indirect.scatter.add.f32 [tilespmem:s29], [sflag:$0x4], $0x80, s22, s25, $0xb8;
	[tilespmem:$0x1F080] =	vst v63  }
0x119: {  	_ =	swait.ge [sflag:s31], $0x3E80  }
0x11a: {  	[sflag:s31] =	ssyncset.done $0x0  }
0x11b: {  	s22 =	rddreg [dreg:$0xc];
	[sflag:s31] =	ssyncadd.s32 $0xFFFFC180  }
0x11c: {  	[tilespmem:s26], [sflag:$0x1] =	stream.indirect.gather [hbm4b:s2+s25], $0x80, s22, s25, $0xb8;
	[tilespmem:$0x1F080] =	vst v63  }
0x11d: {  	_ =	swait.ge [sflag:s28], $0x3E80  }
0x11e: {  	[sflag:s28] =	ssyncset.done $0x0  }
0x11f: {  	s22 =	rddreg [dreg:$0xd];
	[sflag:s28] =	ssyncadd.s32 $0xFFFFC180  }
0x120: {  	[spmem:s3] =	stream.indirect.scatter.add.f32 [tilespmem:s26], [sflag:$0x3], $0x80, s22, s25, $0xb8;
	[tilespmem:$0x1F080] =	vst v63  }
0x121: {  	_ =	swait.ge [sflag:s1], $0x3E80  }
0x122: {  	[sflag:s1] =	ssyncset.done $0x0  }
0x123: {  	s22 =	rddreg [dreg:$0xe];
	[sflag:s1] =	ssyncadd.s32 $0xFFFFC180  }
0x124: {  	[tilespmem:s29], [sflag:$0x2] =	stream.indirect.gather [hbm4b:s2+s25], $0x80, s22, s25, $0xb8;
	[tilespmem:$0x1F080] =	vst v63  }
0x125: {  	_ =	swait.ge [sflag:s30], $0x3E80  }
0x126: {  	[sflag:s30] =	ssyncset.done $0x0  }
0x127: {  	s22 =	rddreg [dreg:$0xf];
	[sflag:s30] =	ssyncadd.s32 $0xFFFFC180  }
0x128: {  	[spmem:s3] =	stream.indirect.scatter.add.f32 [tilespmem:s29], [sflag:$0x4], $0x80, s22, s25, $0xb8;
	[tilespmem:$0x1F080] =	vst v63  }
0x129: {  	_ =	swait.ge [sflag:s31], $0x3E80  }
0x12a: {  	[sflag:s31] =	ssyncset.done $0x0  }
0x12b: {  	s22 =	rddreg [dreg:$0x10];
	[sflag:s31] =	ssyncadd.s32 $0xFFFFC180  }
0x12c: {  	[tilespmem:s26], [sflag:$0x1] =	stream.indirect.gather [hbm4b:s2+s25], $0x80, s22, s25, $0xb8;
	[tilespmem:$0x1F080] =	vst v63  }
0x12d: {  	_ =	swait.ge [sflag:s28], $0x3E80  }
0x12e: {  	[sflag:s28] =	ssyncset.done $0x0  }
0x12f: {  	s22 =	rddreg [dreg:$0x11];
	[sflag:s28] =	ssyncadd.s32 $0xFFFFC180  }
0x130: {  	[spmem:s3] =	stream.indirect.scatter.add.f32 [tilespmem:s26], [sflag:$0x3], $0x80, s22, s25, $0xb8;
	[tilespmem:$0x1F080] =	vst v63  }
0x131: {  	_ =	swait.ge [sflag:s1], $0x3E80  }
0x132: {  	[sflag:s1] =	ssyncset.done $0x0  }
0x133: {  	s22 =	rddreg [dreg:$0x12];
	[sflag:s1] =	ssyncadd.s32 $0xFFFFC180  }
0x134: {  	[tilespmem:s29], [sflag:$0x2] =	stream.indirect.gather [hbm4b:s2+s25], $0x80, s22, s25, $0xb8;
	[tilespmem:$0x1F080] =	vst v63  }
0x135: {  	_ =	swait.ge [sflag:s30], $0x3E80  }
0x136: {  	[sflag:s30] =	ssyncset.done $0x0  }
0x137: {  	s22 =	rddreg [dreg:$0x13];
	[sflag:s30] =	ssyncadd.s32 $0xFFFFC180  }
0x138: {  	[spmem:s3] =	stream.indirect.scatter.add.f32 [tilespmem:s29], [sflag:$0x4], $0x80, s22, s25, $0xb8;
	[tilespmem:$0x1F080] =	vst v63  }
0x139: {  	_ =	swait.ge [sflag:s31], $0x3E80  }
0x13a: {  	[sflag:s31] =	ssyncset.done $0x0  }
0x13b: {  	s22 =	rddreg [dreg:$0x14];
	[sflag:s31] =	ssyncadd.s32 $0xFFFFC180  }
0x13c: {  	[tilespmem:s26], [sflag:$0x1] =	stream.indirect.gather [hbm4b:s2+s25], $0x80, s22, s25, $0xb8;
	[tilespmem:$0x1F080] =	vst v63  }
0x13d: {  	_ =	swait.ge [sflag:s28], $0x3E80  }
0x13e: {  	[sflag:s28] =	ssyncset.done $0x0  }
0x13f: {  	[sflag:s28] =	ssyncadd.s32 $0xFFFFC180  }
0x140: {  	[spmem:s3] =	stream.indirect.scatter.add.f32 [tilespmem:s26], [sflag:$0x3], $0x80, s0, s25, $0xb8;
	[tilespmem:$0x1F080] =	vst v63  }
0x141: {  	_ =	swait.ge [sflag:s1], $0x3E80  }
0x142: {  	[sflag:s1] =	ssyncset.done $0x0  }
0x143: {  	[sflag:s1] =	ssyncadd.s32 $0xFFFFC180  }
0x144: {  	[tilespmem:s29], [sflag:$0x2] =	stream.indirect.gather [hbm4b:s2+s25], $0x80, s5, s25, $0xb8;
	[tilespmem:$0x1F080] =	vst v63  }
0x145: {  	_ =	swait.ge [sflag:s30], $0x3E80  }
0x146: {  	[sflag:s30] =	ssyncset.done $0x0  }
0x147: {  	[sflag:s30] =	ssyncadd.s32 $0xFFFFC180  }
0x148: {  	[spmem:s3] =	stream.indirect.scatter.add.f32 [tilespmem:s29], [sflag:$0x4], $0x80, s14, s25, $0xb8;
	[tilespmem:$0x1F080] =	vst v63  }
0x149: {  	_ =	swait.ge [sflag:s31], $0x3E80  }
0x14a: {  	[sflag:s31] =	ssyncset.done $0x0  }
0x14b: {  	[sflag:s31] =	ssyncadd.s32 $0xFFFFC180  }
0x14c: {  	[tilespmem:s26], [sflag:$0x1] =	stream.indirect.gather [hbm4b:s2+s25], $0x80, s15, s25, $0xb8;
	[tilespmem:$0x1F080] =	vst v63  }
0x14d: {  	_ =	swait.ge [sflag:s28], $0x3E80  }
0x14e: {  	[sflag:s28] =	ssyncset.done $0x0  }
0x14f: {  	[sflag:s28] =	ssyncadd.s32 $0xFFFFC180  }
0x150: {  	[spmem:s3] =	stream.indirect.scatter.add.f32 [tilespmem:s26], [sflag:$0x3], $0x80, s16, s25, $0xb8;
	[tilespmem:$0x1F080] =	vst v63  }
0x151: {  	_ =	swait.ge [sflag:s1], $0x3E80  }
0x152: {  	[sflag:s1] =	ssyncset.done $0x0  }
0x153: {  	[sflag:s1] =	ssyncadd.s32 $0xFFFFC180  }
0x154: {  	[tilespmem:s29], [sflag:$0x2] =	stream.indirect.gather [hbm4b:s2+s25], $0x80, s17, s25, $0xb8;
	[tilespmem:$0x1F080] =	vst v63  }
0x155: {  	_ =	swait.ge [sflag:s30], $0x3E80  }
0x156: {  	[sflag:s30] =	ssyncset.done $0x0  }
0x157: {  	[sflag:s30] =	ssyncadd.s32 $0xFFFFC180  }
0x158: {  	[spmem:s3] =	stream.indirect.scatter.add.f32 [tilespmem:s29], [sflag:$0x4], $0x80, s18, s25, $0xb8;
	[tilespmem:$0x1F080] =	vst v63  }
0x159: {  	_ =	swait.ge [sflag:s31], $0x3E80  }
0x15a: {  	[sflag:s31] =	ssyncset.done $0x0  }
0x15b: {  	[sflag:s31] =	ssyncadd.s32 $0xFFFFC180  }
0x15c: {  	[tilespmem:s26], [sflag:$0x1] =	stream.indirect.gather [hbm4b:s2+s25], $0x80, s19, s25, $0xb8;
	[tilespmem:$0x1F080] =	vst v63  }
0x15d: {  	_ =	swait.ge [sflag:s28], $0x3E80  }
0x15e: {  	[sflag:s28] =	ssyncset.done $0x0  }
0x15f: {  	[sflag:s28] =	ssyncadd.s32 $0xFFFFC180  }
0x160: {  	[spmem:s3] =	stream.indirect.scatter.add.f32 [tilespmem:s26], [sflag:$0x3], $0x80, s20, s25, $0xb8;
	[tilespmem:$0x1F080] =	vst v63  }
0x161: {  	_ =	swait.ge [sflag:s1], $0x3E80  }
0x162: {  	[sflag:s1] =	ssyncset.done $0x0  }
0x163: {  	[sflag:s1] =	ssyncadd.s32 $0xFFFFC180  }
0x164: {  	[tilespmem:s29], [sflag:$0x2] =	stream.indirect.gather [hbm4b:s2+s25], $0x80, s21, s25, $0xb8;
	[tilespmem:$0x1F080] =	vst v63  }
0x165: {  	_ =	swait.ge [sflag:s30], $0x3E80  }
0x166: {  	[sflag:s30] =	ssyncset.done $0x0  }
0x167: {  	[sflag:s30] =	ssyncadd.s32 $0xFFFFC180  }
0x168: {  	[spmem:s3] =	stream.indirect.scatter.add.f32 [tilespmem:s29], [sflag:$0x4], $0x80, s6, s25, $0xb8;
	[tilespmem:$0x1F080] =	vst v63  }
0x169: {  	_ =	swait.ge [sflag:s31], $0x3E80  }
0x16a: {  	[sflag:s31] =	ssyncset.done $0x0  }
0x16b: {  	[sflag:s31] =	ssyncadd.s32 $0xFFFFC180  }
0x16c: {  	[tilespmem:s26], [sflag:$0x1] =	stream.indirect.gather [hbm4b:s2+s25], $0x80, s7, s25, $0xb8;
	[tilespmem:$0x1F080] =	vst v63  }
0x16d: {  	_ =	swait.ge [sflag:s28], $0x3E80  }
0x16e: {  	[sflag:s28] =	ssyncset.done $0x0  }
0x16f: {  	[sflag:s28] =	ssyncadd.s32 $0xFFFFC180  }
0x170: {  	[spmem:s3] =	stream.indirect.scatter.add.f32 [tilespmem:s26], [sflag:$0x3], $0x80, s8, s25, $0xb8;
	[tilespmem:$0x1F080] =	vst v63  }
0x171: {  	_ =	swait.ge [sflag:s1], $0x3E80  }
0x172: {  	[sflag:s1] =	ssyncset.done $0x0  }
0x173: {  	[sflag:s1] =	ssyncadd.s32 $0xFFFFC180  }
0x174: {  	[tilespmem:s29], [sflag:$0x2] =	stream.indirect.gather [hbm4b:s2+s25], $0x80, s9, s25, $0xb8;
	[tilespmem:$0x1F080] =	vst v63  }
0x175: {  	_ =	swait.ge [sflag:s30], $0x3E80  }
0x176: {  	[sflag:s30] =	ssyncset.done $0x0  }
0x177: {  	p1 =	sne.s32 s13, $0x400;
	[sflag:s30] =	ssyncadd.s32 $0xFFFFC180  }
0x178: {  	[spmem:s3] =	stream.indirect.scatter.add.f32 [tilespmem:s29], [sflag:$0x4], $0x80, s10, s25, $0xb8;
	[tilespmem:$0x1F080] =	vst v63  }
.Ltmp1:
0x179: {  	_ =	swait.ge [sflag:s31], $0x3E80;
	(pc) =	sbr.rel @p1 .LBB2_4-.Ltmp1, $4  }
0x17a: {  	[sflag:s31] =	ssyncset.done $0x0  }
0x17b: {  	[sflag:s31] =	ssyncadd.s32 $0xFFFFC180  }
0x17c: {  	s11 =	smov.u32 s13;
	s13 =	sadd.s32 $0x100, s13;
	_ =	swait.ge [sflag:s1], $0x3E80  }
0x17d: {  	s12 =	smov.u32 s11;
	s22 =	rddreg [dreg:$0x5];
	[sflag:s1] =	ssyncset.done $0x0  }
0x17e: {  	[sflag:s1] =	ssyncadd.s32 $0xFFFFC180;
	s11 =	sadd.s32 s12, s22  }
0x17f: {  	[tilespmem:s4], [sflag:$0x5] =	stream.linear.gather [hbm4b:s11+s4], $0x800, $0x38;
	[tilespmem:$0x1F080] =	vst v63  }
0x180: {  	_ =	swait.ge [sflag:s23], $0x800  }
0x181: {  	s22 =	rddreg [dreg:$0x4];
	[sflag:s23] =	ssyncset.done $0x0  }
0x182: {  	[sflag:s23] =	ssyncadd.s32 $0xFFFFF800;
	s11 =	sadd.s32 s12, s22  }
0x183: {  	[tilespmem:s24], [sflag:$0x5] =	stream.linear.gather [hbm4b:s11+s4], $0x800, $0x38;
	[tilespmem:$0x1F080] =	vst v63  }
0x184: {  	_ =	swait.ge [sflag:s23], $0x800  }
0x185: {  	[sflag:s23] =	ssyncset.done $0x0  }
0x186: {  	[sflag:s23] =	ssyncadd.s32 $0xFFFFF800  }
0x187: {  	[tilespmem:s26], [sflag:$0x1] =	stream.indirect.gather [hbm4b:s2+s25], $0x80, s4, s25, $0xb8;
	[tilespmem:$0x1F080] =	vst v63  }
0x188: {  	_ =	swait.ge [sflag:s28], $0x3E80  }
0x189: {  	[sflag:s28] =	ssyncset.done $0x0  }
0x18a: {  	[sflag:s28] =	ssyncadd.s32 $0xFFFFC180  }
0x18b: {  	[spmem:s3] =	stream.indirect.scatter.add.f32 [tilespmem:s26], [sflag:$0x3], $0x80, s24, s25, $0xb8;
	[tilespmem:$0x1F080] =	vst v63  }
0x18c: {  	s12 =	rddreg [dreg:$0x6]  }
0x18d: {  	[tilespmem:s29], [sflag:$0x2] =	stream.indirect.gather [hbm4b:s2+s25], $0x80, s12, s25, $0xb8;
	[tilespmem:$0x1F080] =	vst v63  }
0x18e: {  	_ =	swait.ge [sflag:s30], $0x3E80  }
0x18f: {  	[sflag:s30] =	ssyncset.done $0x0  }
0x190: {  	s13 =	rddreg [dreg:$0x7];
	[sflag:s30] =	ssyncadd.s32 $0xFFFFC180  }
0x191: {  	[spmem:s3] =	stream.indirect.scatter.add.f32 [tilespmem:s29], [sflag:$0x4], $0x80, s13, s25, $0xb8;
	[tilespmem:$0x1F080] =	vst v63  }
0x192: {  	_ =	swait.ge [sflag:s31], $0x3E80  }
0x193: {  	[sflag:s31] =	ssyncset.done $0x0  }
0x194: {  	s22 =	rddreg [dreg:$0x8];
	[sflag:s31] =	ssyncadd.s32 $0xFFFFC180  }
0x195: {  	[tilespmem:s26], [sflag:$0x1] =	stream.indirect.gather [hbm4b:s2+s25], $0x80, s22, s25, $0xb8;
	[tilespmem:$0x1F080] =	vst v63  }
0x196: {  	_ =	swait.ge [sflag:s28], $0x3E80  }
0x197: {  	[sflag:s28] =	ssyncset.done $0x0  }
0x198: {  	s12 =	rddreg [dreg:$0x9];
	[sflag:s28] =	ssyncadd.s32 $0xFFFFC180  }
0x199: {  	[spmem:s3] =	stream.indirect.scatter.add.f32 [tilespmem:s26], [sflag:$0x3], $0x80, s12, s25, $0xb8;
	[tilespmem:$0x1F080] =	vst v63  }
0x19a: {  	_ =	swait.ge [sflag:s1], $0x3E80  }
0x19b: {  	[sflag:s1] =	ssyncset.done $0x0  }
0x19c: {  	s13 =	rddreg [dreg:$0xa];
	[sflag:s1] =	ssyncadd.s32 $0xFFFFC180  }
0x19d: {  	[tilespmem:s29], [sflag:$0x2] =	stream.indirect.gather [hbm4b:s2+s25], $0x80, s13, s25, $0xb8;
	[tilespmem:$0x1F080] =	vst v63  }
0x19e: {  	_ =	swait.ge [sflag:s30], $0x3E80  }
0x19f: {  	[sflag:s30] =	ssyncset.done $0x0  }
0x1a0: {  	s22 =	rddreg [dreg:$0xb];
	[sflag:s30] =	ssyncadd.s32 $0xFFFFC180  }
0x1a1: {  	[spmem:s3] =	stream.indirect.scatter.add.f32 [tilespmem:s29], [sflag:$0x4], $0x80, s22, s25, $0xb8;
	[tilespmem:$0x1F080] =	vst v63  }
0x1a2: {  	_ =	swait.ge [sflag:s31], $0x3E80  }
0x1a3: {  	[sflag:s31] =	ssyncset.done $0x0  }
0x1a4: {  	s12 =	rddreg [dreg:$0xc];
	[sflag:s31] =	ssyncadd.s32 $0xFFFFC180  }
0x1a5: {  	[tilespmem:s26], [sflag:$0x1] =	stream.indirect.gather [hbm4b:s2+s25], $0x80, s12, s25, $0xb8;
	[tilespmem:$0x1F080] =	vst v63  }
0x1a6: {  	_ =	swait.ge [sflag:s28], $0x3E80  }
0x1a7: {  	[sflag:s28] =	ssyncset.done $0x0  }
0x1a8: {  	s13 =	rddreg [dreg:$0xd];
	[sflag:s28] =	ssyncadd.s32 $0xFFFFC180  }
0x1a9: {  	[spmem:s3] =	stream.indirect.scatter.add.f32 [tilespmem:s26], [sflag:$0x3], $0x80, s13, s25, $0xb8;
	[tilespmem:$0x1F080] =	vst v63  }
0x1aa: {  	_ =	swait.ge [sflag:s1], $0x3E80  }
0x1ab: {  	[sflag:s1] =	ssyncset.done $0x0  }
0x1ac: {  	s22 =	rddreg [dreg:$0xe];
	[sflag:s1] =	ssyncadd.s32 $0xFFFFC180  }
0x1ad: {  	[tilespmem:s29], [sflag:$0x2] =	stream.indirect.gather [hbm4b:s2+s25], $0x80, s22, s25, $0xb8;
	[tilespmem:$0x1F080] =	vst v63  }
0x1ae: {  	_ =	swait.ge [sflag:s30], $0x3E80  }
0x1af: {  	[sflag:s30] =	ssyncset.done $0x0  }
0x1b0: {  	s12 =	rddreg [dreg:$0xf];
	[sflag:s30] =	ssyncadd.s32 $0xFFFFC180  }
0x1b1: {  	[spmem:s3] =	stream.indirect.scatter.add.f32 [tilespmem:s29], [sflag:$0x4], $0x80, s12, s25, $0xb8;
	[tilespmem:$0x1F080] =	vst v63  }
0x1b2: {  	_ =	swait.ge [sflag:s31], $0x3E80  }
0x1b3: {  	[sflag:s31] =	ssyncset.done $0x0  }
0x1b4: {  	s13 =	rddreg [dreg:$0x10];
	[sflag:s31] =	ssyncadd.s32 $0xFFFFC180  }
0x1b5: {  	[tilespmem:s26], [sflag:$0x1] =	stream.indirect.gather [hbm4b:s2+s25], $0x80, s13, s25, $0xb8;
	[tilespmem:$0x1F080] =	vst v63  }
0x1b6: {  	_ =	swait.ge [sflag:s28], $0x3E80  }
0x1b7: {  	[sflag:s28] =	ssyncset.done $0x0  }
0x1b8: {  	s22 =	rddreg [dreg:$0x11];
	[sflag:s28] =	ssyncadd.s32 $0xFFFFC180  }
0x1b9: {  	[spmem:s3] =	stream.indirect.scatter.add.f32 [tilespmem:s26], [sflag:$0x3], $0x80, s22, s25, $0xb8;
	[tilespmem:$0x1F080] =	vst v63  }
0x1ba: {  	_ =	swait.ge [sflag:s1], $0x3E80  }
0x1bb: {  	[sflag:s1] =	ssyncset.done $0x0  }
0x1bc: {  	s12 =	rddreg [dreg:$0x12];
	[sflag:s1] =	ssyncadd.s32 $0xFFFFC180  }
0x1bd: {  	[tilespmem:s29], [sflag:$0x2] =	stream.indirect.gather [hbm4b:s2+s25], $0x80, s12, s25, $0xb8;
	[tilespmem:$0x1F080] =	vst v63  }
0x1be: {  	_ =	swait.ge [sflag:s30], $0x3E80  }
0x1bf: {  	[sflag:s30] =	ssyncset.done $0x0  }
0x1c0: {  	s13 =	rddreg [dreg:$0x13];
	[sflag:s30] =	ssyncadd.s32 $0xFFFFC180  }
0x1c1: {  	[spmem:s3] =	stream.indirect.scatter.add.f32 [tilespmem:s29], [sflag:$0x4], $0x80, s13, s25, $0xb8;
	[tilespmem:$0x1F080] =	vst v63  }
0x1c2: {  	_ =	swait.ge [sflag:s31], $0x3E80  }
0x1c3: {  	[sflag:s31] =	ssyncset.done $0x0  }
0x1c4: {  	s22 =	rddreg [dreg:$0x14];
	[sflag:s31] =	ssyncadd.s32 $0xFFFFC180  }
0x1c5: {  	[tilespmem:s26], [sflag:$0x1] =	stream.indirect.gather [hbm4b:s2+s25], $0x80, s22, s25, $0xb8;
	[tilespmem:$0x1F080] =	vst v63  }
0x1c6: {  	_ =	swait.ge [sflag:s28], $0x3E80  }
0x1c7: {  	[sflag:s28] =	ssyncset.done $0x0  }
0x1c8: {  	[sflag:s28] =	ssyncadd.s32 $0xFFFFC180  }
0x1c9: {  	[spmem:s3] =	stream.indirect.scatter.add.f32 [tilespmem:s26], [sflag:$0x3], $0x80, s0, s25, $0xb8;
	[tilespmem:$0x1F080] =	vst v63  }
0x1ca: {  	_ =	swait.ge [sflag:s1], $0x3E80  }
0x1cb: {  	[sflag:s1] =	ssyncset.done $0x0  }
0x1cc: {  	[sflag:s1] =	ssyncadd.s32 $0xFFFFC180  }
0x1cd: {  	[tilespmem:s29], [sflag:$0x2] =	stream.indirect.gather [hbm4b:s2+s25], $0x80, s5, s25, $0xb8;
	[tilespmem:$0x1F080] =	vst v63  }
0x1ce: {  	_ =	swait.ge [sflag:s30], $0x3E80  }
0x1cf: {  	[sflag:s30] =	ssyncset.done $0x0  }
0x1d0: {  	[sflag:s30] =	ssyncadd.s32 $0xFFFFC180  }
0x1d1: {  	[spmem:s3] =	stream.indirect.scatter.add.f32 [tilespmem:s29], [sflag:$0x4], $0x80, s14, s25, $0xb8;
	[tilespmem:$0x1F080] =	vst v63  }
0x1d2: {  	_ =	swait.ge [sflag:s31], $0x3E80  }
0x1d3: {  	[sflag:s31] =	ssyncset.done $0x0  }
0x1d4: {  	[sflag:s31] =	ssyncadd.s32 $0xFFFFC180  }
0x1d5: {  	[tilespmem:s26], [sflag:$0x1] =	stream.indirect.gather [hbm4b:s2+s25], $0x80, s15, s25, $0xb8;
	[tilespmem:$0x1F080] =	vst v63  }
0x1d6: {  	_ =	swait.ge [sflag:s28], $0x3E80  }
0x1d7: {  	[sflag:s28] =	ssyncset.done $0x0  }
0x1d8: {  	[sflag:s28] =	ssyncadd.s32 $0xFFFFC180  }
0x1d9: {  	[spmem:s3] =	stream.indirect.scatter.add.f32 [tilespmem:s26], [sflag:$0x3], $0x80, s16, s25, $0xb8;
	[tilespmem:$0x1F080] =	vst v63  }
0x1da: {  	_ =	swait.ge [sflag:s1], $0x3E80  }
0x1db: {  	[sflag:s1] =	ssyncset.done $0x0  }
0x1dc: {  	[sflag:s1] =	ssyncadd.s32 $0xFFFFC180  }
0x1dd: {  	[tilespmem:s29], [sflag:$0x2] =	stream.indirect.gather [hbm4b:s2+s25], $0x80, s17, s25, $0xb8;
	[tilespmem:$0x1F080] =	vst v63  }
0x1de: {  	_ =	swait.ge [sflag:s30], $0x3E80  }
0x1df: {  	[sflag:s30] =	ssyncset.done $0x0  }
0x1e0: {  	[sflag:s30] =	ssyncadd.s32 $0xFFFFC180  }
0x1e1: {  	[spmem:s3] =	stream.indirect.scatter.add.f32 [tilespmem:s29], [sflag:$0x4], $0x80, s18, s25, $0xb8;
	[tilespmem:$0x1F080] =	vst v63  }
0x1e2: {  	_ =	swait.ge [sflag:s31], $0x3E80  }
0x1e3: {  	[sflag:s31] =	ssyncset.done $0x0  }
0x1e4: {  	[sflag:s31] =	ssyncadd.s32 $0xFFFFC180  }
0x1e5: {  	[tilespmem:s26], [sflag:$0x1] =	stream.indirect.gather [hbm4b:s2+s25], $0x80, s19, s25, $0xb8;
	[tilespmem:$0x1F080] =	vst v63  }
0x1e6: {  	_ =	swait.ge [sflag:s28], $0x3E80  }
0x1e7: {  	[sflag:s28] =	ssyncset.done $0x0  }
0x1e8: {  	[sflag:s28] =	ssyncadd.s32 $0xFFFFC180  }
0x1e9: {  	[spmem:s3] =	stream.indirect.scatter.add.f32 [tilespmem:s26], [sflag:$0x3], $0x80, s20, s25, $0xb8;
	[tilespmem:$0x1F080] =	vst v63  }
0x1ea: {  	_ =	swait.ge [sflag:s1], $0x3E80  }
0x1eb: {  	[sflag:s1] =	ssyncset.done $0x0  }
0x1ec: {  	[sflag:s1] =	ssyncadd.s32 $0xFFFFC180  }
0x1ed: {  	[tilespmem:s29], [sflag:$0x2] =	stream.indirect.gather [hbm4b:s2+s25], $0x80, s21, s25, $0xb8;
	[tilespmem:$0x1F080] =	vst v63  }
0x1ee: {  	_ =	swait.ge [sflag:s30], $0x3E80  }
0x1ef: {  	[sflag:s30] =	ssyncset.done $0x0  }
0x1f0: {  	[sflag:s30] =	ssyncadd.s32 $0xFFFFC180  }
0x1f1: {  	[spmem:s3] =	stream.indirect.scatter.add.f32 [tilespmem:s29], [sflag:$0x4], $0x80, s6, s25, $0xb8;
	[tilespmem:$0x1F080] =	vst v63  }
0x1f2: {  	_ =	swait.ge [sflag:s31], $0x3E80  }
0x1f3: {  	[sflag:s31] =	ssyncset.done $0x0  }
0x1f4: {  	[sflag:s31] =	ssyncadd.s32 $0xFFFFC180  }
0x1f5: {  	[tilespmem:s26], [sflag:$0x1] =	stream.indirect.gather [hbm4b:s2+s25], $0x80, s7, s25, $0xb8;
	[tilespmem:$0x1F080] =	vst v63  }
0x1f6: {  	_ =	swait.ge [sflag:s28], $0x3E80  }
0x1f7: {  	[sflag:s28] =	ssyncset.done $0x0  }
0x1f8: {  	[sflag:s28] =	ssyncadd.s32 $0xFFFFC180  }
0x1f9: {  	[spmem:s3] =	stream.indirect.scatter.add.f32 [tilespmem:s26], [sflag:$0x3], $0x80, s8, s25, $0xb8;
	[tilespmem:$0x1F080] =	vst v63  }
0x1fa: {  	_ =	swait.ge [sflag:s1], $0x3E80  }
0x1fb: {  	[sflag:s1] =	ssyncset.done $0x0  }
0x1fc: {  	[sflag:s1] =	ssyncadd.s32 $0xFFFFC180  }
0x1fd: {  	[tilespmem:s29], [sflag:$0x2] =	stream.indirect.gather [hbm4b:s2+s25], $0x80, s9, s25, $0xb8;
	[tilespmem:$0x1F080] =	vst v63  }
0x1fe: {  	_ =	swait.ge [sflag:s30], $0x3E80  }
0x1ff: {  	[sflag:s30] =	ssyncset.done $0x0  }
0x200: {  	[sflag:s30] =	ssyncadd.s32 $0xFFFFC180  }
0x201: {  	[spmem:s3] =	stream.indirect.scatter.add.f32 [tilespmem:s29], [sflag:$0x4], $0x80, s10, s25, $0xb8;
	[tilespmem:$0x1F080] =	vst v63  }
0x202: {  	_ =	swait.ge [sflag:s31], $0x3E80  }
0x203: {  	[sflag:s31] =	ssyncset.done $0x0  }
0x204: {  	[sflag:s31] =	ssyncadd.s32 $0xFFFFC180  }
0x205: {  	_ =	swait.ge [sflag:s1], $0x3E80  }
0x206: {  	[sflag:s1] =	ssyncset.done $0x0  }
0x207: {  	[sflag:s1] =	ssyncadd.s32 $0xFFFFC180  }
0x208: {  	s12 =	stileid.u32;
	[bflag:$0x0] =	sbarrier.arrive $0xFFFF  }
0x209: {  	s11 =	sshll.u32 s12, $0x6;
	s22 =	rddreg [dreg:$0x16]  }
0x20a: {  	s11 =	sor.u32 $0x1C05, s11;
	s13 =	rddreg [dreg:$0x1e];
	s12 =	sshrl.u32 s22, $0x3  }
0x20b: {  	[hbm:s13], [sflag:s11] =	dma.local [spmem:s12], $0x500  }
0x20c: {  	_ =	swait.ge [sflag:s23], $0x500  }
0x20d: {  	[sflag:s23] =	ssyncset.done $0x0;
	s13 =	rddreg [dreg:$0x17]  }
0x20e: {  	[sflag:s23] =	ssyncadd.s32 $0xFFFFFB00;
	s12 =	sshrl.u32 s13, $0x3;
	s13 =	rddreg [dreg:$0x1f]  }
0x20f: {  	[hbm:s13], [sflag:s11] =	dma.local [spmem:s12], $0x500  }
0x210: {  	_ =	swait.ge [sflag:s23], $0x500  }
0x211: {  	s13 =	rddreg [dreg:$0x18]  }
0x212: {  	s12 =	sshrl.u32 s13, $0x3;
	s13 =	sld [smem:$0x7F8]  }
0x213: {  	[sflag:s23] =	ssyncset.done $0x0  }
0x214: {  	[sflag:s23] =	ssyncadd.s32 $0xFFFFFB00  }
0x215: {  	[hbm:s13], [sflag:s11] =	dma.local [spmem:s12], $0x500  }
0x216: {  	_ =	swait.ge [sflag:s23], $0x500  }
0x217: {  	s13 =	rddreg [dreg:$0x19]  }
0x218: {  	s12 =	sshrl.u32 s13, $0x3;
	s13 =	sld [smem:$0x7F9]  }
0x219: {  	[sflag:s23] =	ssyncset.done $0x0  }
0x21a: {  	[sflag:s23] =	ssyncadd.s32 $0xFFFFFB00  }
0x21b: {  	[hbm:s13], [sflag:s11] =	dma.local [spmem:s12], $0x500  }
0x21c: {  	_ =	swait.ge [sflag:s23], $0x500  }
0x21d: {  	s13 =	rddreg [dreg:$0x1a]  }
0x21e: {  	s12 =	sshrl.u32 s13, $0x3;
	s13 =	sld [smem:$0x7FA]  }
0x21f: {  	[sflag:s23] =	ssyncset.done $0x0  }
0x220: {  	[sflag:s23] =	ssyncadd.s32 $0xFFFFFB00  }
0x221: {  	[hbm:s13], [sflag:s11] =	dma.local [spmem:s12], $0x500  }
0x222: {  	_ =	swait.ge [sflag:s23], $0x500  }
0x223: {  	s13 =	rddreg [dreg:$0x1b]  }
0x224: {  	s12 =	sshrl.u32 s13, $0x3;
	s13 =	sld [smem:$0x7FB]  }
0x225: {  	[sflag:s23] =	ssyncset.done $0x0  }
0x226: {  	[sflag:s23] =	ssyncadd.s32 $0xFFFFFB00  }
0x227: {  	[hbm:s13], [sflag:s11] =	dma.local [spmem:s12], $0x500  }
0x228: {  	_ =	swait.ge [sflag:s23], $0x500  }
0x229: {  	s13 =	rddreg [dreg:$0x1c]  }
0x22a: {  	s12 =	sshrl.u32 s13, $0x3;
	s13 =	sld [smem:$0x7FC]  }
0x22b: {  	[sflag:s23] =	ssyncset.done $0x0  }
0x22c: {  	[sflag:s23] =	ssyncadd.s32 $0xFFFFFB00  }
0x22d: {  	[hbm:s13], [sflag:s11] =	dma.local [spmem:s12], $0x500  }
0x22e: {  	_ =	swait.ge [sflag:s23], $0x500  }
0x22f: {  	s13 =	sld [smem:$0x7FD]  }
0x230: {  	[sflag:s23] =	ssyncset.done $0x0;
	s12 =	rddreg [dreg:$0x1d]  }
0x231: {  	[sflag:s23] =	ssyncadd.s32 $0xFFFFFB00;
	s12 =	sshrl.u32 @!p0 s12, $0x3  }
0x232: {  	[hbm:s13], [sflag:s11] =	dma.local @!p0 [spmem:s12], $0x500  }
0x233: {  	s11 =	simm.s32 @!p0 $0x5  }
0x234: {  	_ =	swait.ge @!p0 [sflag:s11], $0x500  }
0x235: {  	s12 =	sld [smem:$0x7F7];
	_ =	sdelay $0x2  }
0x236: {  	s13 =	sadd.s32 $0x1, s12;
	s12 =	rddreg [dreg:$0x15]  }
0x237: {  	p1 =	sne.s32 s13, s12  }
.Ltmp2:
0x238: {  	_ = 	snop;
	(pc) =	sbr.rel @p1 .LBB2_1-.Ltmp2, $3  }
0x239: {  	_ =	sdelay $0x1  }
0x23a: {  	[sflag:s11] =	ssyncset.done @!p0 $0x0  }
0x23b: {  	[sflag:s11] =	ssyncadd.s32 @!p0 $0xFFFFFB00  }
0x23c: {  	_ =	sfence.sel $0x180000  }
0x23d: {  	[bflag:$0x0] =	sbarrier.arrive $0xFFFF  }
0x23e: {  	_ =	strace $0x90000047  }
0x23f: {  	s0 =	stileid.u32;
	[bflag:$0x2] =	sbarrier.arrive $0xFFFF  }
0x240: {  	p0 =	sne.s32 s0, $0x0;
	s0 =	rddreg [dreg:$0x3]  }
0x241: {  	s0 =	sadd.s32 @!p0 $0x100000, s0  }
0x242: {  	[sflag:s0] =	ssyncadd.tile.s32 @!p0 $0x1;
	_ =	shalt  }
.Lfunc_end2:
_tile_overlayer_lowered:
.L_overlay_start_2:
0x243: {  	(tag) =	ssettag $0x2  }
0x244: {  	s0 =	rddreg [dreg:$0x0];
	s2 =	stileid.u32  }
0x245: {  	s1 =	rddreg [dreg:$0x1];
	p0 =	sne.s32 s2, $0x0  }
0x246: {  	s3 =	rddreg [dreg:$0x2];
	[bflag:$0x3] =	sbarrier.arrive $0xFFFF;
	s2 =	simm.s32 @!p0 $0x1C05  }
0x247: {  	[timem:s3], [sflag:s2] =	dma.local @!p0 [hbm:s0], s1  }
0x248: {  	s0 =	simm.s32 @!p0 $0x5  }
0x249: {  	_ =	swait.ge @!p0 [sflag:s0], s1  }
0x24a: {  	s1 =	ssub.s32 @!p0 $0x0, s1;
	[sflag:s0] =	ssyncset.done @!p0 $0x0  }
0x24b: {  	[sflag:s0] =	ssyncadd.s32 @!p0 s1  }
0x24c: {  	[bflag:$0x3] =	sbarrier.arrive $0xFFFF  }
0x24d: {  	_ =	shalt  }

// kernel: kernel.15.cloned.1.call-start
scs
__scs_entry_jumppad:
0x0: {  	(pc) =	sbr.rel $0x88, $3  }
0x1: {  	(tag) =	ssettag $0x0;
	lr =	simm.s32 $0x1  }
0x2: {  	[smem:$0x3F99] =	sst lr;
	_ =	strace $0xD0000000  }
0x3: {  	_ = 	snop  }
0x4: {  	_ = 	snop  }
0x5: {  	_ = 	snop  }
0x6: {  	_ = 	snop  }
0x7: {  	_ = 	snop  }
__scs_overlays_trampoline_lowered:
0x8: {  	[smem:$0x3FA8] =	sst s0  }
0x9: {  	[smem:$0x3FA9] =	sst s1  }
0xa: {  	[smem:$0x3FAA] =	sst s2  }
0xb: {  	[smem:$0x3FAB] =	sst s3  }
0xc: {  	[smem:$0x3FAC] =	sst s4  }
0xd: {  	[smem:$0x3FAD] =	sst s5  }
0xe: {  	[smem:$0x3FAE] =	sst s6  }
0xf: {  	[smem:$0x3FAF] =	sst s7  }
0x10: {  	[smem:$0x3FB0] =	sst s8  }
0x11: {  	[smem:$0x3FB1] =	sst s9;
	s0 =	simm.s32 @!p0 $0x0  }
0x12: {  	s1 =	sld [smem:$0x3F97];
	s0 =	simm.s32 @p0 $0x1  }
0x13: {  	[smem:$0x3FB2] =	sst s0;
	s0 =	simm.s32 @!p1 $0x0  }
0x14: {  	s2 =	sld [smem:$0x3F96];
	s0 =	simm.s32 @p1 $0x1  }
0x15: {  	[smem:$0x3FB3] =	sst s0;
	s0 =	simm.s32 @!p2 $0x0  }
0x16: {  	s3 =	sld [smem:$0x3FDB];
	s0 =	simm.s32 @p2 $0x1  }
0x17: {  	s4 =	simm.s32 $0x1BF5;
	[smem:$0x3FB5] =	sst s0  }
0x18: {  	s0 =	sld [smem:$0x3F98];
	_ =	swait.ge [sflag:s4], $0x0  }
0x19: {  	s7 =	sld [smem:$0x3F99]  }
0x1a: {  	s8 =	sadd.s32 $0xFFFFE003, lr  }
0x1b: {  	s9 =	sadd.s32 $0xFFFFFEF7, lr;
	s5 =	simm.s32 $0xFFFFFFFF;
	p2 =	slt.u32 s8, $0xFFFFF086  }
0x1c: {  	p1 =	slt.u32 s9, $0xF7A;
	s5 =	simm.s32 @!p2 $0x0  }
0x1d: {  	s5 =	simm.s32 @p1 $0x1;
	p0 =	seq.s32 s7, s2  }
0x1e: {  	s7 =	smul.u32 @!p0 $0xF7A, s2;
	p2 =	seq.s32 @!p0 s5, $0x0  }
0x1f: {  	s9 =	smul.u32 $0xF7A, s1;
	s8 =	simm.s32 @!p0 $0x1BF5;
	p2 =	por !p2, p0  }
0x20: {  	[sflag:s8] =	ssyncset.s32 @!p0 $0xFFFFF086;
	s6 =	sadd.s32 @!p0 s3, s7;
	s7 =	simm.s32 @!p0 $0x108  }
0x21: {  	s3 =	sadd.s32 s3, s9;
	s6 =	sadd.s32 @!p0 $0x88, s6;
	s7 =	simm.s32 @p2 $0x1082  }
0x22: {  	[simem:s7], [sflag:s8] =	dma.local @!p0 [hbm:s6], $0xF7A  }
0x23: {  	s9 =	sor.u32 $0xD0000000, s2;
	s6 =	simm.s32 $0x108;
	_ =	swait.ge @!p0 [sflag:s8], $0x0  }
0x24: {  	s3 =	sadd.s32 $0x88, s3;
	s6 =	simm.s32 @!p1 $0x1082;
	[sflag:s4] =	ssyncset.s32 $0xFFFFF086  }
0x25: {  	[simem:s6], [sflag:s4] =	dma.local [hbm:s3], $0xF7A  }
0x26: {  	[smem:$0x3F99] =	sst s1;
	(tag) =	ssettag s2;
	_ =	strace s9  }
0x27: {  	s1 =	sld [smem:$0x3FA9]  }
0x28: {  	s2 =	sld [smem:$0x3FAA]  }
0x29: {  	s4 =	sld [smem:$0x3FAC]  }
0x2a: {  	p0 =	seq.s32 s5, $0x0;
	s5 =	sld [smem:$0x3FAD]  }
0x2b: {  	s6 =	sld [smem:$0x3FAE]  }
0x2c: {  	s7 =	sld [smem:$0x3FAF]  }
0x2d: {  	s3 =	simm.s32 $0x108;
	s8 =	sld [smem:$0x3FB0]  }
0x2e: {  	s3 =	simm.s32 @!p0 $0x1082;
	s9 =	sld [smem:$0x3FB1]  }
0x2f: {  	lr =	sadd.s32 s0, s3;
	s0 =	sld [smem:$0x3FA8]  }
0x30: {  	s3 =	sld [smem:$0x3FAB]  }
0x31: {  	[smem:$0x3FB4] =	sst s10  }
0x32: {  	s10 =	sld [smem:$0x3FB2];
	_ =	sdelay $0x3  }
0x33: {  	p0 =	seq.s32 s10, $0x1;
	s10 =	sld [smem:$0x3FB4];
	_ =	sdelay $0x3  }
0x34: {  	[smem:$0x3FB4] =	sst s10  }
0x35: {  	s10 =	sld [smem:$0x3FB3];
	_ =	sdelay $0x3  }
0x36: {  	p1 =	seq.s32 s10, $0x1;
	s10 =	sld [smem:$0x3FB4];
	_ =	sdelay $0x3  }
0x37: {  	[smem:$0x3FB4] =	sst s10  }
0x38: {  	s10 =	sld [smem:$0x3FB5]  }
0x39: {  	_ = 	snop;
	(pc) =	sbr.ind lr, $3  }
0x3a: {  	_ = 	snop  }
0x3b: {  	_ = 	snop  }
0x3c: {  	p2 =	seq.s32 s10, $0x1;
	s10 =	sld [smem:$0x3FB4]  }
0x3d: {  	_ =	shalt  }
0x3e: {  	_ =	shalt  }
0x3f: {  	_ =	shalt  }
0x40: {  	_ =	shalt  }
0x41: {  	_ =	shalt  }
0x42: {  	_ =	shalt  }
0x43: {  	_ =	shalt  }
0x44: {  	_ =	shalt  }
0x45: {  	_ =	shalt  }
0x46: {  	_ =	shalt  }
0x47: {  	_ =	shalt  }
0x48: {  	_ =	shalt  }
0x49: {  	_ =	shalt  }
0x4a: {  	_ =	shalt  }
0x4b: {  	_ =	shalt  }
0x4c: {  	_ =	shalt  }
0x4d: {  	_ =	shalt  }
0x4e: {  	_ =	shalt  }
0x4f: {  	_ =	shalt  }
0x50: {  	_ =	shalt  }
0x51: {  	_ =	shalt  }
0x52: {  	_ =	shalt  }
0x53: {  	_ =	shalt  }
0x54: {  	_ =	shalt  }
0x55: {  	_ =	shalt  }
0x56: {  	_ =	shalt  }
0x57: {  	_ =	shalt  }
0x58: {  	_ =	shalt  }
0x59: {  	_ =	shalt  }
0x5a: {  	_ =	shalt  }
0x5b: {  	_ =	shalt  }
0x5c: {  	_ =	shalt  }
0x5d: {  	_ =	shalt  }
0x5e: {  	_ =	shalt  }
0x5f: {  	_ =	shalt  }
0x60: {  	_ =	shalt  }
0x61: {  	_ =	shalt  }
0x62: {  	_ =	shalt  }
0x63: {  	_ =	shalt  }
0x64: {  	_ =	shalt  }
0x65: {  	_ =	shalt  }
0x66: {  	_ =	shalt  }
0x67: {  	_ =	shalt  }
0x68: {  	_ =	shalt  }
0x69: {  	_ =	shalt  }
0x6a: {  	_ =	shalt  }
0x6b: {  	_ =	shalt  }
0x6c: {  	_ =	shalt  }
0x6d: {  	_ =	shalt  }
0x6e: {  	_ =	shalt  }
0x6f: {  	_ =	shalt  }
0x70: {  	_ =	shalt  }
0x71: {  	_ =	shalt  }
0x72: {  	_ =	shalt  }
0x73: {  	_ =	shalt  }
0x74: {  	_ =	shalt  }
0x75: {  	_ =	shalt  }
0x76: {  	_ =	shalt  }
0x77: {  	_ =	shalt  }
0x78: {  	_ =	shalt  }
0x79: {  	_ =	shalt  }
0x7a: {  	_ =	shalt  }
0x7b: {  	_ =	shalt  }
0x7c: {  	_ =	shalt  }
0x7d: {  	_ =	shalt  }
0x7e: {  	_ =	shalt  }
0x7f: {  	_ =	shalt  }
0x80: {  	_ =	shalt  }
0x81: {  	_ =	shalt  }
0x82: {  	_ =	shalt  }
0x83: {  	_ =	shalt  }
0x84: {  	_ =	shalt  }
0x85: {  	_ =	shalt  }
0x86: {  	_ =	shalt  }
0x87: {  	_ =	shalt  }
.Lfunc_end0:
.L_simem_size_0:
called_computation.2_lowered:
.L_overlay_start_0:
0x88: {  	s2 =	sld [smem:$0x3FD9]  }
0x89: {  	s3 =	sld [smem:$0x3FFE];
	_ =	sdelay $0x1  }
0x8a: {  	s1 =	srdreg.scid  }
0x8b: {  	s0 =	sand.u32 $0x1, s1  }
0x8c: {  	s17 =	sshll.u32 s0, $0xA;
	s2 =	sadd.s32 s3, s2  }
0x8d: {  	s2 =	sadd.s32 s2, s17  }
0x8e: {  	[smem:$0x3FC0] =	sst s2  }
0x8f: {  	_ = 	snop  }
0x90: {  	s2 =	sld [smem:$0x3FD0];
	(tm) =	ssettm $0x1  }
0x91: {  	s18 =	sld [smem:$0x3FFB];
	_ =	sdelay $0x3  }
0x92: {  	_ =	strace s18  }
0x93: {  	s3 =	sld [smem:$0x3FFC];
	_ =	sdelay $0x3  }
0x94: {  	_ =	strace s3  }
0x95: {  	s3 =	sld [smem:$0x3FFD];
	_ =	sdelay $0x3  }
0x96: {  	_ =	strace s3  }
0x97: {  	_ =	strace $0x8FFFFFFF  }
0x98: {  	s19 =	sld [smem:$0x3FDB];
	_ =	sdelay $0x1  }
0x99: {  	s4 =	simm.s32 $_scs_section_size  }
0x9a: {  	s5 =	simm.s32 $_size__tile_overlayer_lowered;
	s6 =	simm.s32 $_tile_overlayer_lowered  }
0x9b: {  	s22 =	simm.s32 $0x1BFF;
	s21 =	sshll.u32 s6, $0x1;
	s3 =	sadd.s32 s4, s19  }
0x9c: {  	s7 =	simm.s32 $0x0;
	s20 =	sshll.u32 s5, $0x1;
	s5 =	sadd.s32 s21, s3  }
0x9d: {  	[timem:s7], [sflag:s22] =	dma.local [hbm:s5], s20  }
0x9e: {  	_ =	swait.ge [sflag:s22], s20  }
0x9f: {  	s4 =	ssub.s32 $0x0, s20;
	[sflag:s22] =	ssyncset.done $0x0  }
0xa0: {  	[sflag:s22] =	ssyncadd.s32 s4;
	_ =	sdelay $0x1  }
0xa1: {  	s23 =	simm.s32 $0x1B8B  }
0xa2: {  	_ =	swait.ge [sflag:s23], $0x1  }
0xa3: {  	[sflag:s23] =	ssyncset.done $0x0  }
0xa4: {  	s25 =	simm.s32 $0x1B8E;
	s24 =	sld [smem:$0x3FFE];
	[sflag:s23] =	ssyncadd.s32 $0xFFFFFFFF  }
0xa5: {  	s26 =	simm.s32 $execute0_lowered;
	[smem:$0x3FD2] =	sst s25  }
0xa6: {  	s5 =	sshll.u32 s26, $0x1;
	_ =	strace $0x8000004C;
	[dreg:$0x1] =	wrdreg $0xFFFFFFFF  }
0xa7: {  	s28 =	simm.s32 $_size_execute0_lowered;
	s3 =	sadd.s32 s3, s5;
	[dreg:$0x0] =	wrdreg $0x0  }
0xa8: {  	s5 =	sshll.u32 s28, $0x1;
	[dreg:$0x2] =	wrdreg s3  }
0xa9: {  	[dreg:$0x3] =	wrdreg s5  }
0xaa: {  	[dreg:$0x4] =	wrdreg $0xC0  }
0xab: {  	_ =	task [dreg:s7], $0x5FFFF  }
0xac: {  	[dreg:$0x1] =	wrdreg $0xFFFFFFFF  }
0xad: {  	[dreg:$0x0] =	wrdreg $0x60  }
0xae: {  	[dreg:$0x2] =	wrdreg s2  }
0xaf: {  	[dreg:$0x3] =	wrdreg s24  }
0xb0: {  	[dreg:$0x4] =	wrdreg $0xB8000  }
0xb1: {  	[dreg:$0x5] =	wrdreg $0x9  }
0xb2: {  	_ =	task.clear_ibuf [dreg:s7], $0x6FFFF;
	_ =	strace $0x9000004C  }
0xb3: {  	s29 =	simm.s32 $0x9;
	_ =	strace $0x8000004E  }
0xb4: {  	_ =	swait.ge [sflag:s29], $0x1  }
0xb5: {  	[sflag:s29] =	ssyncadd.s32 $0xFFFFFFFF  }
0xb6: {  	_ =	strace $0x9000004E  }
0xb7: {  	_ =	sfence  }
0xb8: {  	s30 =	sld [smem:$0x0];
	_ =	sdelay $0x2  }
0xb9: {  	s31 =	sshll.u32 s1, $0xD;
	s1 =	sshrl.u32 s1, $0x2  }
0xba: {  	s3 =	sand.u32 $0x4000, s31;
	s1 =	sadd.s32 s1, s30  }
0xbb: {  	s0 =	sor.u32 s3, s0;
	s1 =	sshll.u32 s1, $0x11  }
0xbc: {  	s0 =	sor.u32 s1, s0  }
0xbd: {  	s0 =	sadd.s32 $0x8F2B, s0  }
0xbe: {  	[sflag:s0] =	ssyncadd.remote.s32 $0x1  }
0xbf: {  	_ =	sfence.sel $0xFFFF  }
0xc0: {  	[dreg:$0x0] =	wrdreg $0xFFFFFFFF;
	(pc) =	sbr.abs _section_cstart, $3  }
0xc1: {  	[dreg:$0x1] =	wrdreg $0xFFFFFFFF  }
0xc2: {  	_ =	task.clear_ibuf [dreg:s7], $0x2FFFF;
	_ =	strace $0x9FFFFFFF  }
0xc3: {  	(tm) =	ssettm $0x7FFFFFFF  }
tec
execute0_lowered:
.L_overlay_start_1:
0x0: {  	(tag) =	ssettag $0x1  }
0x1: {  	s0 =	srdreg.scid  }
0x2: {  	s17 =	stileid.u32;
	s2 =	rddreg [dreg:$0x0]  }
0x3: {  	s5 =	rddreg [dreg:$0x1];
	s12 =	smul.u32 $0x5000, s17  }
0x4: {  	s3 =	rddreg [dreg:$0x2];
	s9 =	smul.u32 $0xA000, s17  }
0x5: {  	s4 =	simm.s32 $0x0;
	s1 =	sand.u32 $0x1, s0;
	s26 =	smul.u32 $0x2800, s17  }
0x6: {  	s28 =	simm.s32 $0x1;
	s10 =	sor.u32 $0x10, s17;
	s6 =	smul.u32 $0x2800, s1  }
0x7: {  	s29 =	simm.s32 $0x5000;
	s30 =	simm.s32 $0x2;
	s14 =	smul.u32 $0xA000, s10  }
0x8: {  	s11 =	sor.u32 $0x40, s17;
	s7 =	ssub.s32 $0x2, s1;
	s1 =	smul.u32 $0x138800, s1  }
0x9: {  	s31 =	simm.s32 $0x3;
	[smem:$0x7FF] =	sst s4;
	s21 =	smul.u32 $0xA000, s11  }
0xa: {  	_ =	strace $0x8000004D;
	s10 =	smul.u32 $0x2800, s10;
	s8 =	sshrl.u32 s7, $0x1  }
0xb: {  	s15 =	sshrl.u32 s9, $0x2;
	s0 =	sadd.s32 s6, s12;
	s13 =	ssub.s32 s7, s8  }
0xc: {  	s8 =	sor.u32 $0x20, s17;
	s7 =	sshrl.u32 s14, $0x2;
	s22 =	sadd.s32 s15, s3  }
0xd: {  	s12 =	sor.u32 $0x50, s17;
	s14 =	sor.u32 $0x60, s17;
	s15 =	sshrl.u32 s21, $0x2  }
0xe: {  	s10 =	sadd.s32 s1, s10;
	s21 =	smul.u32 $0x2800, s11;
	s11 =	simm.s32 $0x100  }
0xf: {  	s0 =	sshrl.u32 s0, $0x3;
	s16 =	smul.u32 $0xA000, s8;
	s18 =	sadd.s32 s7, s3  }
0x10: {  	s7 =	sor.u32 $0x30, s17;
	s23 =	sadd.s32 s15, s3;
	[dreg:$0x8] =	wrdreg s11  }
0x11: {  	s8 =	smul.u32 $0x2800, s8;
	s15 =	simm.s32 $0x980;
	[dreg:$0x16] =	wrdreg s22  }
0x12: {  	s6 =	sadd.s32 s0, s5;
	s0 =	sadd.s32 $0x16000, s5;
	s20 =	smul.u32 $0xA000, s7  }
0x13: {  	s5 =	smax.u32 s13, $0x1;
	[dreg:$0x17] =	wrdreg s18;
	s13 =	smul.u32 $0xA000, s12  }
0x14: {  	[dreg:$0x1a] =	wrdreg s23;
	s18 =	sadd.s32 s1, s26;
	s7 =	smul.u32 $0x2800, s7  }
0x15: {  	s23 =	sadd.s32 s1, s21;
	[dreg:$0xb] =	wrdreg s15;
	s21 =	simm.s32 $0x300  }
0x16: {  	s15 =	simm.s32 $0x500;
	[dreg:$0x15] =	wrdreg s5;
	s19 =	sshrl.u32 s16, $0x2  }
0x17: {  	s16 =	smul.u32 $0xA000, s14;
	s8 =	sadd.s32 s1, s8;
	[dreg:$0x10] =	wrdreg s21  }
0x18: {  	s21 =	simm.s32 $0x680;
	s5 =	sadd.s32 s19, s3;
	s9 =	sshrl.u32 s20, $0x2  }
0x19: {  	s13 =	sshrl.u32 s13, $0x2;
	s20 =	sshrl.u32 s10, $0x3;
	s7 =	sadd.s32 s1, s7  }
0x1a: {  	s8 =	sshrl.u32 s8, $0x3;
	s10 =	smul.u32 $0x2800, s14;
	s14 =	simm.s32 $0x180  }
0x1b: {  	[dreg:$0x18] =	wrdreg s5;
	s5 =	sor.u32 $0x70, s17;
	s9 =	sadd.s32 s9, s3  }
0x1c: {  	s25 =	sshrl.u32 s16, $0x2;
	s13 =	sadd.s32 s13, s3;
	[dreg:$0xa] =	wrdreg s14  }
0x1d: {  	s7 =	sshrl.u32 s7, $0x3;
	s8 =	sadd.s32 s0, s8;
	[dreg:$0x19] =	wrdreg s9  }
0x1e: {  	s14 =	simm.s32 $0xC80;
	s24 =	smul.u32 $0xA000, s5;
	[dreg:$0x1b] =	wrdreg s13  }
0x1f: {  	s17 =	sadd.s32 s25, s3;
	s13 =	sshrl.u32 s18, $0x3;
	[smem:$0x7F8] =	sst s8  }
0x20: {  	s7 =	sadd.s32 s0, s7;
	s25 =	sadd.s32 $0x2000, s6;
	[dreg:$0x1c] =	wrdreg s17  }
0x21: {  	s6 =	sadd.s32 $0xC000, s6;
	s8 =	simm.s32 $0x80;
	[smem:$0x7F9] =	sst s7  }
0x22: {  	s16 =	smul.u32 $0x2800, s5;
	s18 =	simm.s32 $0xA00;
	[dreg:$0x4] =	wrdreg s25  }
0x23: {  	p0 =	sgt.u32 s5, $0x7C;
	s5 =	simm.s32 $0x480;
	[dreg:$0x5] =	wrdreg s6  }
0x24: {  	s19 =	sadd.s32 s0, s13;
	s7 =	sshrl.u32 s23, $0x3;
	[dreg:$0x6] =	wrdreg s8  }
0x25: {  	s13 =	sadd.s32 s1, s10;
	s17 =	simm.s32 $0x200;
	[dreg:$0xd] =	wrdreg s18  }
0x26: {  	s23 =	simm.s32 $0xB00;
	s25 =	simm.s32 $0xB80;
	[dreg:$0x1e] =	wrdreg s19  }
0x27: {  	s18 =	simm.s32 $0xD80;
	s6 =	simm.s32 $0xE80;
	[dreg:$0xc] =	wrdreg s17  }
0x28: {  	s8 =	simm.s32 $0xF00;
	s10 =	simm.s32 $0xF80;
	[dreg:$0x11] =	wrdreg s23  }
0x29: {  	s9 =	sshrl.u32 s24, $0x2;
	s7 =	sadd.s32 s0, s7;
	[dreg:$0x13] =	wrdreg s25  }
0x2a: {  	s24 =	smul.u32 $0x2800, s12;
	s12 =	simm.s32 $0x900;
	[smem:$0x7FA] =	sst s7  }
0x2b: {  	s19 =	simm.s32 $0x280;
	s23 =	simm.s32 $0x5;
	[dreg:$0x9] =	wrdreg s12  }
0x2c: {  	s25 =	simm.s32 $0x7D;
	s9 =	sadd.s32 s9, s3;
	[dreg:$0xe] =	wrdreg s19  }
0x2d: {  	s17 =	simm.s32 $0x580;
	s19 =	simm.s32 $0x600;
	[dreg:$0x1d] =	wrdreg s9  }
0x2e: {  	s9 =	sadd.s32 s0, s20;
	s26 =	sadd.s32 s1, s24;
	s1 =	sadd.s32 s1, s16  }
0x2f: {  	s20 =	simm.s32 $0xA80;
	s24 =	simm.s32 $0x380;
	[dreg:$0x1f] =	wrdreg s9  }
0x30: {  	s16 =	simm.s32 $0xD00;
	s7 =	sshrl.u32 s26, $0x3;
	[dreg:$0xf] =	wrdreg s20  }
0x31: {  	s9 =	simm.s32 $0x880;
	s1 =	sshrl.u32 s1, $0x3;
	[dreg:$0x12] =	wrdreg s24  }
0x32: {  	s24 =	simm.s32 $0x800;
	s26 =	simm.s32 $0x400;
	[dreg:$0x7] =	wrdreg s9  }
0x33: {  	s20 =	simm.s32 $0xE00;
	s7 =	sadd.s32 s0, s7;
	[dreg:$0x14] =	wrdreg s26  }
0x34: {  	s26 =	simm.s32 $0x1000;
	[smem:$0x7FB] =	sst s7;
	s7 =	sshrl.u32 s13, $0x3  }
0x35: {  	s9 =	simm.s32 $0x780;
	s13 =	simm.s32 $0x0;
	s7 =	sadd.s32 s0, s7  }
0x36: {  	s0 =	sadd.s32 s0, s1;
	s1 =	simm.s32 $0x4;
	[smem:$0x7FC] =	sst s7  }
0x37: {  	v0 =	vimm.f32 $0.0e+00;
	[smem:$0x7FD] =	sst s0;
	s0 =	simm.s32 $0xC00;
	s7 =	simm.s32 $0x700  }
.LBB2_1:
0x38: {  	[smem:$0x7F7] =	sst s13;
	s12 =	simm.s32 $0x0;
	s13 =	simm.s32 $0x200  }
.LBB2_2:
0x39: {  	p1 =	sne.s32 s13, $0x9E00;
	[tilespmem:s12+$0x9070] =	vst v0  }
0x3a: {  	[tilespmem:s12+$0x9000] =	vst v0  }
0x3b: {  	[tilespmem:s12+$0x9010] =	vst v0  }
.Ltmp0:
0x3c: {  	[tilespmem:s12+$0x9020] =	vst v0;
	(pc) =	sbr.rel @p1 .LBB2_2-.Ltmp0, $4  }
0x3d: {  	[tilespmem:s12+$0x9030] =	vst v0  }
0x3e: {  	[tilespmem:s12+$0x9040] =	vst v0  }
0x3f: {  	[tilespmem:s12+$0x9050] =	vst v0  }
0x40: {  	[tilespmem:s12+$0x9060] =	vst v0;
	s12 =	sshra.s32 s13, $0x2;
	s13 =	sadd.s32 $0x200, s13  }
0x41: {  	[tilespmem:s12+$0x9070] =	vst v0  }
0x42: {  	[tilespmem:s12+$0x9000] =	vst v0  }
0x43: {  	[tilespmem:s12+$0x9010] =	vst v0  }
0x44: {  	[tilespmem:s12+$0x9020] =	vst v0  }
0x45: {  	[tilespmem:s12+$0x9030] =	vst v0  }
0x46: {  	[tilespmem:s12+$0x9040] =	vst v0  }
0x47: {  	[tilespmem:s12+$0x9050] =	vst v0  }
0x48: {  	[tilespmem:s12+$0x9060] =	vst v0;
	s12 =	simm.s32 $0x9000  }
0x49: {  	[spmem:s22] =	stream.linear.scatter [tilespmem:s12], [sflag:$0x5], $0x2800, $0x38;
	[tilespmem:$0x1F080] =	vst v63  }
0x4a: {  	_ =	swait.ge [sflag:s23], $0x2800  }
0x4b: {  	[sflag:s23] =	ssyncset.done $0x0  }
0x4c: {  	s11 =	rddreg [dreg:$0x17];
	[sflag:s23] =	ssyncadd.s32 $0xFFFFD800  }
0x4d: {  	[spmem:s11] =	stream.linear.scatter [tilespmem:s12], [sflag:$0x5], $0x2800, $0x38;
	[tilespmem:$0x1F080] =	vst v63  }
0x4e: {  	_ =	swait.ge [sflag:s23], $0x2800  }
0x4f: {  	[sflag:s23] =	ssyncset.done $0x0  }
0x50: {  	s22 =	rddreg [dreg:$0x18];
	[sflag:s23] =	ssyncadd.s32 $0xFFFFD800  }
0x51: {  	[spmem:s22] =	stream.linear.scatter [tilespmem:s12], [sflag:$0x5], $0x2800, $0x38;
	[tilespmem:$0x1F080] =	vst v63  }
0x52: {  	_ =	swait.ge [sflag:s23], $0x2800  }
0x53: {  	[sflag:s23] =	ssyncset.done $0x0  }
0x54: {  	s13 =	rddreg [dreg:$0x19];
	[sflag:s23] =	ssyncadd.s32 $0xFFFFD800  }
0x55: {  	[spmem:s13] =	stream.linear.scatter [tilespmem:s12], [sflag:$0x5], $0x2800, $0x38;
	[tilespmem:$0x1F080] =	vst v63  }
0x56: {  	_ =	swait.ge [sflag:s23], $0x2800  }
0x57: {  	[sflag:s23] =	ssyncset.done $0x0  }
0x58: {  	s22 =	rddreg [dreg:$0x1a];
	[sflag:s23] =	ssyncadd.s32 $0xFFFFD800  }
0x59: {  	[spmem:s22] =	stream.linear.scatter [tilespmem:s12], [sflag:$0x5], $0x2800, $0x38;
	[tilespmem:$0x1F080] =	vst v63  }
0x5a: {  	_ =	swait.ge [sflag:s23], $0x2800  }
0x5b: {  	[sflag:s23] =	ssyncset.done $0x0  }
0x5c: {  	s13 =	rddreg [dreg:$0x1b];
	[sflag:s23] =	ssyncadd.s32 $0xFFFFD800  }
0x5d: {  	[spmem:s13] =	stream.linear.scatter [tilespmem:s12], [sflag:$0x5], $0x2800, $0x38;
	[tilespmem:$0x1F080] =	vst v63  }
0x5e: {  	_ =	swait.ge [sflag:s23], $0x2800  }
0x5f: {  	[sflag:s23] =	ssyncset.done $0x0  }
0x60: {  	s22 =	rddreg [dreg:$0x1c];
	[sflag:s23] =	ssyncadd.s32 $0xFFFFD800  }
0x61: {  	[spmem:s22] =	stream.linear.scatter [tilespmem:s12], [sflag:$0x5], $0x2800, $0x38;
	[tilespmem:$0x1F080] =	vst v63  }
0x62: {  	_ =	swait.ge [sflag:s23], $0x2800  }
0x63: {  	[sflag:s23] =	ssyncset.done $0x0  }
0x64: {  	s12 =	simm.s32 @!p0 $0x9000;
	s11 =	rddreg [dreg:$0x1d];
	[sflag:s23] =	ssyncadd.s32 $0xFFFFD800  }
0x65: {  	[spmem:s11] =	stream.linear.scatter @!p0 [tilespmem:s12], [sflag:$0x5], $0x2800, $0x38;
	[tilespmem:$0x1F080] =	vst v63  }
0x66: {  	s12 =	simm.s32 @!p0 $0x5  }
0x67: {  	_ =	swait.ge @!p0 [sflag:s12], $0x2800  }
0x68: {  	[sflag:s12] =	ssyncset.done @!p0 $0x0  }
0x69: {  	[sflag:s12] =	ssyncadd.s32 @!p0 $0xFFFFD800  }
0x6a: {  	[bflag:$0x0] =	sbarrier.arrive $0xFFFF  }
0x6b: {  	s13 =	rddreg [dreg:$0x5]  }
0x6c: {  	s12 =	sadd.s32 $0x0, s13  }
0x6d: {  	[tilespmem:s4], [sflag:$0x5] =	stream.linear.gather [hbm4b:s12+s4], $0x800, $0x38;
	[tilespmem:$0x1F080] =	vst v63  }
0x6e: {  	_ =	swait.ge [sflag:s23], $0x800  }
0x6f: {  	s22 =	rddreg [dreg:$0x4];
	[sflag:s23] =	ssyncset.done $0x0  }
0x70: {  	[sflag:s23] =	ssyncadd.s32 $0xFFFFF800;
	s12 =	sadd.s32 $0x0, s22  }
0x71: {  	[tilespmem:s24], [sflag:$0x5] =	stream.linear.gather [hbm4b:s12+s4], $0x800, $0x38;
	[tilespmem:$0x1F080] =	vst v63  }
0x72: {  	_ =	swait.ge [sflag:s23], $0x800  }
0x73: {  	[sflag:s23] =	ssyncset.done $0x0  }
0x74: {  	[sflag:s23] =	ssyncadd.s32 $0xFFFFF800  }
0x75: {  	[tilespmem:s26], [sflag:$0x1] =	stream.indirect.gather [hbm4b:s2+s25], $0x80, s4, s25, $0xb8;
	[tilespmem:$0x1F080] =	vst v63  }
0x76: {  	_ =	swait.ge [sflag:s28], $0x3E80  }
0x77: {  	[sflag:s28] =	ssyncset.done $0x0  }
0x78: {  	[sflag:s28] =	ssyncadd.s32 $0xFFFFC180  }
0x79: {  	[spmem:s3] =	stream.indirect.scatter.add.f32 [tilespmem:s26], [sflag:$0x3], $0x80, s24, s25, $0xb8;
	[tilespmem:$0x1F080] =	vst v63  }
0x7a: {  	s11 =	rddreg [dreg:$0x6]  }
0x7b: {  	[tilespmem:s29], [sflag:$0x2] =	stream.indirect.gather [hbm4b:s2+s25], $0x80, s11, s25, $0xb8;
	[tilespmem:$0x1F080] =	vst v63  }
0x7c: {  	_ =	swait.ge [sflag:s30], $0x3E80  }
0x7d: {  	[sflag:s30] =	ssyncset.done $0x0  }
0x7e: {  	s13 =	rddreg [dreg:$0x7];
	[sflag:s30] =	ssyncadd.s32 $0xFFFFC180  }
0x7f: {  	[spmem:s3] =	stream.indirect.scatter.add.f32 [tilespmem:s29], [sflag:$0x4], $0x80, s13, s25, $0xb8;
	[tilespmem:$0x1F080] =	vst v63  }
0x80: {  	_ =	swait.ge [sflag:s31], $0x3E80  }
0x81: {  	[sflag:s31] =	ssyncset.done $0x0  }
0x82: {  	s22 =	rddreg [dreg:$0x8];
	[sflag:s31] =	ssyncadd.s32 $0xFFFFC180  }
0x83: {  	[tilespmem:s26], [sflag:$0x1] =	stream.indirect.gather [hbm4b:s2+s25], $0x80, s22, s25, $0xb8;
	[tilespmem:$0x1F080] =	vst v63  }
0x84: {  	_ =	swait.ge [sflag:s28], $0x3E80  }
0x85: {  	[sflag:s28] =	ssyncset.done $0x0  }
0x86: {  	s11 =	rddreg [dreg:$0x9];
	[sflag:s28] =	ssyncadd.s32 $0xFFFFC180  }
0x87: {  	[spmem:s3] =	stream.indirect.scatter.add.f32 [tilespmem:s26], [sflag:$0x3], $0x80, s11, s25, $0xb8;
	[tilespmem:$0x1F080] =	vst v63  }
0x88: {  	_ =	swait.ge [sflag:s1], $0x3E80  }
0x89: {  	[sflag:s1] =	ssyncset.done $0x0  }
0x8a: {  	s13 =	rddreg [dreg:$0xa];
	[sflag:s1] =	ssyncadd.s32 $0xFFFFC180  }
0x8b: {  	[tilespmem:s29], [sflag:$0x2] =	stream.indirect.gather [hbm4b:s2+s25], $0x80, s13, s25, $0xb8;
	[tilespmem:$0x1F080] =	vst v63  }
0x8c: {  	_ =	swait.ge [sflag:s30], $0x3E80  }
0x8d: {  	[sflag:s30] =	ssyncset.done $0x0  }
0x8e: {  	s22 =	rddreg [dreg:$0xb];
	[sflag:s30] =	ssyncadd.s32 $0xFFFFC180  }
0x8f: {  	[spmem:s3] =	stream.indirect.scatter.add.f32 [tilespmem:s29], [sflag:$0x4], $0x80, s22, s25, $0xb8;
	[tilespmem:$0x1F080] =	vst v63  }
0x90: {  	_ =	swait.ge [sflag:s31], $0x3E80  }
0x91: {  	[sflag:s31] =	ssyncset.done $0x0  }
0x92: {  	s11 =	rddreg [dreg:$0xc];
	[sflag:s31] =	ssyncadd.s32 $0xFFFFC180  }
0x93: {  	[tilespmem:s26], [sflag:$0x1] =	stream.indirect.gather [hbm4b:s2+s25], $0x80, s11, s25, $0xb8;
	[tilespmem:$0x1F080] =	vst v63  }
0x94: {  	_ =	swait.ge [sflag:s28], $0x3E80  }
0x95: {  	[sflag:s28] =	ssyncset.done $0x0  }
0x96: {  	s13 =	rddreg [dreg:$0xd];
	[sflag:s28] =	ssyncadd.s32 $0xFFFFC180  }
0x97: {  	[spmem:s3] =	stream.indirect.scatter.add.f32 [tilespmem:s26], [sflag:$0x3], $0x80, s13, s25, $0xb8;
	[tilespmem:$0x1F080] =	vst v63  }
0x98: {  	_ =	swait.ge [sflag:s1], $0x3E80  }
0x99: {  	[sflag:s1] =	ssyncset.done $0x0  }
0x9a: {  	s22 =	rddreg [dreg:$0xe];
	[sflag:s1] =	ssyncadd.s32 $0xFFFFC180  }
0x9b: {  	[tilespmem:s29], [sflag:$0x2] =	stream.indirect.gather [hbm4b:s2+s25], $0x80, s22, s25, $0xb8;
	[tilespmem:$0x1F080] =	vst v63  }
0x9c: {  	_ =	swait.ge [sflag:s30], $0x3E80  }
0x9d: {  	[sflag:s30] =	ssyncset.done $0x0  }
0x9e: {  	s11 =	rddreg [dreg:$0xf];
	[sflag:s30] =	ssyncadd.s32 $0xFFFFC180  }
0x9f: {  	[spmem:s3] =	stream.indirect.scatter.add.f32 [tilespmem:s29], [sflag:$0x4], $0x80, s11, s25, $0xb8;
	[tilespmem:$0x1F080] =	vst v63  }
0xa0: {  	_ =	swait.ge [sflag:s31], $0x3E80  }
0xa1: {  	[sflag:s31] =	ssyncset.done $0x0  }
0xa2: {  	s13 =	rddreg [dreg:$0x10];
	[sflag:s31] =	ssyncadd.s32 $0xFFFFC180  }
0xa3: {  	[tilespmem:s26], [sflag:$0x1] =	stream.indirect.gather [hbm4b:s2+s25], $0x80, s13, s25, $0xb8;
	[tilespmem:$0x1F080] =	vst v63  }
0xa4: {  	_ =	swait.ge [sflag:s28], $0x3E80  }
0xa5: {  	[sflag:s28] =	ssyncset.done $0x0  }
0xa6: {  	s22 =	rddreg [dreg:$0x11];
	[sflag:s28] =	ssyncadd.s32 $0xFFFFC180  }
0xa7: {  	[spmem:s3] =	stream.indirect.scatter.add.f32 [tilespmem:s26], [sflag:$0x3], $0x80, s22, s25, $0xb8;
	[tilespmem:$0x1F080] =	vst v63  }
0xa8: {  	_ =	swait.ge [sflag:s1], $0x3E80  }
0xa9: {  	[sflag:s1] =	ssyncset.done $0x0  }
0xaa: {  	s11 =	rddreg [dreg:$0x12];
	[sflag:s1] =	ssyncadd.s32 $0xFFFFC180  }
0xab: {  	[tilespmem:s29], [sflag:$0x2] =	stream.indirect.gather [hbm4b:s2+s25], $0x80, s11, s25, $0xb8;
	[tilespmem:$0x1F080] =	vst v63  }
0xac: {  	_ =	swait.ge [sflag:s30], $0x3E80  }
0xad: {  	[sflag:s30] =	ssyncset.done $0x0  }
0xae: {  	s13 =	rddreg [dreg:$0x13];
	[sflag:s30] =	ssyncadd.s32 $0xFFFFC180  }
0xaf: {  	[spmem:s3] =	stream.indirect.scatter.add.f32 [tilespmem:s29], [sflag:$0x4], $0x80, s13, s25, $0xb8;
	[tilespmem:$0x1F080] =	vst v63  }
0xb0: {  	_ =	swait.ge [sflag:s31], $0x3E80  }
0xb1: {  	[sflag:s31] =	ssyncset.done $0x0  }
0xb2: {  	s22 =	rddreg [dreg:$0x14];
	[sflag:s31] =	ssyncadd.s32 $0xFFFFC180  }
0xb3: {  	[tilespmem:s26], [sflag:$0x1] =	stream.indirect.gather [hbm4b:s2+s25], $0x80, s22, s25, $0xb8;
	[tilespmem:$0x1F080] =	vst v63  }
0xb4: {  	_ =	swait.ge [sflag:s28], $0x3E80  }
0xb5: {  	[sflag:s28] =	ssyncset.done $0x0  }
0xb6: {  	[sflag:s28] =	ssyncadd.s32 $0xFFFFC180  }
0xb7: {  	[spmem:s3] =	stream.indirect.scatter.add.f32 [tilespmem:s26], [sflag:$0x3], $0x80, s0, s25, $0xb8;
	[tilespmem:$0x1F080] =	vst v63  }
0xb8: {  	_ =	swait.ge [sflag:s1], $0x3E80  }
0xb9: {  	[sflag:s1] =	ssyncset.done $0x0  }
0xba: {  	[sflag:s1] =	ssyncadd.s32 $0xFFFFC180  }
0xbb: {  	[tilespmem:s29], [sflag:$0x2] =	stream.indirect.gather [hbm4b:s2+s25], $0x80, s5, s25, $0xb8;
	[tilespmem:$0x1F080] =	vst v63  }
0xbc: {  	_ =	swait.ge [sflag:s30], $0x3E80  }
0xbd: {  	[sflag:s30] =	ssyncset.done $0x0  }
0xbe: {  	[sflag:s30] =	ssyncadd.s32 $0xFFFFC180  }
0xbf: {  	[spmem:s3] =	stream.indirect.scatter.add.f32 [tilespmem:s29], [sflag:$0x4], $0x80, s14, s25, $0xb8;
	[tilespmem:$0x1F080] =	vst v63  }
0xc0: {  	_ =	swait.ge [sflag:s31], $0x3E80  }
0xc1: {  	[sflag:s31] =	ssyncset.done $0x0  }
0xc2: {  	[sflag:s31] =	ssyncadd.s32 $0xFFFFC180  }
0xc3: {  	[tilespmem:s26], [sflag:$0x1] =	stream.indirect.gather [hbm4b:s2+s25], $0x80, s15, s25, $0xb8;
	[tilespmem:$0x1F080] =	vst v63  }
0xc4: {  	_ =	swait.ge [sflag:s28], $0x3E80  }
0xc5: {  	[sflag:s28] =	ssyncset.done $0x0  }
0xc6: {  	[sflag:s28] =	ssyncadd.s32 $0xFFFFC180  }
0xc7: {  	[spmem:s3] =	stream.indirect.scatter.add.f32 [tilespmem:s26], [sflag:$0x3], $0x80, s16, s25, $0xb8;
	[tilespmem:$0x1F080] =	vst v63  }
0xc8: {  	_ =	swait.ge [sflag:s1], $0x3E80  }
0xc9: {  	[sflag:s1] =	ssyncset.done $0x0  }
0xca: {  	[sflag:s1] =	ssyncadd.s32 $0xFFFFC180  }
0xcb: {  	[tilespmem:s29], [sflag:$0x2] =	stream.indirect.gather [hbm4b:s2+s25], $0x80, s17, s25, $0xb8;
	[tilespmem:$0x1F080] =	vst v63  }
0xcc: {  	_ =	swait.ge [sflag:s30], $0x3E80  }
0xcd: {  	[sflag:s30] =	ssyncset.done $0x0  }
0xce: {  	[sflag:s30] =	ssyncadd.s32 $0xFFFFC180  }
0xcf: {  	[spmem:s3] =	stream.indirect.scatter.add.f32 [tilespmem:s29], [sflag:$0x4], $0x80, s18, s25, $0xb8;
	[tilespmem:$0x1F080] =	vst v63  }
0xd0: {  	_ =	swait.ge [sflag:s31], $0x3E80  }
0xd1: {  	[sflag:s31] =	ssyncset.done $0x0  }
0xd2: {  	[sflag:s31] =	ssyncadd.s32 $0xFFFFC180  }
0xd3: {  	[tilespmem:s26], [sflag:$0x1] =	stream.indirect.gather [hbm4b:s2+s25], $0x80, s19, s25, $0xb8;
	[tilespmem:$0x1F080] =	vst v63  }
0xd4: {  	_ =	swait.ge [sflag:s28], $0x3E80  }
0xd5: {  	[sflag:s28] =	ssyncset.done $0x0  }
0xd6: {  	[sflag:s28] =	ssyncadd.s32 $0xFFFFC180  }
0xd7: {  	[spmem:s3] =	stream.indirect.scatter.add.f32 [tilespmem:s26], [sflag:$0x3], $0x80, s20, s25, $0xb8;
	[tilespmem:$0x1F080] =	vst v63  }
0xd8: {  	_ =	swait.ge [sflag:s1], $0x3E80  }
0xd9: {  	[sflag:s1] =	ssyncset.done $0x0  }
0xda: {  	[sflag:s1] =	ssyncadd.s32 $0xFFFFC180  }
0xdb: {  	[tilespmem:s29], [sflag:$0x2] =	stream.indirect.gather [hbm4b:s2+s25], $0x80, s21, s25, $0xb8;
	[tilespmem:$0x1F080] =	vst v63  }
0xdc: {  	_ =	swait.ge [sflag:s30], $0x3E80  }
0xdd: {  	[sflag:s30] =	ssyncset.done $0x0  }
0xde: {  	[sflag:s30] =	ssyncadd.s32 $0xFFFFC180  }
0xdf: {  	[spmem:s3] =	stream.indirect.scatter.add.f32 [tilespmem:s29], [sflag:$0x4], $0x80, s6, s25, $0xb8;
	[tilespmem:$0x1F080] =	vst v63  }
0xe0: {  	_ =	swait.ge [sflag:s31], $0x3E80  }
0xe1: {  	[sflag:s31] =	ssyncset.done $0x0  }
0xe2: {  	[sflag:s31] =	ssyncadd.s32 $0xFFFFC180  }
0xe3: {  	[tilespmem:s26], [sflag:$0x1] =	stream.indirect.gather [hbm4b:s2+s25], $0x80, s7, s25, $0xb8;
	[tilespmem:$0x1F080] =	vst v63  }
0xe4: {  	_ =	swait.ge [sflag:s28], $0x3E80  }
0xe5: {  	[sflag:s28] =	ssyncset.done $0x0  }
0xe6: {  	[sflag:s28] =	ssyncadd.s32 $0xFFFFC180  }
0xe7: {  	[spmem:s3] =	stream.indirect.scatter.add.f32 [tilespmem:s26], [sflag:$0x3], $0x80, s8, s25, $0xb8;
	[tilespmem:$0x1F080] =	vst v63  }
0xe8: {  	_ =	swait.ge [sflag:s1], $0x3E80  }
0xe9: {  	[sflag:s1] =	ssyncset.done $0x0  }
0xea: {  	[sflag:s1] =	ssyncadd.s32 $0xFFFFC180  }
0xeb: {  	[tilespmem:s29], [sflag:$0x2] =	stream.indirect.gather [hbm4b:s2+s25], $0x80, s9, s25, $0xb8;
	[tilespmem:$0x1F080] =	vst v63  }
0xec: {  	_ =	swait.ge [sflag:s30], $0x3E80  }
0xed: {  	[sflag:s30] =	ssyncset.done $0x0  }
0xee: {  	[sflag:s30] =	ssyncadd.s32 $0xFFFFC180  }
0xef: {  	[spmem:s3] =	stream.indirect.scatter.add.f32 [tilespmem:s29], [sflag:$0x4], $0x80, s10, s25, $0xb8;
	[tilespmem:$0x1F080] =	vst v63  }
0xf0: {  	_ =	swait.ge [sflag:s31], $0x3E80  }
0xf1: {  	[sflag:s31] =	ssyncset.done $0x0  }
0xf2: {  	[sflag:s31] =	ssyncadd.s32 $0xFFFFC180  }
0xf3: {  	s12 =	simm.s32 $0x100;
	_ =	swait.ge [sflag:s1], $0x3E80  }
0xf4: {  	s13 =	simm.s32 $0x200;
	s22 =	rddreg [dreg:$0x5];
	[sflag:s1] =	ssyncset.done $0x0  }
.LBB2_4:
0xf5: {  	[sflag:s1] =	ssyncadd.s32 $0xFFFFC180;
	s22 =	sadd.s32 s12, s22  }
0xf6: {  	[tilespmem:s4], [sflag:$0x5] =	stream.linear.gather [hbm4b:s22+s4], $0x800, $0x38;
	[tilespmem:$0x1F080] =	vst v63  }
0xf7: {  	_ =	swait.ge [sflag:s23], $0x800  }
0xf8: {  	s22 =	rddreg [dreg:$0x4];
	[sflag:s23] =	ssyncset.done $0x0  }
0xf9: {  	[sflag:s23] =	ssyncadd.s32 $0xFFFFF800;
	s22 =	sadd.s32 s12, s22  }
0xfa: {  	[tilespmem:s24], [sflag:$0x5] =	stream.linear.gather [hbm4b:s22+s4], $0x800, $0x38;
	[tilespmem:$0x1F080] =	vst v63  }
0xfb: {  	_ =	swait.ge [sflag:s23], $0x800  }
0xfc: {  	[sflag:s23] =	ssyncset.done $0x0  }
0xfd: {  	[sflag:s23] =	ssyncadd.s32 $0xFFFFF800  }
0xfe: {  	[tilespmem:s26], [sflag:$0x1] =	stream.indirect.gather [hbm4b:s2+s25], $0x80, s4, s25, $0xb8;
	[tilespmem:$0x1F080] =	vst v63  }
0xff: {  	_ =	swait.ge [sflag:s28], $0x3E80  }
0x100: {  	[sflag:s28] =	ssyncset.done $0x0  }
0x101: {  	[sflag:s28] =	ssyncadd.s32 $0xFFFFC180  }
0x102: {  	[spmem:s3] =	stream.indirect.scatter.add.f32 [tilespmem:s26], [sflag:$0x3], $0x80, s24, s25, $0xb8;
	[tilespmem:$0x1F080] =	vst v63  }
0x103: {  	s22 =	rddreg [dreg:$0x6]  }
0x104: {  	[tilespmem:s29], [sflag:$0x2] =	stream.indirect.gather [hbm4b:s2+s25], $0x80, s22, s25, $0xb8;
	[tilespmem:$0x1F080] =	vst v63  }
0x105: {  	_ =	swait.ge [sflag:s30], $0x3E80  }
0x106: {  	[sflag:s30] =	ssyncset.done $0x0  }
0x107: {  	s22 =	rddreg [dreg:$0x7];
	[sflag:s30] =	ssyncadd.s32 $0xFFFFC180  }
0x108: {  	[spmem:s3] =	stream.indirect.scatter.add.f32 [tilespmem:s29], [sflag:$0x4], $0x80, s22, s25, $0xb8;
	[tilespmem:$0x1F080] =	vst v63  }
0x109: {  	_ =	swait.ge [sflag:s31], $0x3E80  }
0x10a: {  	[sflag:s31] =	ssyncset.done $0x0  }
0x10b: {  	s22 =	rddreg [dreg:$0x8];
	[sflag:s31] =	ssyncadd.s32 $0xFFFFC180  }
0x10c: {  	[tilespmem:s26], [sflag:$0x1] =	stream.indirect.gather [hbm4b:s2+s25], $0x80, s22, s25, $0xb8;
	[tilespmem:$0x1F080] =	vst v63  }
0x10d: {  	_ =	swait.ge [sflag:s28], $0x3E80  }
0x10e: {  	[sflag:s28] =	ssyncset.done $0x0  }
0x10f: {  	s22 =	rddreg [dreg:$0x9];
	[sflag:s28] =	ssyncadd.s32 $0xFFFFC180  }
0x110: {  	[spmem:s3] =	stream.indirect.scatter.add.f32 [tilespmem:s26], [sflag:$0x3], $0x80, s22, s25, $0xb8;
	[tilespmem:$0x1F080] =	vst v63  }
0x111: {  	_ =	swait.ge [sflag:s1], $0x3E80  }
0x112: {  	[sflag:s1] =	ssyncset.done $0x0  }
0x113: {  	s22 =	rddreg [dreg:$0xa];
	[sflag:s1] =	ssyncadd.s32 $0xFFFFC180  }
0x114: {  	[tilespmem:s29], [sflag:$0x2] =	stream.indirect.gather [hbm4b:s2+s25], $0x80, s22, s25, $0xb8;
	[tilespmem:$0x1F080] =	vst v63  }
0x115: {  	_ =	swait.ge [sflag:s30], $0x3E80  }
0x116: {  	[sflag:s30] =	ssyncset.done $0x0  }
0x117: {  	s22 =	rddreg [dreg:$0xb];
	[sflag:s30] =	ssyncadd.s32 $0xFFFFC180  }
0x118: {  	[spmem:s3] =	stream.indirect.scatter.add.f32 [tilespmem:s29], [sflag:$0x4], $0x80, s22, s25, $0xb8;
	[tilespmem:$0x1F080] =	vst v63  }
0x119: {  	_ =	swait.ge [sflag:s31], $0x3E80  }
0x11a: {  	[sflag:s31] =	ssyncset.done $0x0  }
0x11b: {  	s22 =	rddreg [dreg:$0xc];
	[sflag:s31] =	ssyncadd.s32 $0xFFFFC180  }
0x11c: {  	[tilespmem:s26], [sflag:$0x1] =	stream.indirect.gather [hbm4b:s2+s25], $0x80, s22, s25, $0xb8;
	[tilespmem:$0x1F080] =	vst v63  }
0x11d: {  	_ =	swait.ge [sflag:s28], $0x3E80  }
0x11e: {  	[sflag:s28] =	ssyncset.done $0x0  }
0x11f: {  	s22 =	rddreg [dreg:$0xd];
	[sflag:s28] =	ssyncadd.s32 $0xFFFFC180  }
0x120: {  	[spmem:s3] =	stream.indirect.scatter.add.f32 [tilespmem:s26], [sflag:$0x3], $0x80, s22, s25, $0xb8;
	[tilespmem:$0x1F080] =	vst v63  }
0x121: {  	_ =	swait.ge [sflag:s1], $0x3E80  }
0x122: {  	[sflag:s1] =	ssyncset.done $0x0  }
0x123: {  	s22 =	rddreg [dreg:$0xe];
	[sflag:s1] =	ssyncadd.s32 $0xFFFFC180  }
0x124: {  	[tilespmem:s29], [sflag:$0x2] =	stream.indirect.gather [hbm4b:s2+s25], $0x80, s22, s25, $0xb8;
	[tilespmem:$0x1F080] =	vst v63  }
0x125: {  	_ =	swait.ge [sflag:s30], $0x3E80  }
0x126: {  	[sflag:s30] =	ssyncset.done $0x0  }
0x127: {  	s22 =	rddreg [dreg:$0xf];
	[sflag:s30] =	ssyncadd.s32 $0xFFFFC180  }
0x128: {  	[spmem:s3] =	stream.indirect.scatter.add.f32 [tilespmem:s29], [sflag:$0x4], $0x80, s22, s25, $0xb8;
	[tilespmem:$0x1F080] =	vst v63  }
0x129: {  	_ =	swait.ge [sflag:s31], $0x3E80  }
0x12a: {  	[sflag:s31] =	ssyncset.done $0x0  }
0x12b: {  	s22 =	rddreg [dreg:$0x10];
	[sflag:s31] =	ssyncadd.s32 $0xFFFFC180  }
0x12c: {  	[tilespmem:s26], [sflag:$0x1] =	stream.indirect.gather [hbm4b:s2+s25], $0x80, s22, s25, $0xb8;
	[tilespmem:$0x1F080] =	vst v63  }
0x12d: {  	_ =	swait.ge [sflag:s28], $0x3E80  }
0x12e: {  	[sflag:s28] =	ssyncset.done $0x0  }
0x12f: {  	s22 =	rddreg [dreg:$0x11];
	[sflag:s28] =	ssyncadd.s32 $0xFFFFC180  }
0x130: {  	[spmem:s3] =	stream.indirect.scatter.add.f32 [tilespmem:s26], [sflag:$0x3], $0x80, s22, s25, $0xb8;
	[tilespmem:$0x1F080] =	vst v63  }
0x131: {  	_ =	swait.ge [sflag:s1], $0x3E80  }
0x132: {  	[sflag:s1] =	ssyncset.done $0x0  }
0x133: {  	s22 =	rddreg [dreg:$0x12];
	[sflag:s1] =	ssyncadd.s32 $0xFFFFC180  }
0x134: {  	[tilespmem:s29], [sflag:$0x2] =	stream.indirect.gather [hbm4b:s2+s25], $0x80, s22, s25, $0xb8;
	[tilespmem:$0x1F080] =	vst v63  }
0x135: {  	_ =	swait.ge [sflag:s30], $0x3E80  }
0x136: {  	[sflag:s30] =	ssyncset.done $0x0  }
0x137: {  	s22 =	rddreg [dreg:$0x13];
	[sflag:s30] =	ssyncadd.s32 $0xFFFFC180  }
0x138: {  	[spmem:s3] =	stream.indirect.scatter.add.f32 [tilespmem:s29], [sflag:$0x4], $0x80, s22, s25, $0xb8;
	[tilespmem:$0x1F080] =	vst v63  }
0x139: {  	_ =	swait.ge [sflag:s31], $0x3E80  }
0x13a: {  	[sflag:s31] =	ssyncset.done $0x0  }
0x13b: {  	s22 =	rddreg [dreg:$0x14];
	[sflag:s31] =	ssyncadd.s32 $0xFFFFC180  }
0x13c: {  	[tilespmem:s26], [sflag:$0x1] =	stream.indirect.gather [hbm4b:s2+s25], $0x80, s22, s25, $0xb8;
	[tilespmem:$0x1F080] =	vst v63  }
0x13d: {  	_ =	swait.ge [sflag:s28], $0x3E80  }
0x13e: {  	[sflag:s28] =	ssyncset.done $0x0  }
0x13f: {  	[sflag:s28] =	ssyncadd.s32 $0xFFFFC180  }
0x140: {  	[spmem:s3] =	stream.indirect.scatter.add.f32 [tilespmem:s26], [sflag:$0x3], $0x80, s0, s25, $0xb8;
	[tilespmem:$0x1F080] =	vst v63  }
0x141: {  	_ =	swait.ge [sflag:s1], $0x3E80  }
0x142: {  	[sflag:s1] =	ssyncset.done $0x0  }
0x143: {  	[sflag:s1] =	ssyncadd.s32 $0xFFFFC180  }
0x144: {  	[tilespmem:s29], [sflag:$0x2] =	stream.indirect.gather [hbm4b:s2+s25], $0x80, s5, s25, $0xb8;
	[tilespmem:$0x1F080] =	vst v63  }
0x145: {  	_ =	swait.ge [sflag:s30], $0x3E80  }
0x146: {  	[sflag:s30] =	ssyncset.done $0x0  }
0x147: {  	[sflag:s30] =	ssyncadd.s32 $0xFFFFC180  }
0x148: {  	[spmem:s3] =	stream.indirect.scatter.add.f32 [tilespmem:s29], [sflag:$0x4], $0x80, s14, s25, $0xb8;
	[tilespmem:$0x1F080] =	vst v63  }
0x149: {  	_ =	swait.ge [sflag:s31], $0x3E80  }
0x14a: {  	[sflag:s31] =	ssyncset.done $0x0  }
0x14b: {  	[sflag:s31] =	ssyncadd.s32 $0xFFFFC180  }
0x14c: {  	[tilespmem:s26], [sflag:$0x1] =	stream.indirect.gather [hbm4b:s2+s25], $0x80, s15, s25, $0xb8;
	[tilespmem:$0x1F080] =	vst v63  }
0x14d: {  	_ =	swait.ge [sflag:s28], $0x3E80  }
0x14e: {  	[sflag:s28] =	ssyncset.done $0x0  }
0x14f: {  	[sflag:s28] =	ssyncadd.s32 $0xFFFFC180  }
0x150: {  	[spmem:s3] =	stream.indirect.scatter.add.f32 [tilespmem:s26], [sflag:$0x3], $0x80, s16, s25, $0xb8;
	[tilespmem:$0x1F080] =	vst v63  }
0x151: {  	_ =	swait.ge [sflag:s1], $0x3E80  }
0x152: {  	[sflag:s1] =	ssyncset.done $0x0  }
0x153: {  	[sflag:s1] =	ssyncadd.s32 $0xFFFFC180  }
0x154: {  	[tilespmem:s29], [sflag:$0x2] =	stream.indirect.gather [hbm4b:s2+s25], $0x80, s17, s25, $0xb8;
	[tilespmem:$0x1F080] =	vst v63  }
0x155: {  	_ =	swait.ge [sflag:s30], $0x3E80  }
0x156: {  	[sflag:s30] =	ssyncset.done $0x0  }
0x157: {  	[sflag:s30] =	ssyncadd.s32 $0xFFFFC180  }
0x158: {  	[spmem:s3] =	stream.indirect.scatter.add.f32 [tilespmem:s29], [sflag:$0x4], $0x80, s18, s25, $0xb8;
	[tilespmem:$0x1F080] =	vst v63  }
0x159: {  	_ =	swait.ge [sflag:s31], $0x3E80  }
0x15a: {  	[sflag:s31] =	ssyncset.done $0x0  }
0x15b: {  	[sflag:s31] =	ssyncadd.s32 $0xFFFFC180  }
0x15c: {  	[tilespmem:s26], [sflag:$0x1] =	stream.indirect.gather [hbm4b:s2+s25], $0x80, s19, s25, $0xb8;
	[tilespmem:$0x1F080] =	vst v63  }
0x15d: {  	_ =	swait.ge [sflag:s28], $0x3E80  }
0x15e: {  	[sflag:s28] =	ssyncset.done $0x0  }
0x15f: {  	[sflag:s28] =	ssyncadd.s32 $0xFFFFC180  }
0x160: {  	[spmem:s3] =	stream.indirect.scatter.add.f32 [tilespmem:s26], [sflag:$0x3], $0x80, s20, s25, $0xb8;
	[tilespmem:$0x1F080] =	vst v63  }
0x161: {  	_ =	swait.ge [sflag:s1], $0x3E80  }
0x162: {  	[sflag:s1] =	ssyncset.done $0x0  }
0x163: {  	[sflag:s1] =	ssyncadd.s32 $0xFFFFC180  }
0x164: {  	[tilespmem:s29], [sflag:$0x2] =	stream.indirect.gather [hbm4b:s2+s25], $0x80, s21, s25, $0xb8;
	[tilespmem:$0x1F080] =	vst v63  }
0x165: {  	_ =	swait.ge [sflag:s30], $0x3E80  }
0x166: {  	[sflag:s30] =	ssyncset.done $0x0  }
0x167: {  	[sflag:s30] =	ssyncadd.s32 $0xFFFFC180  }
0x168: {  	[spmem:s3] =	stream.indirect.scatter.add.f32 [tilespmem:s29], [sflag:$0x4], $0x80, s6, s25, $0xb8;
	[tilespmem:$0x1F080] =	vst v63  }
0x169: {  	_ =	swait.ge [sflag:s31], $0x3E80  }
0x16a: {  	[sflag:s31] =	ssyncset.done $0x0  }
0x16b: {  	[sflag:s31] =	ssyncadd.s32 $0xFFFFC180  }
0x16c: {  	[tilespmem:s26], [sflag:$0x1] =	stream.indirect.gather [hbm4b:s2+s25], $0x80, s7, s25, $0xb8;
	[tilespmem:$0x1F080] =	vst v63  }
0x16d: {  	_ =	swait.ge [sflag:s28], $0x3E80  }
0x16e: {  	[sflag:s28] =	ssyncset.done $0x0  }
0x16f: {  	[sflag:s28] =	ssyncadd.s32 $0xFFFFC180  }
0x170: {  	[spmem:s3] =	stream.indirect.scatter.add.f32 [tilespmem:s26], [sflag:$0x3], $0x80, s8, s25, $0xb8;
	[tilespmem:$0x1F080] =	vst v63  }
0x171: {  	_ =	swait.ge [sflag:s1], $0x3E80  }
0x172: {  	[sflag:s1] =	ssyncset.done $0x0  }
0x173: {  	[sflag:s1] =	ssyncadd.s32 $0xFFFFC180  }
0x174: {  	[tilespmem:s29], [sflag:$0x2] =	stream.indirect.gather [hbm4b:s2+s25], $0x80, s9, s25, $0xb8;
	[tilespmem:$0x1F080] =	vst v63  }
0x175: {  	_ =	swait.ge [sflag:s30], $0x3E80  }
0x176: {  	[sflag:s30] =	ssyncset.done $0x0  }
0x177: {  	p1 =	sne.s32 s13, $0x400;
	[sflag:s30] =	ssyncadd.s32 $0xFFFFC180  }
0x178: {  	[spmem:s3] =	stream.indirect.scatter.add.f32 [tilespmem:s29], [sflag:$0x4], $0x80, s10, s25, $0xb8;
	[tilespmem:$0x1F080] =	vst v63  }
.Ltmp1:
0x179: {  	_ =	swait.ge [sflag:s31], $0x3E80;
	(pc) =	sbr.rel @p1 .LBB2_4-.Ltmp1, $4  }
0x17a: {  	[sflag:s31] =	ssyncset.done $0x0  }
0x17b: {  	[sflag:s31] =	ssyncadd.s32 $0xFFFFC180  }
0x17c: {  	s11 =	smov.u32 s13;
	s13 =	sadd.s32 $0x100, s13;
	_ =	swait.ge [sflag:s1], $0x3E80  }
0x17d: {  	s12 =	smov.u32 s11;
	s22 =	rddreg [dreg:$0x5];
	[sflag:s1] =	ssyncset.done $0x0  }
0x17e: {  	[sflag:s1] =	ssyncadd.s32 $0xFFFFC180;
	s11 =	sadd.s32 s12, s22  }
0x17f: {  	[tilespmem:s4], [sflag:$0x5] =	stream.linear.gather [hbm4b:s11+s4], $0x800, $0x38;
	[tilespmem:$0x1F080] =	vst v63  }
0x180: {  	_ =	swait.ge [sflag:s23], $0x800  }
0x181: {  	s22 =	rddreg [dreg:$0x4];
	[sflag:s23] =	ssyncset.done $0x0  }
0x182: {  	[sflag:s23] =	ssyncadd.s32 $0xFFFFF800;
	s11 =	sadd.s32 s12, s22  }
0x183: {  	[tilespmem:s24], [sflag:$0x5] =	stream.linear.gather [hbm4b:s11+s4], $0x800, $0x38;
	[tilespmem:$0x1F080] =	vst v63  }
0x184: {  	_ =	swait.ge [sflag:s23], $0x800  }
0x185: {  	[sflag:s23] =	ssyncset.done $0x0  }
0x186: {  	[sflag:s23] =	ssyncadd.s32 $0xFFFFF800  }
0x187: {  	[tilespmem:s26], [sflag:$0x1] =	stream.indirect.gather [hbm4b:s2+s25], $0x80, s4, s25, $0xb8;
	[tilespmem:$0x1F080] =	vst v63  }
0x188: {  	_ =	swait.ge [sflag:s28], $0x3E80  }
0x189: {  	[sflag:s28] =	ssyncset.done $0x0  }
0x18a: {  	[sflag:s28] =	ssyncadd.s32 $0xFFFFC180  }
0x18b: {  	[spmem:s3] =	stream.indirect.scatter.add.f32 [tilespmem:s26], [sflag:$0x3], $0x80, s24, s25, $0xb8;
	[tilespmem:$0x1F080] =	vst v63  }
0x18c: {  	s12 =	rddreg [dreg:$0x6]  }
0x18d: {  	[tilespmem:s29], [sflag:$0x2] =	stream.indirect.gather [hbm4b:s2+s25], $0x80, s12, s25, $0xb8;
	[tilespmem:$0x1F080] =	vst v63  }
0x18e: {  	_ =	swait.ge [sflag:s30], $0x3E80  }
0x18f: {  	[sflag:s30] =	ssyncset.done $0x0  }
0x190: {  	s13 =	rddreg [dreg:$0x7];
	[sflag:s30] =	ssyncadd.s32 $0xFFFFC180  }
0x191: {  	[spmem:s3] =	stream.indirect.scatter.add.f32 [tilespmem:s29], [sflag:$0x4], $0x80, s13, s25, $0xb8;
	[tilespmem:$0x1F080] =	vst v63  }
0x192: {  	_ =	swait.ge [sflag:s31], $0x3E80  }
0x193: {  	[sflag:s31] =	ssyncset.done $0x0  }
0x194: {  	s22 =	rddreg [dreg:$0x8];
	[sflag:s31] =	ssyncadd.s32 $0xFFFFC180  }
0x195: {  	[tilespmem:s26], [sflag:$0x1] =	stream.indirect.gather [hbm4b:s2+s25], $0x80, s22, s25, $0xb8;
	[tilespmem:$0x1F080] =	vst v63  }
0x196: {  	_ =	swait.ge [sflag:s28], $0x3E80  }
0x197: {  	[sflag:s28] =	ssyncset.done $0x0  }
0x198: {  	s12 =	rddreg [dreg:$0x9];
	[sflag:s28] =	ssyncadd.s32 $0xFFFFC180  }
0x199: {  	[spmem:s3] =	stream.indirect.scatter.add.f32 [tilespmem:s26], [sflag:$0x3], $0x80, s12, s25, $0xb8;
	[tilespmem:$0x1F080] =	vst v63  }
0x19a: {  	_ =	swait.ge [sflag:s1], $0x3E80  }
0x19b: {  	[sflag:s1] =	ssyncset.done $0x0  }
0x19c: {  	s13 =	rddreg [dreg:$0xa];
	[sflag:s1] =	ssyncadd.s32 $0xFFFFC180  }
0x19d: {  	[tilespmem:s29], [sflag:$0x2] =	stream.indirect.gather [hbm4b:s2+s25], $0x80, s13, s25, $0xb8;
	[tilespmem:$0x1F080] =	vst v63  }
0x19e: {  	_ =	swait.ge [sflag:s30], $0x3E80  }
0x19f: {  	[sflag:s30] =	ssyncset.done $0x0  }
0x1a0: {  	s22 =	rddreg [dreg:$0xb];
	[sflag:s30] =	ssyncadd.s32 $0xFFFFC180  }
0x1a1: {  	[spmem:s3] =	stream.indirect.scatter.add.f32 [tilespmem:s29], [sflag:$0x4], $0x80, s22, s25, $0xb8;
	[tilespmem:$0x1F080] =	vst v63  }
0x1a2: {  	_ =	swait.ge [sflag:s31], $0x3E80  }
0x1a3: {  	[sflag:s31] =	ssyncset.done $0x0  }
0x1a4: {  	s12 =	rddreg [dreg:$0xc];
	[sflag:s31] =	ssyncadd.s32 $0xFFFFC180  }
0x1a5: {  	[tilespmem:s26], [sflag:$0x1] =	stream.indirect.gather [hbm4b:s2+s25], $0x80, s12, s25, $0xb8;
	[tilespmem:$0x1F080] =	vst v63  }
0x1a6: {  	_ =	swait.ge [sflag:s28], $0x3E80  }
0x1a7: {  	[sflag:s28] =	ssyncset.done $0x0  }
0x1a8: {  	s13 =	rddreg [dreg:$0xd];
	[sflag:s28] =	ssyncadd.s32 $0xFFFFC180  }
0x1a9: {  	[spmem:s3] =	stream.indirect.scatter.add.f32 [tilespmem:s26], [sflag:$0x3], $0x80, s13, s25, $0xb8;
	[tilespmem:$0x1F080] =	vst v63  }
0x1aa: {  	_ =	swait.ge [sflag:s1], $0x3E80  }
0x1ab: {  	[sflag:s1] =	ssyncset.done $0x0  }
0x1ac: {  	s22 =	rddreg [dreg:$0xe];
	[sflag:s1] =	ssyncadd.s32 $0xFFFFC180  }
0x1ad: {  	[tilespmem:s29], [sflag:$0x2] =	stream.indirect.gather [hbm4b:s2+s25], $0x80, s22, s25, $0xb8;
	[tilespmem:$0x1F080] =	vst v63  }
0x1ae: {  	_ =	swait.ge [sflag:s30], $0x3E80  }
0x1af: {  	[sflag:s30] =	ssyncset.done $0x0  }
0x1b0: {  	s12 =	rddreg [dreg:$0xf];
	[sflag:s30] =	ssyncadd.s32 $0xFFFFC180  }
0x1b1: {  	[spmem:s3] =	stream.indirect.scatter.add.f32 [tilespmem:s29], [sflag:$0x4], $0x80, s12, s25, $0xb8;
	[tilespmem:$0x1F080] =	vst v63  }
0x1b2: {  	_ =	swait.ge [sflag:s31], $0x3E80  }
0x1b3: {  	[sflag:s31] =	ssyncset.done $0x0  }
0x1b4: {  	s13 =	rddreg [dreg:$0x10];
	[sflag:s31] =	ssyncadd.s32 $0xFFFFC180  }
0x1b5: {  	[tilespmem:s26], [sflag:$0x1] =	stream.indirect.gather [hbm4b:s2+s25], $0x80, s13, s25, $0xb8;
	[tilespmem:$0x1F080] =	vst v63  }
0x1b6: {  	_ =	swait.ge [sflag:s28], $0x3E80  }
0x1b7: {  	[sflag:s28] =	ssyncset.done $0x0  }
0x1b8: {  	s22 =	rddreg [dreg:$0x11];
	[sflag:s28] =	ssyncadd.s32 $0xFFFFC180  }
0x1b9: {  	[spmem:s3] =	stream.indirect.scatter.add.f32 [tilespmem:s26], [sflag:$0x3], $0x80, s22, s25, $0xb8;
	[tilespmem:$0x1F080] =	vst v63  }
0x1ba: {  	_ =	swait.ge [sflag:s1], $0x3E80  }
0x1bb: {  	[sflag:s1] =	ssyncset.done $0x0  }
0x1bc: {  	s12 =	rddreg [dreg:$0x12];
	[sflag:s1] =	ssyncadd.s32 $0xFFFFC180  }
0x1bd: {  	[tilespmem:s29], [sflag:$0x2] =	stream.indirect.gather [hbm4b:s2+s25], $0x80, s12, s25, $0xb8;
	[tilespmem:$0x1F080] =	vst v63  }
0x1be: {  	_ =	swait.ge [sflag:s30], $0x3E80  }
0x1bf: {  	[sflag:s30] =	ssyncset.done $0x0  }
0x1c0: {  	s13 =	rddreg [dreg:$0x13];
	[sflag:s30] =	ssyncadd.s32 $0xFFFFC180  }
0x1c1: {  	[spmem:s3] =	stream.indirect.scatter.add.f32 [tilespmem:s29], [sflag:$0x4], $0x80, s13, s25, $0xb8;
	[tilespmem:$0x1F080] =	vst v63  }
0x1c2: {  	_ =	swait.ge [sflag:s31], $0x3E80  }
0x1c3: {  	[sflag:s31] =	ssyncset.done $0x0  }
0x1c4: {  	s22 =	rddreg [dreg:$0x14];
	[sflag:s31] =	ssyncadd.s32 $0xFFFFC180  }
0x1c5: {  	[tilespmem:s26], [sflag:$0x1] =	stream.indirect.gather [hbm4b:s2+s25], $0x80, s22, s25, $0xb8;
	[tilespmem:$0x1F080] =	vst v63  }
0x1c6: {  	_ =	swait.ge [sflag:s28], $0x3E80  }
0x1c7: {  	[sflag:s28] =	ssyncset.done $0x0  }
0x1c8: {  	[sflag:s28] =	ssyncadd.s32 $0xFFFFC180  }
0x1c9: {  	[spmem:s3] =	stream.indirect.scatter.add.f32 [tilespmem:s26], [sflag:$0x3], $0x80, s0, s25, $0xb8;
	[tilespmem:$0x1F080] =	vst v63  }
0x1ca: {  	_ =	swait.ge [sflag:s1], $0x3E80  }
0x1cb: {  	[sflag:s1] =	ssyncset.done $0x0  }
0x1cc: {  	[sflag:s1] =	ssyncadd.s32 $0xFFFFC180  }
0x1cd: {  	[tilespmem:s29], [sflag:$0x2] =	stream.indirect.gather [hbm4b:s2+s25], $0x80, s5, s25, $0xb8;
	[tilespmem:$0x1F080] =	vst v63  }
0x1ce: {  	_ =	swait.ge [sflag:s30], $0x3E80  }
0x1cf: {  	[sflag:s30] =	ssyncset.done $0x0  }
0x1d0: {  	[sflag:s30] =	ssyncadd.s32 $0xFFFFC180  }
0x1d1: {  	[spmem:s3] =	stream.indirect.scatter.add.f32 [tilespmem:s29], [sflag:$0x4], $0x80, s14, s25, $0xb8;
	[tilespmem:$0x1F080] =	vst v63  }
0x1d2: {  	_ =	swait.ge [sflag:s31], $0x3E80  }
0x1d3: {  	[sflag:s31] =	ssyncset.done $0x0  }
0x1d4: {  	[sflag:s31] =	ssyncadd.s32 $0xFFFFC180  }
0x1d5: {  	[tilespmem:s26], [sflag:$0x1] =	stream.indirect.gather [hbm4b:s2+s25], $0x80, s15, s25, $0xb8;
	[tilespmem:$0x1F080] =	vst v63  }
0x1d6: {  	_ =	swait.ge [sflag:s28], $0x3E80  }
0x1d7: {  	[sflag:s28] =	ssyncset.done $0x0  }
0x1d8: {  	[sflag:s28] =	ssyncadd.s32 $0xFFFFC180  }
0x1d9: {  	[spmem:s3] =	stream.indirect.scatter.add.f32 [tilespmem:s26], [sflag:$0x3], $0x80, s16, s25, $0xb8;
	[tilespmem:$0x1F080] =	vst v63  }
0x1da: {  	_ =	swait.ge [sflag:s1], $0x3E80  }
0x1db: {  	[sflag:s1] =	ssyncset.done $0x0  }
0x1dc: {  	[sflag:s1] =	ssyncadd.s32 $0xFFFFC180  }
0x1dd: {  	[tilespmem:s29], [sflag:$0x2] =	stream.indirect.gather [hbm4b:s2+s25], $0x80, s17, s25, $0xb8;
	[tilespmem:$0x1F080] =	vst v63  }
0x1de: {  	_ =	swait.ge [sflag:s30], $0x3E80  }
0x1df: {  	[sflag:s30] =	ssyncset.done $0x0  }
0x1e0: {  	[sflag:s30] =	ssyncadd.s32 $0xFFFFC180  }
0x1e1: {  	[spmem:s3] =	stream.indirect.scatter.add.f32 [tilespmem:s29], [sflag:$0x4], $0x80, s18, s25, $0xb8;
	[tilespmem:$0x1F080] =	vst v63  }
0x1e2: {  	_ =	swait.ge [sflag:s31], $0x3E80  }
0x1e3: {  	[sflag:s31] =	ssyncset.done $0x0  }
0x1e4: {  	[sflag:s31] =	ssyncadd.s32 $0xFFFFC180  }
0x1e5: {  	[tilespmem:s26], [sflag:$0x1] =	stream.indirect.gather [hbm4b:s2+s25], $0x80, s19, s25, $0xb8;
	[tilespmem:$0x1F080] =	vst v63  }
0x1e6: {  	_ =	swait.ge [sflag:s28], $0x3E80  }
0x1e7: {  	[sflag:s28] =	ssyncset.done $0x0  }
0x1e8: {  	[sflag:s28] =	ssyncadd.s32 $0xFFFFC180  }
0x1e9: {  	[spmem:s3] =	stream.indirect.scatter.add.f32 [tilespmem:s26], [sflag:$0x3], $0x80, s20, s25, $0xb8;
	[tilespmem:$0x1F080] =	vst v63  }
0x1ea: {  	_ =	swait.ge [sflag:s1], $0x3E80  }
0x1eb: {  	[sflag:s1] =	ssyncset.done $0x0  }
0x1ec: {  	[sflag:s1] =	ssyncadd.s32 $0xFFFFC180  }
0x1ed: {  	[tilespmem:s29], [sflag:$0x2] =	stream.indirect.gather [hbm4b:s2+s25], $0x80, s21, s25, $0xb8;
	[tilespmem:$0x1F080] =	vst v63  }
0x1ee: {  	_ =	swait.ge [sflag:s30], $0x3E80  }
0x1ef: {  	[sflag:s30] =	ssyncset.done $0x0  }
0x1f0: {  	[sflag:s30] =	ssyncadd.s32 $0xFFFFC180  }
0x1f1: {  	[spmem:s3] =	stream.indirect.scatter.add.f32 [tilespmem:s29], [sflag:$0x4], $0x80, s6, s25, $0xb8;
	[tilespmem:$0x1F080] =	vst v63  }
0x1f2: {  	_ =	swait.ge [sflag:s31], $0x3E80  }
0x1f3: {  	[sflag:s31] =	ssyncset.done $0x0  }
0x1f4: {  	[sflag:s31] =	ssyncadd.s32 $0xFFFFC180  }
0x1f5: {  	[tilespmem:s26], [sflag:$0x1] =	stream.indirect.gather [hbm4b:s2+s25], $0x80, s7, s25, $0xb8;
	[tilespmem:$0x1F080] =	vst v63  }
0x1f6: {  	_ =	swait.ge [sflag:s28], $0x3E80  }
0x1f7: {  	[sflag:s28] =	ssyncset.done $0x0  }
0x1f8: {  	[sflag:s28] =	ssyncadd.s32 $0xFFFFC180  }
0x1f9: {  	[spmem:s3] =	stream.indirect.scatter.add.f32 [tilespmem:s26], [sflag:$0x3], $0x80, s8, s25, $0xb8;
	[tilespmem:$0x1F080] =	vst v63  }
0x1fa: {  	_ =	swait.ge [sflag:s1], $0x3E80  }
0x1fb: {  	[sflag:s1] =	ssyncset.done $0x0  }
0x1fc: {  	[sflag:s1] =	ssyncadd.s32 $0xFFFFC180  }
0x1fd: {  	[tilespmem:s29], [sflag:$0x2] =	stream.indirect.gather [hbm4b:s2+s25], $0x80, s9, s25, $0xb8;
	[tilespmem:$0x1F080] =	vst v63  }
0x1fe: {  	_ =	swait.ge [sflag:s30], $0x3E80  }
0x1ff: {  	[sflag:s30] =	ssyncset.done $0x0  }
0x200: {  	[sflag:s30] =	ssyncadd.s32 $0xFFFFC180  }
0x201: {  	[spmem:s3] =	stream.indirect.scatter.add.f32 [tilespmem:s29], [sflag:$0x4], $0x80, s10, s25, $0xb8;
	[tilespmem:$0x1F080] =	vst v63  }
0x202: {  	_ =	swait.ge [sflag:s31], $0x3E80  }
0x203: {  	[sflag:s31] =	ssyncset.done $0x0  }
0x204: {  	[sflag:s31] =	ssyncadd.s32 $0xFFFFC180  }
0x205: {  	_ =	swait.ge [sflag:s1], $0x3E80  }
0x206: {  	[sflag:s1] =	ssyncset.done $0x0  }
0x207: {  	[sflag:s1] =	ssyncadd.s32 $0xFFFFC180  }
0x208: {  	s12 =	stileid.u32;
	[bflag:$0x0] =	sbarrier.arrive $0xFFFF  }
0x209: {  	s11 =	sshll.u32 s12, $0x6;
	s22 =	rddreg [dreg:$0x16]  }
0x20a: {  	s11 =	sor.u32 $0x1C05, s11;
	s13 =	rddreg [dreg:$0x1e];
	s12 =	sshrl.u32 s22, $0x3  }
0x20b: {  	[hbm:s13], [sflag:s11] =	dma.local [spmem:s12], $0x500  }
0x20c: {  	_ =	swait.ge [sflag:s23], $0x500  }
0x20d: {  	[sflag:s23] =	ssyncset.done $0x0;
	s13 =	rddreg [dreg:$0x17]  }
0x20e: {  	[sflag:s23] =	ssyncadd.s32 $0xFFFFFB00;
	s12 =	sshrl.u32 s13, $0x3;
	s13 =	rddreg [dreg:$0x1f]  }
0x20f: {  	[hbm:s13], [sflag:s11] =	dma.local [spmem:s12], $0x500  }
0x210: {  	_ =	swait.ge [sflag:s23], $0x500  }
0x211: {  	s13 =	rddreg [dreg:$0x18]  }
0x212: {  	s12 =	sshrl.u32 s13, $0x3;
	s13 =	sld [smem:$0x7F8]  }
0x213: {  	[sflag:s23] =	ssyncset.done $0x0  }
0x214: {  	[sflag:s23] =	ssyncadd.s32 $0xFFFFFB00  }
0x215: {  	[hbm:s13], [sflag:s11] =	dma.local [spmem:s12], $0x500  }
0x216: {  	_ =	swait.ge [sflag:s23], $0x500  }
0x217: {  	s13 =	rddreg [dreg:$0x19]  }
0x218: {  	s12 =	sshrl.u32 s13, $0x3;
	s13 =	sld [smem:$0x7F9]  }
0x219: {  	[sflag:s23] =	ssyncset.done $0x0  }
0x21a: {  	[sflag:s23] =	ssyncadd.s32 $0xFFFFFB00  }
0x21b: {  	[hbm:s13], [sflag:s11] =	dma.local [spmem:s12], $0x500  }
0x21c: {  	_ =	swait.ge [sflag:s23], $0x500  }
0x21d: {  	s13 =	rddreg [dreg:$0x1a]  }
0x21e: {  	s12 =	sshrl.u32 s13, $0x3;
	s13 =	sld [smem:$0x7FA]  }
0x21f: {  	[sflag:s23] =	ssyncset.done $0x0  }
0x220: {  	[sflag:s23] =	ssyncadd.s32 $0xFFFFFB00  }
0x221: {  	[hbm:s13], [sflag:s11] =	dma.local [spmem:s12], $0x500  }
0x222: {  	_ =	swait.ge [sflag:s23], $0x500  }
0x223: {  	s13 =	rddreg [dreg:$0x1b]  }
0x224: {  	s12 =	sshrl.u32 s13, $0x3;
	s13 =	sld [smem:$0x7FB]  }
0x225: {  	[sflag:s23] =	ssyncset.done $0x0  }
0x226: {  	[sflag:s23] =	ssyncadd.s32 $0xFFFFFB00  }
0x227: {  	[hbm:s13], [sflag:s11] =	dma.local [spmem:s12], $0x500  }
0x228: {  	_ =	swait.ge [sflag:s23], $0x500  }
0x229: {  	s13 =	rddreg [dreg:$0x1c]  }
0x22a: {  	s12 =	sshrl.u32 s13, $0x3;
	s13 =	sld [smem:$0x7FC]  }
0x22b: {  	[sflag:s23] =	ssyncset.done $0x0  }
0x22c: {  	[sflag:s23] =	ssyncadd.s32 $0xFFFFFB00  }
0x22d: {  	[hbm:s13], [sflag:s11] =	dma.local [spmem:s12], $0x500  }
0x22e: {  	_ =	swait.ge [sflag:s23], $0x500  }
0x22f: {  	s13 =	sld [smem:$0x7FD]  }
0x230: {  	[sflag:s23] =	ssyncset.done $0x0;
	s12 =	rddreg [dreg:$0x1d]  }
0x231: {  	[sflag:s23] =	ssyncadd.s32 $0xFFFFFB00;
	s12 =	sshrl.u32 @!p0 s12, $0x3  }
0x232: {  	[hbm:s13], [sflag:s11] =	dma.local @!p0 [spmem:s12], $0x500  }
0x233: {  	s11 =	simm.s32 @!p0 $0x5  }
0x234: {  	_ =	swait.ge @!p0 [sflag:s11], $0x500  }
0x235: {  	s12 =	sld [smem:$0x7F7];
	_ =	sdelay $0x2  }
0x236: {  	s13 =	sadd.s32 $0x1, s12;
	s12 =	rddreg [dreg:$0x15]  }
0x237: {  	p1 =	sne.s32 s13, s12  }
.Ltmp2:
0x238: {  	_ = 	snop;
	(pc) =	sbr.rel @p1 .LBB2_1-.Ltmp2, $3  }
0x239: {  	_ =	sdelay $0x1  }
0x23a: {  	[sflag:s11] =	ssyncset.done @!p0 $0x0  }
0x23b: {  	[sflag:s11] =	ssyncadd.s32 @!p0 $0xFFFFFB00  }
0x23c: {  	_ =	sfence.sel $0x180000  }
0x23d: {  	[bflag:$0x0] =	sbarrier.arrive $0xFFFF  }
0x23e: {  	_ =	strace $0x9000004D  }
0x23f: {  	s0 =	stileid.u32;
	[bflag:$0x2] =	sbarrier.arrive $0xFFFF  }
0x240: {  	p0 =	sne.s32 s0, $0x0;
	s0 =	rddreg [dreg:$0x3]  }
0x241: {  	s0 =	sadd.s32 @!p0 $0x100000, s0  }
0x242: {  	[sflag:s0] =	ssyncadd.tile.s32 @!p0 $0x1;
	_ =	shalt  }
.Lfunc_end2:
_tile_overlayer_lowered:
.L_overlay_start_2:
0x243: {  	(tag) =	ssettag $0x2  }
0x244: {  	s0 =	rddreg [dreg:$0x0];
	s2 =	stileid.u32  }
0x245: {  	s1 =	rddreg [dreg:$0x1];
	p0 =	sne.s32 s2, $0x0  }
0x246: {  	s3 =	rddreg [dreg:$0x2];
	[bflag:$0x3] =	sbarrier.arrive $0xFFFF;
	s2 =	simm.s32 @!p0 $0x1C05  }
0x247: {  	[timem:s3], [sflag:s2] =	dma.local @!p0 [hbm:s0], s1  }
0x248: {  	s0 =	simm.s32 @!p0 $0x5  }
0x249: {  	_ =	swait.ge @!p0 [sflag:s0], s1  }
0x24a: {  	s1 =	ssub.s32 @!p0 $0x0, s1;
	[sflag:s0] =	ssyncset.done @!p0 $0x0  }
0x24b: {  	[sflag:s0] =	ssyncadd.s32 @!p0 s1  }
0x24c: {  	[bflag:$0x3] =	sbarrier.arrive $0xFFFF  }
0x24d: {  	_ =	shalt  }

// kernel: kernel.9.cloned.1.call-start
scs
__scs_entry_jumppad:
0x0: {  	(pc) =	sbr.rel $0x88, $3  }
0x1: {  	(tag) =	ssettag $0x0;
	lr =	simm.s32 $0x1  }
0x2: {  	[smem:$0x3F99] =	sst lr;
	_ =	strace $0xD0000000  }
0x3: {  	_ = 	snop  }
0x4: {  	_ = 	snop  }
0x5: {  	_ = 	snop  }
0x6: {  	_ = 	snop  }
0x7: {  	_ = 	snop  }
__scs_overlays_trampoline_lowered:
0x8: {  	[smem:$0x3FA8] =	sst s0  }
0x9: {  	[smem:$0x3FA9] =	sst s1  }
0xa: {  	[smem:$0x3FAA] =	sst s2  }
0xb: {  	[smem:$0x3FAB] =	sst s3  }
0xc: {  	[smem:$0x3FAC] =	sst s4  }
0xd: {  	[smem:$0x3FAD] =	sst s5  }
0xe: {  	[smem:$0x3FAE] =	sst s6  }
0xf: {  	[smem:$0x3FAF] =	sst s7  }
0x10: {  	[smem:$0x3FB0] =	sst s8  }
0x11: {  	[smem:$0x3FB1] =	sst s9;
	s0 =	simm.s32 @!p0 $0x0  }
0x12: {  	s1 =	sld [smem:$0x3F97];
	s0 =	simm.s32 @p0 $0x1  }
0x13: {  	[smem:$0x3FB2] =	sst s0;
	s0 =	simm.s32 @!p1 $0x0  }
0x14: {  	s2 =	sld [smem:$0x3F96];
	s0 =	simm.s32 @p1 $0x1  }
0x15: {  	[smem:$0x3FB3] =	sst s0;
	s0 =	simm.s32 @!p2 $0x0  }
0x16: {  	s3 =	sld [smem:$0x3FDB];
	s0 =	simm.s32 @p2 $0x1  }
0x17: {  	s4 =	simm.s32 $0x1BF5;
	[smem:$0x3FB5] =	sst s0  }
0x18: {  	s0 =	sld [smem:$0x3F98];
	_ =	swait.ge [sflag:s4], $0x0  }
0x19: {  	s7 =	sld [smem:$0x3F99]  }
0x1a: {  	s8 =	sadd.s32 $0xFFFFE003, lr  }
0x1b: {  	s9 =	sadd.s32 $0xFFFFFEF7, lr;
	s5 =	simm.s32 $0xFFFFFFFF;
	p2 =	slt.u32 s8, $0xFFFFF086  }
0x1c: {  	p1 =	slt.u32 s9, $0xF7A;
	s5 =	simm.s32 @!p2 $0x0  }
0x1d: {  	s5 =	simm.s32 @p1 $0x1;
	p0 =	seq.s32 s7, s2  }
0x1e: {  	s7 =	smul.u32 @!p0 $0xF7A, s2;
	p2 =	seq.s32 @!p0 s5, $0x0  }
0x1f: {  	s9 =	smul.u32 $0xF7A, s1;
	s8 =	simm.s32 @!p0 $0x1BF5;
	p2 =	por !p2, p0  }
0x20: {  	[sflag:s8] =	ssyncset.s32 @!p0 $0xFFFFF086;
	s6 =	sadd.s32 @!p0 s3, s7;
	s7 =	simm.s32 @!p0 $0x108  }
0x21: {  	s3 =	sadd.s32 s3, s9;
	s6 =	sadd.s32 @!p0 $0x88, s6;
	s7 =	simm.s32 @p2 $0x1082  }
0x22: {  	[simem:s7], [sflag:s8] =	dma.local @!p0 [hbm:s6], $0xF7A  }
0x23: {  	s9 =	sor.u32 $0xD0000000, s2;
	s6 =	simm.s32 $0x108;
	_ =	swait.ge @!p0 [sflag:s8], $0x0  }
0x24: {  	s3 =	sadd.s32 $0x88, s3;
	s6 =	simm.s32 @!p1 $0x1082;
	[sflag:s4] =	ssyncset.s32 $0xFFFFF086  }
0x25: {  	[simem:s6], [sflag:s4] =	dma.local [hbm:s3], $0xF7A  }
0x26: {  	[smem:$0x3F99] =	sst s1;
	(tag) =	ssettag s2;
	_ =	strace s9  }
0x27: {  	s1 =	sld [smem:$0x3FA9]  }
0x28: {  	s2 =	sld [smem:$0x3FAA]  }
0x29: {  	s4 =	sld [smem:$0x3FAC]  }
0x2a: {  	p0 =	seq.s32 s5, $0x0;
	s5 =	sld [smem:$0x3FAD]  }
0x2b: {  	s6 =	sld [smem:$0x3FAE]  }
0x2c: {  	s7 =	sld [smem:$0x3FAF]  }
0x2d: {  	s3 =	simm.s32 $0x108;
	s8 =	sld [smem:$0x3FB0]  }
0x2e: {  	s3 =	simm.s32 @!p0 $0x1082;
	s9 =	sld [smem:$0x3FB1]  }
0x2f: {  	lr =	sadd.s32 s0, s3;
	s0 =	sld [smem:$0x3FA8]  }
0x30: {  	s3 =	sld [smem:$0x3FAB]  }
0x31: {  	[smem:$0x3FB4] =	sst s10  }
0x32: {  	s10 =	sld [smem:$0x3FB2];
	_ =	sdelay $0x3  }
0x33: {  	p0 =	seq.s32 s10, $0x1;
	s10 =	sld [smem:$0x3FB4];
	_ =	sdelay $0x3  }
0x34: {  	[smem:$0x3FB4] =	sst s10  }
0x35: {  	s10 =	sld [smem:$0x3FB3];
	_ =	sdelay $0x3  }
0x36: {  	p1 =	seq.s32 s10, $0x1;
	s10 =	sld [smem:$0x3FB4];
	_ =	sdelay $0x3  }
0x37: {  	[smem:$0x3FB4] =	sst s10  }
0x38: {  	s10 =	sld [smem:$0x3FB5]  }
0x39: {  	_ = 	snop;
	(pc) =	sbr.ind lr, $3  }
0x3a: {  	_ = 	snop  }
0x3b: {  	_ = 	snop  }
0x3c: {  	p2 =	seq.s32 s10, $0x1;
	s10 =	sld [smem:$0x3FB4]  }
0x3d: {  	_ =	shalt  }
0x3e: {  	_ =	shalt  }
0x3f: {  	_ =	shalt  }
0x40: {  	_ =	shalt  }
0x41: {  	_ =	shalt  }
0x42: {  	_ =	shalt  }
0x43: {  	_ =	shalt  }
0x44: {  	_ =	shalt  }
0x45: {  	_ =	shalt  }
0x46: {  	_ =	shalt  }
0x47: {  	_ =	shalt  }
0x48: {  	_ =	shalt  }
0x49: {  	_ =	shalt  }
0x4a: {  	_ =	shalt  }
0x4b: {  	_ =	shalt  }
0x4c: {  	_ =	shalt  }
0x4d: {  	_ =	shalt  }
0x4e: {  	_ =	shalt  }
0x4f: {  	_ =	shalt  }
0x50: {  	_ =	shalt  }
0x51: {  	_ =	shalt  }
0x52: {  	_ =	shalt  }
0x53: {  	_ =	shalt  }
0x54: {  	_ =	shalt  }
0x55: {  	_ =	shalt  }
0x56: {  	_ =	shalt  }
0x57: {  	_ =	shalt  }
0x58: {  	_ =	shalt  }
0x59: {  	_ =	shalt  }
0x5a: {  	_ =	shalt  }
0x5b: {  	_ =	shalt  }
0x5c: {  	_ =	shalt  }
0x5d: {  	_ =	shalt  }
0x5e: {  	_ =	shalt  }
0x5f: {  	_ =	shalt  }
0x60: {  	_ =	shalt  }
0x61: {  	_ =	shalt  }
0x62: {  	_ =	shalt  }
0x63: {  	_ =	shalt  }
0x64: {  	_ =	shalt  }
0x65: {  	_ =	shalt  }
0x66: {  	_ =	shalt  }
0x67: {  	_ =	shalt  }
0x68: {  	_ =	shalt  }
0x69: {  	_ =	shalt  }
0x6a: {  	_ =	shalt  }
0x6b: {  	_ =	shalt  }
0x6c: {  	_ =	shalt  }
0x6d: {  	_ =	shalt  }
0x6e: {  	_ =	shalt  }
0x6f: {  	_ =	shalt  }
0x70: {  	_ =	shalt  }
0x71: {  	_ =	shalt  }
0x72: {  	_ =	shalt  }
0x73: {  	_ =	shalt  }
0x74: {  	_ =	shalt  }
0x75: {  	_ =	shalt  }
0x76: {  	_ =	shalt  }
0x77: {  	_ =	shalt  }
0x78: {  	_ =	shalt  }
0x79: {  	_ =	shalt  }
0x7a: {  	_ =	shalt  }
0x7b: {  	_ =	shalt  }
0x7c: {  	_ =	shalt  }
0x7d: {  	_ =	shalt  }
0x7e: {  	_ =	shalt  }
0x7f: {  	_ =	shalt  }
0x80: {  	_ =	shalt  }
0x81: {  	_ =	shalt  }
0x82: {  	_ =	shalt  }
0x83: {  	_ =	shalt  }
0x84: {  	_ =	shalt  }
0x85: {  	_ =	shalt  }
0x86: {  	_ =	shalt  }
0x87: {  	_ =	shalt  }
.Lfunc_end0:
.L_simem_size_0:
called_computation_lowered:
.L_overlay_start_0:
0x88: {  	s2 =	sld [smem:$0x3FD9]  }
0x89: {  	s3 =	sld [smem:$0x3FFE];
	_ =	sdelay $0x1  }
0x8a: {  	s1 =	srdreg.scid  }
0x8b: {  	s0 =	sand.u32 $0x1, s1  }
0x8c: {  	s17 =	sshll.u32 s0, $0xA;
	s2 =	sadd.s32 s3, s2  }
0x8d: {  	s2 =	sadd.s32 s2, s17  }
0x8e: {  	[smem:$0x3FC0] =	sst s2  }
0x8f: {  	_ = 	snop  }
0x90: {  	(tm) =	ssettm $0x1  }
0x91: {  	s18 =	sld [smem:$0x3FFB];
	_ =	sdelay $0x3  }
0x92: {  	_ =	strace s18  }
0x93: {  	s2 =	sld [smem:$0x3FFC];
	_ =	sdelay $0x3  }
0x94: {  	_ =	strace s2  }
0x95: {  	s2 =	sld [smem:$0x3FFD];
	_ =	sdelay $0x3  }
0x96: {  	_ =	strace s2  }
0x97: {  	_ =	strace $0x8FFFFFFF  }
0x98: {  	s19 =	sld [smem:$0x3FDB];
	_ =	sdelay $0x1  }
0x99: {  	s20 =	simm.s32 $_scs_section_size  }
0x9a: {  	s4 =	simm.s32 $_size__tile_overlayer_lowered;
	s5 =	simm.s32 $_tile_overlayer_lowered  }
0x9b: {  	s6 =	simm.s32 $0x1BFF;
	s21 =	sshll.u32 s5, $0x1;
	s3 =	sadd.s32 s20, s19  }
0x9c: {  	s22 =	simm.s32 $0x0;
	s4 =	sshll.u32 s4, $0x1;
	s5 =	sadd.s32 s21, s3  }
0x9d: {  	[timem:s22], [sflag:s6] =	dma.local [hbm:s5], s4  }
0x9e: {  	_ =	swait.ge [sflag:s6], s4  }
0x9f: {  	s4 =	ssub.s32 $0x0, s4;
	[sflag:s6] =	ssyncset.done $0x0  }
0xa0: {  	[sflag:s6] =	ssyncadd.s32 s4;
	_ =	sdelay $0x1  }
0xa1: {  	s23 =	simm.s32 $0x1B8B  }
0xa2: {  	_ =	swait.ge [sflag:s23], $0x1  }
0xa3: {  	[sflag:s23] =	ssyncset.done $0x0  }
0xa4: {  	[sflag:s23] =	ssyncadd.s32 $0xFFFFFFFF  }
0xa5: {  	s4 =	sld [smem:$0x0]  }
0xa6: {  	s5 =	sand.u32 $0xFFFFFFFE, s1  }
0xa7: {  	p0 =	sne.s32 s1, s5  }
0xa8: {  	s5 =	sshll.u32 @p0 s5, $0xE  }
0xa9: {  	s5 =	sadd.s32 @p0 $0x11B8D, s5;
	s6 =	sshll.u32 @p0 s4, $0x11  }
0xaa: {  	s5 =	sor.u32 @p0 s6, s5  }
0xab: {  	[sflag:s5] =	ssyncadd.remote.s32 @p0 $0x1;
	_ =	sdelay $0x1  }
0xac: {  	s5 =	simm.s32 @p0 $0x1B8D  }
0xad: {  	_ =	swait.eq @p0 [sflag:s5], $0x1  }
0xae: {  	[sflag:s5] =	ssyncadd.s32 @p0 $0xFFFFFFFF  }
0xaf: {  	s6 =	sshll.u32 @!p0 s1, $0xE  }
0xb0: {  	s6 =	sor.u32 @!p0 $0x4000, s6;
	s5 =	simm.s32 @!p0 $0x1B8D  }
0xb1: {  	s4 =	sshll.u32 @!p0 s4, $0x11;
	s6 =	sadd.s32 @!p0 $0x11B8D, s6;
	_ =	swait.eq @!p0 [sflag:s5], $0x1  }
0xb2: {  	s4 =	sor.u32 @!p0 s4, s6;
	[sflag:s5] =	ssyncadd.s32 @!p0 $0xFFFFFFFF  }
0xb3: {  	s25 =	simm.s32 $0x1B8E;
	s24 =	sld [smem:$0x3FFE];
	[sflag:s4] =	ssyncadd.remote.s32 @!p0 $0x1  }
0xb4: {  	s26 =	simm.s32 $execute0_lowered;
	[smem:$0x3FD2] =	sst s25  }
0xb5: {  	s5 =	sshll.u32 s26, $0x1;
	_ =	strace $0x80000049;
	[dreg:$0x1] =	wrdreg $0xFFFFFFFF  }
0xb6: {  	s28 =	simm.s32 $_size_execute0_lowered;
	s3 =	sadd.s32 s3, s5;
	[dreg:$0x0] =	wrdreg $0x0  }
0xb7: {  	s5 =	sshll.u32 s28, $0x1;
	[dreg:$0x2] =	wrdreg s3  }
0xb8: {  	[dreg:$0x3] =	wrdreg s5  }
0xb9: {  	[dreg:$0x4] =	wrdreg $0xC0  }
0xba: {  	_ =	task [dreg:s22], $0x5FFFF  }
0xbb: {  	[dreg:$0x1] =	wrdreg $0xFFFFFFFF  }
0xbc: {  	[dreg:$0x0] =	wrdreg $0x60  }
0xbd: {  	[dreg:$0x2] =	wrdreg s24  }
0xbe: {  	[dreg:$0x3] =	wrdreg $0x90000  }
0xbf: {  	[dreg:$0x4] =	wrdreg $0x9  }
0xc0: {  	_ =	task.clear_ibuf [dreg:s22], $0x5FFFF;
	_ =	strace $0x90000049  }
0xc1: {  	s29 =	simm.s32 $0x9;
	_ =	strace $0x8000004B  }
0xc2: {  	_ =	swait.ge [sflag:s29], $0x1  }
0xc3: {  	[sflag:s29] =	ssyncadd.s32 $0xFFFFFFFF  }
0xc4: {  	_ =	strace $0x9000004B  }
0xc5: {  	_ =	sfence  }
0xc6: {  	s30 =	sld [smem:$0x0];
	_ =	sdelay $0x2  }
0xc7: {  	s31 =	sshll.u32 s1, $0xD;
	s1 =	sshrl.u32 s1, $0x2  }
0xc8: {  	s4 =	sand.u32 $0x4000, s31;
	s1 =	sadd.s32 s1, s30  }
0xc9: {  	s0 =	sor.u32 s4, s0;
	s1 =	sshll.u32 s1, $0x11  }
0xca: {  	s0 =	sor.u32 s1, s0  }
0xcb: {  	s0 =	sadd.s32 $0x8F2B, s0  }
0xcc: {  	[sflag:s0] =	ssyncadd.remote.s32 $0x1  }
0xcd: {  	_ =	sfence.sel $0xFFFF  }
0xce: {  	[dreg:$0x0] =	wrdreg $0xFFFFFFFF;
	(pc) =	sbr.abs _section_cstart, $3  }
0xcf: {  	[dreg:$0x1] =	wrdreg $0xFFFFFFFF  }
0xd0: {  	_ =	task.clear_ibuf [dreg:s22], $0x2FFFF;
	_ =	strace $0x9FFFFFFF  }
0xd1: {  	(tm) =	ssettm $0x7FFFFFFF  }
tec
execute0_lowered:
.L_overlay_start_1:
0x0: {  	(tag) =	ssettag $0x1  }
0x1: {  	s0 =	srdreg.scid;
	s19 =	stileid.u32  }
0x2: {  	s0 =	sand.u32 $0x1, s0;
	s3 =	sshll.u32 s19, $0x1  }
0x3: {  	s6 =	smul.u32 $0xA000, s19;
	s13 =	sor.u32 $0x10, s19;
	s21 =	sor.u32 $0x20, s19  }
0x4: {  	s15 =	sor.u32 $0x30, s19;
	s16 =	sor.u32 $0x40, s19;
	s17 =	sor.u32 $0x50, s19  }
0x5: {  	s18 =	sor.u32 $0x60, s19;
	s23 =	sor.u32 $0x70, s19;
	s19 =	smul.u32 $0x2800, s19  }
0x6: {  	s3 =	sor.u32 s0, s3;
	s4 =	ssub.s32 $0x2, s0;
	s0 =	smul.u32 $0x138800, s0  }
0x7: {  	s7 =	smul.u32 $0xA000, s13  }
0x8: {  	s8 =	smul.u32 $0xA000, s21  }
0x9: {  	s9 =	smul.u32 $0xA000, s15  }
0xa: {  	s10 =	smul.u32 $0xA000, s16  }
0xb: {  	s1 =	rddreg [dreg:$0x0];
	s11 =	smul.u32 $0xA000, s17  }
0xc: {  	s2 =	rddreg [dreg:$0x1];
	s26 =	simm.s32 $0x0;
	s12 =	smul.u32 $0xA000, s18  }
0xd: {  	s28 =	simm.s32 $0x1;
	s29 =	simm.s32 $0x2;
	s14 =	smul.u32 $0xA000, s23  }
0xe: {  	s30 =	simm.s32 $0x0;
	[smem:$0x7FF] =	sst s26;
	s25 =	smul.u32 $0x2800, s15  }
0xf: {  	_ =	strace $0x8000004A;
	s16 =	smul.u32 $0x2800, s16;
	p0 =	sgt.u32 s23, $0x7C  }
0x10: {  	s3 =	smul.u32 $0x500, s3;
	s5 =	sshrl.u32 s4, $0x1;
	s20 =	sshrl.u32 s6, $0x2  }
0x11: {  	s5 =	ssub.s32 s4, s5;
	s6 =	sadd.s32 s20, s2;
	s7 =	sshrl.u32 s7, $0x2  }
0x12: {  	s8 =	sshrl.u32 s8, $0x2;
	s9 =	sshrl.u32 s9, $0x2;
	s10 =	sshrl.u32 s10, $0x2  }
0x13: {  	s11 =	sshrl.u32 s11, $0x2;
	s12 =	sshrl.u32 s12, $0x2;
	s20 =	smul.u32 $0x2800, s13  }
0x14: {  	s14 =	sshrl.u32 s14, $0x2;
	s19 =	sadd.s32 s0, s19;
	s4 =	smul.u32 $0x2800, s17  }
0x15: {  	s16 =	sadd.s32 s0, s16;
	s3 =	sadd.s32 s3, s1;
	s1 =	sadd.s32 $0x64200, s1  }
0x16: {  	s5 =	smax.u32 s5, $0x1;
	s7 =	sadd.s32 s7, s2;
	s8 =	sadd.s32 s8, s2  }
0x17: {  	s9 =	sadd.s32 s9, s2;
	s10 =	sadd.s32 s10, s2;
	s11 =	sadd.s32 s11, s2  }
0x18: {  	s12 =	sadd.s32 s12, s2;
	s13 =	sadd.s32 s14, s2;
	s22 =	sshrl.u32 s19, $0x3  }
0x19: {  	s3 =	sadd.s32 $0x2000, s3;
	s14 =	sadd.s32 s1, s22;
	s22 =	smul.u32 $0x2800, s18  }
0x1a: {  	s24 =	sadd.s32 s0, s20;
	[dreg:$0x3] =	wrdreg s3;
	s3 =	smul.u32 $0x2800, s21  }
0x1b: {  	s31 =	sshrl.u32 s24, $0x3;
	s21 =	sadd.s32 s0, s25;
	s24 =	sshrl.u32 s16, $0x3  }
0x1c: {  	s25 =	sadd.s32 s0, s4;
	s15 =	sadd.s32 s1, s31;
	s17 =	sshrl.u32 s21, $0x3  }
0x1d: {  	s21 =	smul.u32 $0x2800, s23;
	s18 =	sadd.s32 s1, s24;
	s31 =	sadd.s32 s0, s22  }
0x1e: {  	s22 =	simm.s32 $0x3;
	s23 =	simm.s32 $0x6800;
	s24 =	simm.s32 $0x7D  }
0x1f: {  	s3 =	sadd.s32 s0, s3;
	s17 =	sadd.s32 s1, s17;
	s20 =	sshrl.u32 s31, $0x3  }
0x20: {  	s3 =	sshrl.u32 s3, $0x3;
	s0 =	sadd.s32 s0, s21;
	s20 =	sadd.s32 s1, s20  }
0x21: {  	s16 =	sadd.s32 s1, s3;
	s3 =	sshrl.u32 s25, $0x3;
	s0 =	sshrl.u32 s0, $0x3  }
0x22: {  	v0 =	vimm.f32 $1.000000000e+00;
	s25 =	simm.s32 $0x2800;
	s19 =	sadd.s32 s1, s3;
	s21 =	sadd.s32 s1, s0  }
.LBB2_1:
0x23: {  	s0 =	rddreg [dreg:$0x3]  }
0x24: {  	[tilespmem:s26], [sflag:$0x3] =	stream.linear.gather [hbm4b:s0+s26], $0x2800, $0x38;
	[tilespmem:$0x1C880] =	vst v63  }
0x25: {  	_ =	swait.ge [sflag:s22], $0x2800  }
0x26: {  	p1 =	por $0x0, $0x0;
	[sflag:s22] =	ssyncset.done $0x0  }
0x27: {  	v2 =	vimm.f32 @p1 $1.000000000e+00;
	[sflag:s22] =	ssyncadd.s32 $0xFFFFD800  }
0x28: {  	[tilespmem:s25+$0x60] =	vst @p1 v2  }
0x29: {  	[tilespmem:s25+$0x30] =	vst @p1 v2  }
0x2a: {  	[tilespmem:s25+$0x50] =	vst @p1 v2  }
0x2b: {  	[tilespmem:s25+$0x20] =	vst @p1 v2  }
0x2c: {  	[tilespmem:s25+$0x10] =	vst @p1 v2  }
0x2d: {  	[tilespmem:s25+$0x40] =	vst @p1 v2  }
0x2e: {  	s31 =	simm.s32 $0x6840;
	v1 =	vimm.f32 @!p1 $0.0e+00;
	[tilespmem:s25+$0x0] =	vst @p1 v2  }
0x2f: {  	v2 =	vimm.f32 @!p1 $1.000000000e+00;
	[tilespmem:s31+$0xFFFFFFC0] =	vst @!p1 v1  }
0x30: {  	[tilespmem:s25+$0x0] =	vst @!p1 v2  }
0x31: {  	[tilespmem:s31+$0xFFFFFFD0] =	vst @!p1 v1  }
0x32: {  	[tilespmem:s25+$0x10] =	vst @!p1 v2  }
0x33: {  	[tilespmem:s31+$0xFFFFFFE0] =	vst @!p1 v1  }
0x34: {  	[tilespmem:s25+$0x20] =	vst @!p1 v2  }
0x35: {  	[tilespmem:s31+$0xFFFFFFF0] =	vst @!p1 v1  }
0x36: {  	[tilespmem:s25+$0x30] =	vst @!p1 v2  }
0x37: {  	[tilespmem:s31+$0x0] =	vst @!p1 v1  }
0x38: {  	[tilespmem:s25+$0x40] =	vst @!p1 v2  }
0x39: {  	[tilespmem:s31+$0x10] =	vst @!p1 v1  }
0x3a: {  	[tilespmem:s25+$0x50] =	vst @!p1 v2  }
0x3b: {  	s1 =	simm.s32 $0x1;
	s0 =	simm.s32 @!p1 $0x2800;
	[tilespmem:s31+$0x20] =	vst @!p1 v1  }
0x3c: {  	s3 =	simm.s32 $0x2800;
	s26 =	simm.s32 $0x68C0;
	s0 =	smov.u32 @p1 s25;
	[tilespmem:s25+$0x60] =	vst @!p1 v2  }
.LBB2_2:
0x3d: {  	[tilespmem:s31+$0x30] =	vst @!p1 v1;
	p1 =	sgt.u32 s1, $0x4F;
	s3 =	sadd.s32 $0x80, s3  }
0x3e: {  	s4 =	smov.u32 s1;
	s1 =	sadd.s32 $0x1, s1;
	s31 =	smov.u32 s26  }
0x3f: {  	v2 =	vimm.f32 @p1 $1.000000000e+00;
	s4 =	sshll.u32 @!p1 s4, $0x7;
	p2 =	sne.s32 s1, $0x7D;
	[tilespmem:s0+$0x70] =	vst v0  }
0x40: {  	[tilespmem:s3+$0x60] =	vst @p1 v2;
	s0 =	sadd.s32 @!p1 $0x2800, s4  }
0x41: {  	[tilespmem:s3+$0x30] =	vst @p1 v2;
	s0 =	smov.u32 @p1 s3  }
0x42: {  	[tilespmem:s3+$0x50] =	vst @p1 v2  }
0x43: {  	[tilespmem:s3+$0x20] =	vst @p1 v2  }
0x44: {  	[tilespmem:s3+$0x10] =	vst @p1 v2  }
0x45: {  	v1 =	vimm.f32 @!p1 $0.0e+00;
	[tilespmem:s3+$0x40] =	vst @p1 v2  }
0x46: {  	[tilespmem:s3+$0x0] =	vst @p1 v2;
	v2 =	vimm.f32 @!p1 $1.000000000e+00  }
0x47: {  	[tilespmem:s26+$0xFFFFFFC0] =	vst @!p1 v1  }
0x48: {  	[tilespmem:s3+$0x0] =	vst @!p1 v2  }
0x49: {  	[tilespmem:s26+$0xFFFFFFD0] =	vst @!p1 v1  }
0x4a: {  	[tilespmem:s3+$0x10] =	vst @!p1 v2  }
0x4b: {  	[tilespmem:s26+$0xFFFFFFE0] =	vst @!p1 v1  }
0x4c: {  	[tilespmem:s3+$0x20] =	vst @!p1 v2  }
0x4d: {  	[tilespmem:s26+$0xFFFFFFF0] =	vst @!p1 v1  }
0x4e: {  	[tilespmem:s3+$0x30] =	vst @!p1 v2  }
0x4f: {  	[tilespmem:s26+$0x0] =	vst @!p1 v1  }
.Ltmp0:
0x50: {  	[tilespmem:s3+$0x40] =	vst @!p1 v2;
	(pc) =	sbr.rel @p2 .LBB2_2-.Ltmp0, $4  }
0x51: {  	[tilespmem:s26+$0x10] =	vst @!p1 v1  }
0x52: {  	[tilespmem:s3+$0x50] =	vst @!p1 v2  }
0x53: {  	[tilespmem:s26+$0x20] =	vst @!p1 v1  }
0x54: {  	s26 =	sadd.s32 $0x80, s26;
	[tilespmem:s3+$0x60] =	vst @!p1 v2  }
0x55: {  	[tilespmem:s31+$0x30] =	vst @!p1 v1  }
0x56: {  	[tilespmem:s0+$0x70] =	vst v0  }
0x57: {  	[spmem:s6] =	stream.linear.scatter [tilespmem:s23], [sflag:$0x3], $0x2800, $0x38;
	[tilespmem:$0x1C880] =	vst v63  }
0x58: {  	_ =	swait.ge [sflag:s22], $0x2800  }
0x59: {  	[sflag:s22] =	ssyncset.done $0x0  }
0x5a: {  	[sflag:s22] =	ssyncadd.s32 $0xFFFFD800  }
0x5b: {  	[spmem:s7] =	stream.linear.scatter [tilespmem:s23], [sflag:$0x3], $0x2800, $0x38;
	[tilespmem:$0x1C880] =	vst v63  }
0x5c: {  	_ =	swait.ge [sflag:s22], $0x2800  }
0x5d: {  	[sflag:s22] =	ssyncset.done $0x0  }
0x5e: {  	[sflag:s22] =	ssyncadd.s32 $0xFFFFD800  }
0x5f: {  	[spmem:s8] =	stream.linear.scatter [tilespmem:s23], [sflag:$0x3], $0x2800, $0x38;
	[tilespmem:$0x1C880] =	vst v63  }
0x60: {  	_ =	swait.ge [sflag:s22], $0x2800  }
0x61: {  	[sflag:s22] =	ssyncset.done $0x0  }
0x62: {  	[sflag:s22] =	ssyncadd.s32 $0xFFFFD800  }
0x63: {  	[spmem:s9] =	stream.linear.scatter [tilespmem:s23], [sflag:$0x3], $0x2800, $0x38;
	[tilespmem:$0x1C880] =	vst v63  }
0x64: {  	_ =	swait.ge [sflag:s22], $0x2800  }
0x65: {  	[sflag:s22] =	ssyncset.done $0x0  }
0x66: {  	[sflag:s22] =	ssyncadd.s32 $0xFFFFD800  }
0x67: {  	[spmem:s10] =	stream.linear.scatter [tilespmem:s23], [sflag:$0x3], $0x2800, $0x38;
	[tilespmem:$0x1C880] =	vst v63  }
0x68: {  	_ =	swait.ge [sflag:s22], $0x2800  }
0x69: {  	[sflag:s22] =	ssyncset.done $0x0  }
0x6a: {  	[sflag:s22] =	ssyncadd.s32 $0xFFFFD800  }
0x6b: {  	[spmem:s11] =	stream.linear.scatter [tilespmem:s23], [sflag:$0x3], $0x2800, $0x38;
	[tilespmem:$0x1C880] =	vst v63  }
0x6c: {  	_ =	swait.ge [sflag:s22], $0x2800  }
0x6d: {  	[sflag:s22] =	ssyncset.done $0x0  }
0x6e: {  	[sflag:s22] =	ssyncadd.s32 $0xFFFFD800  }
0x6f: {  	[spmem:s12] =	stream.linear.scatter [tilespmem:s23], [sflag:$0x3], $0x2800, $0x38;
	[tilespmem:$0x1C880] =	vst v63  }
0x70: {  	_ =	swait.ge [sflag:s22], $0x2800  }
0x71: {  	[sflag:s22] =	ssyncset.done $0x0  }
0x72: {  	s0 =	simm.s32 @!p0 $0x6800;
	[sflag:s22] =	ssyncadd.s32 $0xFFFFD800  }
0x73: {  	[spmem:s13] =	stream.linear.scatter @!p0 [tilespmem:s0], [sflag:$0x3], $0x2800, $0x38;
	[tilespmem:$0x1C880] =	vst v63  }
0x74: {  	s0 =	simm.s32 @!p0 $0x3  }
0x75: {  	_ =	swait.ge @!p0 [sflag:s0], $0x2800  }
0x76: {  	[sflag:s0] =	ssyncset.done @!p0 $0x0  }
0x77: {  	[sflag:s0] =	ssyncadd.s32 @!p0 $0xFFFFD800  }
0x78: {  	s26 =	simm.s32 $0x0;
	[bflag:$0x0] =	sbarrier.arrive $0xFFFF  }
0x79: {  	[spmem:s2] =	stream.indirect.scatter.add.f32 [tilespmem:s25], [sflag:$0x1], $0x80, s26, s24, $0xb8;
	[tilespmem:$0x1C880] =	vst v63  }
0x7a: {  	s4 =	simm.s32 $0x80  }
0x7b: {  	[spmem:s2] =	stream.indirect.scatter.add.f32 [tilespmem:s25], [sflag:$0x2], $0x80, s4, s24, $0xb8;
	[tilespmem:$0x1C880] =	vst v63  }
0x7c: {  	_ =	swait.ge [sflag:s28], $0x3E80  }
0x7d: {  	[sflag:s28] =	ssyncset.done $0x0  }
0x7e: {  	s31 =	simm.s32 $0x100;
	[sflag:s28] =	ssyncadd.s32 $0xFFFFC180  }
0x7f: {  	[spmem:s2] =	stream.indirect.scatter.add.f32 [tilespmem:s25], [sflag:$0x1], $0x80, s31, s24, $0xb8;
	[tilespmem:$0x1C880] =	vst v63  }
0x80: {  	_ =	swait.ge [sflag:s29], $0x3E80  }
0x81: {  	[sflag:s29] =	ssyncset.done $0x0  }
0x82: {  	s1 =	simm.s32 $0x180;
	s0 =	simm.s32 $0xFFFF6800;
	[sflag:s29] =	ssyncadd.s32 $0xFFFFC180  }
.LBB2_4:
0x83: {  	[spmem:s2] =	stream.indirect.scatter.add.f32 [tilespmem:s25], [sflag:$0x2], $0x80, s1, s24, $0xb8;
	[tilespmem:$0x1C880] =	vst v63  }
0x84: {  	s1 =	smov.u32 s0  }
0x85: {  	p1 =	sne.s32 s0, $0xFFFFFC00;
	s0 =	sadd.s32 $0x400, s0;
	_ =	swait.ge [sflag:s28], $0x3E80  }
0x86: {  	s1 =	sshra.s32 s1, $0x2;
	[sflag:s28] =	ssyncset.done $0x0  }
.Ltmp1:
0x87: {  	s3 =	sadd.s32 $0x2800, s1;
	[sflag:s28] =	ssyncadd.s32 $0xFFFFC180;
	(pc) =	sbr.rel @p1 .LBB2_4-.Ltmp1, $4  }
0x88: {  	[spmem:s2] =	stream.indirect.scatter.add.f32 [tilespmem:s25], [sflag:$0x1], $0x80, s3, s24, $0xb8;
	[tilespmem:$0x1C880] =	vst v63  }
0x89: {  	_ =	swait.ge [sflag:s29], $0x3E80  }
0x8a: {  	[sflag:s29] =	ssyncset.done $0x0  }
0x8b: {  	s1 =	sadd.s32 $0x2880, s1;
	[sflag:s29] =	ssyncadd.s32 $0xFFFFC180  }
0x8c: {  	[spmem:s2] =	stream.indirect.scatter.add.f32 [tilespmem:s25], [sflag:$0x2], $0x80, s1, s24, $0xb8;
	[tilespmem:$0x1C880] =	vst v63  }
0x8d: {  	_ =	swait.ge [sflag:s28], $0x3E80  }
0x8e: {  	[sflag:s28] =	ssyncset.done $0x0  }
0x8f: {  	[sflag:s28] =	ssyncadd.s32 $0xFFFFC180  }
0x90: {  	_ =	swait.ge [sflag:s29], $0x3E80  }
0x91: {  	s0 =	stileid.u32;
	[sflag:s29] =	ssyncset.done $0x0  }
0x92: {  	s0 =	sshll.u32 s0, $0x6;
	[sflag:s29] =	ssyncadd.s32 $0xFFFFC180  }
0x93: {  	s31 =	sshrl.u32 s6, $0x3;
	s0 =	sor.u32 $0x1C03, s0;
	[bflag:$0x0] =	sbarrier.arrive $0xFFFF  }
0x94: {  	[hbm:s14], [sflag:s0] =	dma.local [spmem:s31], $0x500  }
0x95: {  	_ =	swait.ge [sflag:s22], $0x500  }
0x96: {  	[sflag:s22] =	ssyncset.done $0x0  }
0x97: {  	s3 =	sshrl.u32 s7, $0x3;
	[sflag:s22] =	ssyncadd.s32 $0xFFFFFB00  }
0x98: {  	[hbm:s15], [sflag:s0] =	dma.local [spmem:s3], $0x500  }
0x99: {  	_ =	swait.ge [sflag:s22], $0x500  }
0x9a: {  	[sflag:s22] =	ssyncset.done $0x0  }
0x9b: {  	s4 =	sshrl.u32 s8, $0x3;
	[sflag:s22] =	ssyncadd.s32 $0xFFFFFB00  }
0x9c: {  	[hbm:s16], [sflag:s0] =	dma.local [spmem:s4], $0x500  }
0x9d: {  	_ =	swait.ge [sflag:s22], $0x500  }
0x9e: {  	[sflag:s22] =	ssyncset.done $0x0  }
0x9f: {  	s31 =	sshrl.u32 s9, $0x3;
	[sflag:s22] =	ssyncadd.s32 $0xFFFFFB00  }
0xa0: {  	[hbm:s17], [sflag:s0] =	dma.local [spmem:s31], $0x500  }
0xa1: {  	_ =	swait.ge [sflag:s22], $0x500  }
0xa2: {  	[sflag:s22] =	ssyncset.done $0x0  }
0xa3: {  	s3 =	sshrl.u32 s10, $0x3;
	[sflag:s22] =	ssyncadd.s32 $0xFFFFFB00  }
0xa4: {  	[hbm:s18], [sflag:s0] =	dma.local [spmem:s3], $0x500  }
0xa5: {  	_ =	swait.ge [sflag:s22], $0x500  }
0xa6: {  	[sflag:s22] =	ssyncset.done $0x0  }
0xa7: {  	s4 =	sshrl.u32 s11, $0x3;
	[sflag:s22] =	ssyncadd.s32 $0xFFFFFB00  }
0xa8: {  	[hbm:s19], [sflag:s0] =	dma.local [spmem:s4], $0x500  }
0xa9: {  	_ =	swait.ge [sflag:s22], $0x500  }
0xaa: {  	[sflag:s22] =	ssyncset.done $0x0  }
0xab: {  	s31 =	sshrl.u32 s12, $0x3;
	[sflag:s22] =	ssyncadd.s32 $0xFFFFFB00  }
0xac: {  	[hbm:s20], [sflag:s0] =	dma.local [spmem:s31], $0x500  }
0xad: {  	_ =	swait.ge [sflag:s22], $0x500  }
0xae: {  	s30 =	sadd.s32 $0x1, s30;
	[sflag:s22] =	ssyncset.done $0x0  }
0xaf: {  	s1 =	sshrl.u32 @!p0 s13, $0x3;
	p1 =	sne.s32 s30, s5;
	[sflag:s22] =	ssyncadd.s32 $0xFFFFFB00  }
0xb0: {  	[hbm:s21], [sflag:s0] =	dma.local @!p0 [spmem:s1], $0x500  }
.Ltmp2:
0xb1: {  	_ = 	snop;
	(pc) =	sbr.rel @p1 .LBB2_1-.Ltmp2, $4  }
0xb2: {  	s0 =	simm.s32 @!p0 $0x3  }
0xb3: {  	_ =	swait.ge @!p0 [sflag:s0], $0x500  }
0xb4: {  	[sflag:s0] =	ssyncset.done @!p0 $0x0  }
0xb5: {  	[sflag:s0] =	ssyncadd.s32 @!p0 $0xFFFFFB00  }
0xb6: {  	_ =	sfence.sel $0x180000  }
0xb7: {  	[bflag:$0x0] =	sbarrier.arrive $0xFFFF  }
0xb8: {  	_ =	strace $0x9000004A  }
0xb9: {  	s0 =	stileid.u32;
	[bflag:$0x2] =	sbarrier.arrive $0xFFFF  }
0xba: {  	p0 =	sne.s32 s0, $0x0;
	s0 =	rddreg [dreg:$0x2]  }
0xbb: {  	s0 =	sadd.s32 @!p0 $0x100000, s0  }
0xbc: {  	[sflag:s0] =	ssyncadd.tile.s32 @!p0 $0x1;
	_ =	shalt  }
.Lfunc_end2:
_tile_overlayer_lowered:
.L_overlay_start_2:
0xbd: {  	(tag) =	ssettag $0x2  }
0xbe: {  	s0 =	rddreg [dreg:$0x0];
	s2 =	stileid.u32  }
0xbf: {  	s1 =	rddreg [dreg:$0x1];
	p0 =	sne.s32 s2, $0x0  }
0xc0: {  	s3 =	rddreg [dreg:$0x2];
	[bflag:$0x3] =	sbarrier.arrive $0xFFFF;
	s2 =	simm.s32 @!p0 $0x1C03  }
0xc1: {  	[timem:s3], [sflag:s2] =	dma.local @!p0 [hbm:s0], s1  }
0xc2: {  	s0 =	simm.s32 @!p0 $0x3  }
0xc3: {  	_ =	swait.ge @!p0 [sflag:s0], s1  }
0xc4: {  	s1 =	ssub.s32 @!p0 $0x0, s1;
	[sflag:s0] =	ssyncset.done @!p0 $0x0  }
0xc5: {  	[sflag:s0] =	ssyncadd.s32 @!p0 s1  }
0xc6: {  	[bflag:$0x3] =	sbarrier.arrive $0xFFFF  }
0xc7: {  	_ =	shalt  }

</sc_bundles>
